<compile_context>
chip_gen: v7x
topology: tpu7x:2x2x1
jax: 0.10.2.dev20260603
libtpu: 0.0.44.dev20260713+nightly
codegen_flags: <defaults>
</compile_context>

<pallas_src>
import functools

import jax
import jax.numpy as jnp
from jax import lax
from jax.experimental import pallas as pl
from jax.experimental.pallas import tpu as pltpu, tpu_sc as plsc

B = 1024
F = 16384
U = 4096
A = 8
L = 16
GBLK = 4


def _sc_kernel():
    info = plsc.get_sparse_core_info()
    nw = info.num_cores * info.num_subcores
    cw = U // nw
    nsteps = cw // GBLK
    mesh = plsc.VectorSubcoreMesh(core_axis_name="c", subcore_axis_name="s")

    @functools.partial(
        pl.kernel,
        out_type=jax.ShapeDtypeStruct((U, B), jnp.float32),
        mesh=mesh,
        scratch_types=dict(
            idx_v=pltpu.VMEM((nsteps, GBLK * A), jnp.int32),
            wb_v=pltpu.VMEM((cw * A * L,), jnp.float32),
            bias_v=pltpu.VMEM((cw * L,), jnp.float32),
            g0=pltpu.VMEM((GBLK * A, B), jnp.float32),
            g1=pltpu.VMEM((GBLK * A, B), jnp.float32),
            o0=pltpu.VMEM((GBLK, B), jnp.float32),
            o1=pltpu.VMEM((GBLK, B), jnp.float32),
            sg0=pltpu.SemaphoreType.DMA,
            sg1=pltpu.SemaphoreType.DMA,
            so0=pltpu.SemaphoreType.DMA,
            so1=pltpu.SemaphoreType.DMA,
        ),
        compiler_params=pltpu.CompilerParams(needs_layout_passes=False),
    )
    def k(xt_hbm, idx_hbm, wb_hbm, bias_hbm, out_hbm, *, idx_v, wb_v,
          bias_v, g0, g1, o0, o1, sg0, sg1, so0, so1):
        wid = lax.axis_index("s") * info.num_cores + lax.axis_index("c")
        cbase = wid * cw
        gb = [g0, g1]
        ob = [o0, o1]
        sg = [sg0, sg1]
        so = [so0, so1]

        pltpu.sync_copy(idx_hbm.at[pl.ds(wid * nsteps, nsteps)], idx_v)
        pltpu.sync_copy(wb_hbm.at[pl.ds(wid * cw * A * L, cw * A * L)], wb_v)
        pltpu.sync_copy(bias_hbm.at[pl.ds(wid * cw * L, cw * L)], bias_v)

        for s in range(2):
            pltpu.async_copy(xt_hbm.at[idx_v.at[s]], gb[s], sg[s])

        @pl.loop(0, nsteps, step=2)
        def _steps(s0):
            for bsel in range(2):
                s = s0 + bsel
                pltpu.make_async_copy(xt_hbm.at[idx_v.at[s]], gb[bsel],
                                      sg[bsel]).wait()

                @pl.when(s >= 2)
                def _():
                    pltpu.make_async_copy(ob[bsel], out_hbm.at[pl.ds(0, GBLK)],
                                          so[bsel]).wait()

                for bl in range(GBLK):
                    cofs = s * GBLK + bl
                    wv = [wb_v[pl.ds((cofs * A + j) * L, L)] for j in range(A)]
                    bv = bias_v[pl.ds(cofs * L, L)]

                    @plsc.parallel_loop(0, B, step=L, unroll=4)
                    def _bt(i):
                        acc = bv
                        for j in range(A):
                            acc = acc + wv[j] * gb[bsel][bl * A + j,
                                                         pl.ds(i, L)]
                        ob[bsel][bl, pl.ds(i, L)] = acc

                @pl.when(s + 2 < nsteps)
                def _():
                    pltpu.async_copy(xt_hbm.at[idx_v.at[s + 2]], gb[bsel],
                                     sg[bsel])

                pltpu.async_copy(
                    ob[bsel], out_hbm.at[pl.ds(cbase + s * GBLK, GBLK)],
                    so[bsel])

        for bsel in range(2):
            pltpu.make_async_copy(ob[bsel], out_hbm.at[pl.ds(0, GBLK)],
                                  so[bsel]).wait()

    return k


def kernel(inputs, indices, kernel, bias):
    idx = indices.astype(jnp.int32)
    rows_b = idx[:, 0].reshape(U, A)
    cols = idx[::A, 1]
    w_b = kernel.reshape(U, A).astype(jnp.float32)
    rows_by_col = jnp.zeros((U, A), jnp.int32).at[cols].set(rows_b)
    w_by_col = jnp.zeros((U, A), jnp.float32).at[cols].set(w_b)
    idx_flat = rows_by_col.reshape(U * A).reshape(-1, GBLK * A)
    wb = jnp.broadcast_to(w_by_col.reshape(U * A, 1), (U * A, L)).reshape(-1)
    bias_b = jnp.broadcast_to(
        bias.astype(jnp.float32).reshape(U, 1), (U, L)).reshape(-1)
    xt = inputs.T
    out_t = _sc_kernel()(xt, idx_flat, wb, bias_b)
    return out_t.T

# --- scband reference (transcript-rebuilt; emitter-appended) ---
"""Pipeline reference for scband-pure-sparse-layer-58634893525466 (READ-ONLY COPY).

The authoritative reference and input builder live on the scoring server;
editing this copy changes nothing except your own understanding.
"""

import jax, jax.numpy as jnp
import numpy as np

IN_FEATURES = 16384
UNITS = 4096
ALPHA = 8
BATCH = 1024


def _build_indices(rng):
    # Faithful replication of build() with full='output':
    # n_sparse_parameters = alpha * units, for_each_column = alpha, remain = 0
    n_sparse = ALPHA * UNITS
    for_each_column = n_sparse // UNITS  # == ALPHA
    remain = n_sparse % UNITS  # == 0
    remain_index = rng.choice(UNITS, remain, replace=False)
    column_indexs = rng.choice(UNITS, UNITS, replace=False)
    total = []
    for column_index in column_indexs:
        if column_index in remain_index:
            row_indexs = rng.choice(IN_FEATURES, for_each_column + 1, replace=False)
        else:
            row_indexs = rng.choice(IN_FEATURES, for_each_column, replace=False)
        total.append(np.stack([row_indexs, column_index * np.ones_like(row_indexs)], axis=1))
    return np.concatenate(total, axis=0).astype(np.int64)  # [nnz, 2] (row, col)


def setup_inputs(seed: int = 0) -> dict:
    key = jax.random.key(seed)
    k_x, k_w = jax.random.split(key)
    inputs = jax.random.normal(k_x, (BATCH, IN_FEATURES), dtype=jnp.float32)
    rng = np.random.default_rng(0)
    indices = jnp.asarray(_build_indices(rng))
    n_sparse = ALPHA * UNITS
    # glorot_uniform on 1-D shape (n,): fan_in = fan_out = n -> limit = sqrt(3/n)
    limit = float(np.sqrt(3.0 / n_sparse))
    kernel = jax.random.uniform(k_w, (n_sparse,), minval=-limit, maxval=limit, dtype=jnp.float32)
    bias = jnp.zeros((UNITS,), dtype=jnp.float32)
    return {"inputs": inputs, "indices": indices, "kernel": kernel, "bias": bias}


def reference(inputs, indices, kernel, bias):
    rows = indices[:, 0]
    cols = indices[:, 1]
    # sparse_dense_matmul: out[b, c] += inputs[b, r] * kernel[e] for each nnz e=(r,c)
    contrib = inputs[:, rows] * kernel[None, :]  # [B, nnz] gather
    out = jnp.zeros((inputs.shape[0], bias.shape[0]), dtype=inputs.dtype)
    out = out.at[:, cols].add(contrib)  # scatter-add over output columns
    out = out + bias
    return out

if __name__ == "__main__":
    import jax
    _d = setup_inputs()
    print(jax.jit(kernel)(*tuple(_d.values())))

</pallas_src>

<mosaic_0001>
#map = affine_map<(d0, d1) -> (0, 0)>
#map1 = affine_map<(d0, d1) -> (0)>
module attributes {stable_mosaic.version = 14 : i64} {
  func.func @k(%arg0: i32, %arg1: i32, %arg2: memref<16384x1024xf32, #tpu.memory_space<hbm>>, %arg3: memref<1024x32xi32, #tpu.memory_space<hbm>>, %arg4: memref<524288xf32, #tpu.memory_space<hbm>>, %arg5: memref<65536xf32, #tpu.memory_space<hbm>>, %arg6: memref<4096x1024xf32, #tpu.memory_space<hbm>>, %arg7: memref<2048xf32, #tpu.memory_space<vmem>>, %arg8: memref<32x1024xf32, #tpu.memory_space<vmem>>, %arg9: memref<32x1024xf32, #tpu.memory_space<vmem>>, %arg10: memref<32x32xi32, #tpu.memory_space<vmem>>, %arg11: memref<4x1024xf32, #tpu.memory_space<vmem>>, %arg12: memref<4x1024xf32, #tpu.memory_space<vmem>>, %arg13: memref<!tpu.dma_semaphore, #tpu.memory_space<semaphore_mem>>, %arg14: memref<!tpu.dma_semaphore, #tpu.memory_space<semaphore_mem>>, %arg15: memref<!tpu.dma_semaphore, #tpu.memory_space<semaphore_mem>>, %arg16: memref<!tpu.dma_semaphore, #tpu.memory_space<semaphore_mem>>, %arg17: memref<16384xf32, #tpu.memory_space<vmem>>) attributes {dimension_semantics = [#tpu.dimension_semantics<core_parallel>, #tpu.dimension_semantics<subcore_parallel>], iteration_bounds = array<i64: 2, 16>, scalar_prefetch = 0 : i64, scratch_operands = 11 : i64, tpu.core_type = #tpu.core_type<sc_vector_subcore>, window_params = [{transform_indices = #map}, {transform_indices = #map}, {transform_indices = #map1}, {transform_indices = #map1}, {transform_indices = #map}]} {
    %mul3A = arith.constant 2 : i32
    %mul3A_0 = arith.muli %arg1, %mul3A : i32
    %add3A = arith.addi %mul3A_0, %arg0 : i32
    %mul3A_1 = arith.constant 128 : i32
    %mul3A_2 = arith.muli %add3A, %mul3A_1 : i32
    %mul3A_3 = arith.constant 32 : i32
    %mul3A_4 = arith.muli %add3A, %mul3A_3 : i32
    "tpu.region"() ({
      %run_scoped3A = tpu.sem_alloc : memref<!tpu.dma_semaphore, #tpu.memory_space<semaphore_mem>>
      %dma_start3A_43 = arith.constant 0 : i32
      %dma_start3A_44 = tpu.memref_slice %arg3[%mul3A_4, %dma_start3A_43] : memref<1024x32xi32, #tpu.memory_space<hbm>> -> memref<32x32xi32, #tpu.memory_space<hbm>>
      %dma_start3A_45 = arith.constant 0 : i32
      %dma_start3A_46 = tpu.memref_slice %arg3[%mul3A_4, %dma_start3A_45] : memref<1024x32xi32, #tpu.memory_space<hbm>> -> memref<32x32xi32, #tpu.memory_space<hbm>>
      tpu.enqueue_dma source(%dma_start3A_46 : memref<32x32xi32, #tpu.memory_space<hbm>>) target(%arg10 : memref<32x32xi32, #tpu.memory_space<vmem>>) target_semaphore(%run_scoped3A : memref<!tpu.dma_semaphore, #tpu.memory_space<semaphore_mem>>)
      %dma_wait3A_47 = arith.constant 0 : i32
      %dma_wait3A_48 = tpu.memref_slice %arg3[%mul3A_4, %dma_wait3A_47] : memref<1024x32xi32, #tpu.memory_space<hbm>> -> memref<32x32xi32, #tpu.memory_space<hbm>>
      %dma_wait3A_49 = arith.constant 0 : i32
      %dma_wait3A_50 = tpu.memref_slice %arg3[%mul3A_4, %dma_wait3A_49] : memref<1024x32xi32, #tpu.memory_space<hbm>> -> memref<32x32xi32, #tpu.memory_space<hbm>>
      tpu.wait_dma2 semaphore(%run_scoped3A : memref<!tpu.dma_semaphore, #tpu.memory_space<semaphore_mem>>) src(%dma_wait3A_50 : memref<32x32xi32, #tpu.memory_space<hbm>>) dst(%arg10 : memref<32x32xi32, #tpu.memory_space<vmem>>)
      tpu.yield
    }) : () -> ()
    %mul3A_5 = arith.constant 128 : i32
    %mul3A_6 = arith.muli %add3A, %mul3A_5 : i32
    %mul3A_7 = arith.constant 8 : i32
    %mul3A_8 = arith.muli %mul3A_6, %mul3A_7 : i32
    %mul3A_9 = arith.constant 16 : i32
    %mul3A_10 = arith.muli %mul3A_8, %mul3A_9 : i32
    "tpu.region"() ({
      %run_scoped3A = tpu.sem_alloc : memref<!tpu.dma_semaphore, #tpu.memory_space<semaphore_mem>>
      %dma_start3A_43 = tpu.memref_slice %arg4[%mul3A_10] : memref<524288xf32, #tpu.memory_space<hbm>> -> memref<16384xf32, #tpu.memory_space<hbm>>
      %dma_start3A_44 = tpu.memref_slice %arg4[%mul3A_10] : memref<524288xf32, #tpu.memory_space<hbm>> -> memref<16384xf32, #tpu.memory_space<hbm>>
      tpu.enqueue_dma source(%dma_start3A_44 : memref<16384xf32, #tpu.memory_space<hbm>>) target(%arg17 : memref<16384xf32, #tpu.memory_space<vmem>>) target_semaphore(%run_scoped3A : memref<!tpu.dma_semaphore, #tpu.memory_space<semaphore_mem>>)
      %dma_wait3A_45 = tpu.memref_slice %arg4[%mul3A_10] : memref<524288xf32, #tpu.memory_space<hbm>> -> memref<16384xf32, #tpu.memory_space<hbm>>
      %dma_wait3A_46 = tpu.memref_slice %arg4[%mul3A_10] : memref<524288xf32, #tpu.memory_space<hbm>> -> memref<16384xf32, #tpu.memory_space<hbm>>
      tpu.wait_dma2 semaphore(%run_scoped3A : memref<!tpu.dma_semaphore, #tpu.memory_space<semaphore_mem>>) src(%dma_wait3A_46 : memref<16384xf32, #tpu.memory_space<hbm>>) dst(%arg17 : memref<16384xf32, #tpu.memory_space<vmem>>)
      tpu.yield
    }) : () -> ()
    %mul3A_11 = arith.constant 128 : i32
    %mul3A_12 = arith.muli %add3A, %mul3A_11 : i32
    %mul3A_13 = arith.constant 16 : i32
    %mul3A_14 = arith.muli %mul3A_12, %mul3A_13 : i32
    "tpu.region"() ({
      %run_scoped3A = tpu.sem_alloc : memref<!tpu.dma_semaphore, #tpu.memory_space<semaphore_mem>>
      %dma_start3A_43 = tpu.memref_slice %arg5[%mul3A_14] : memref<65536xf32, #tpu.memory_space<hbm>> -> memref<2048xf32, #tpu.memory_space<hbm>>
      %dma_start3A_44 = tpu.memref_slice %arg5[%mul3A_14] : memref<65536xf32, #tpu.memory_space<hbm>> -> memref<2048xf32, #tpu.memory_space<hbm>>
      tpu.enqueue_dma source(%dma_start3A_44 : memref<2048xf32, #tpu.memory_space<hbm>>) target(%arg7 : memref<2048xf32, #tpu.memory_space<vmem>>) target_semaphore(%run_scoped3A : memref<!tpu.dma_semaphore, #tpu.memory_space<semaphore_mem>>)
      %dma_wait3A_45 = tpu.memref_slice %arg5[%mul3A_14] : memref<65536xf32, #tpu.memory_space<hbm>> -> memref<2048xf32, #tpu.memory_space<hbm>>
      %dma_wait3A_46 = tpu.memref_slice %arg5[%mul3A_14] : memref<65536xf32, #tpu.memory_space<hbm>> -> memref<2048xf32, #tpu.memory_space<hbm>>
      tpu.wait_dma2 semaphore(%run_scoped3A : memref<!tpu.dma_semaphore, #tpu.memory_space<semaphore_mem>>) src(%dma_wait3A_46 : memref<2048xf32, #tpu.memory_space<hbm>>) dst(%arg7 : memref<2048xf32, #tpu.memory_space<vmem>>)
      tpu.yield
    }) : () -> ()
    %dma_start3A = arith.constant 0 : i32
    %dma_start3A_15 = arith.constant 0 : i32
    %dma_start3A_16 = tpu.memref_slice %arg10[%dma_start3A, %dma_start3A_15] : memref<32x32xi32, #tpu.memory_space<vmem>> -> memref<1x32xi32, #tpu.memory_space<vmem>>
    %dma_start3A_17 = tpu.memref_squeeze %dma_start3A_16 : memref<1x32xi32, #tpu.memory_space<vmem>> -> memref<32xi32, #tpu.memory_space<vmem>>
    %dma_start3A_18 = arith.constant 0 : i32
    %dma_start3A_19 = arith.constant 0 : i32
    %dma_start3A_20 = tpu.memref_slice %arg2[%dma_start3A_18, %dma_start3A_19] : memref<16384x1024xf32, #tpu.memory_space<hbm>> -> memref<16384x1024xf32, #tpu.memory_space<hbm>>
    tpu.enqueue_indirect_dma source(%dma_start3A_20 : memref<16384x1024xf32, #tpu.memory_space<hbm>>) target(%arg8 : memref<32x1024xf32, #tpu.memory_space<vmem>>) offsets(%dma_start3A_17 : memref<32xi32, #tpu.memory_space<vmem>>) semaphore(%arg13 : memref<!tpu.dma_semaphore, #tpu.memory_space<semaphore_mem>>)
    %dma_start3A_21 = arith.constant 1 : i32
    %dma_start3A_22 = arith.constant 0 : i32
    %dma_start3A_23 = tpu.memref_slice %arg10[%dma_start3A_21, %dma_start3A_22] : memref<32x32xi32, #tpu.memory_space<vmem>> -> memref<1x32xi32, #tpu.memory_space<vmem>>
    %dma_start3A_24 = tpu.memref_squeeze %dma_start3A_23 : memref<1x32xi32, #tpu.memory_space<vmem>> -> memref<32xi32, #tpu.memory_space<vmem>>
    %dma_start3A_25 = arith.constant 0 : i32
    %dma_start3A_26 = arith.constant 0 : i32
    %dma_start3A_27 = tpu.memref_slice %arg2[%dma_start3A_25, %dma_start3A_26] : memref<16384x1024xf32, #tpu.memory_space<hbm>> -> memref<16384x1024xf32, #tpu.memory_space<hbm>>
    tpu.enqueue_indirect_dma source(%dma_start3A_27 : memref<16384x1024xf32, #tpu.memory_space<hbm>>) target(%arg9 : memref<32x1024xf32, #tpu.memory_space<vmem>>) offsets(%dma_start3A_24 : memref<32xi32, #tpu.memory_space<vmem>>) semaphore(%arg14 : memref<!tpu.dma_semaphore, #tpu.memory_space<semaphore_mem>>)
    %scan3A = arith.constant 0 : i32
    %scan3A_28 = arith.constant 16 : i32
    %scan3A_29 = arith.addi %scan3A, %scan3A_28 : i32
    %scan3A_30 = arith.constant 1 : i32
    scf.for %scan3A_43 = %scan3A to %scan3A_29 step %scan3A_30  : i32 {
      %mul3A_44 = arith.constant 2 : i32
      %mul3A_45 = arith.muli %scan3A_43, %mul3A_44 : i32
      %add3A_46 = arith.constant 0 : i32
      %add3A_47 = arith.addi %add3A_46, %mul3A_45 : i32
      %add3A_48 = arith.constant 0 : i32
      %add3A_49 = arith.addi %add3A_47, %add3A_48 : i32
      %dma_wait3A_50 = arith.constant 0 : i32
      %dma_wait3A_51 = tpu.memref_slice %arg10[%add3A_49, %dma_wait3A_50] : memref<32x32xi32, #tpu.memory_space<vmem>> -> memref<1x32xi32, #tpu.memory_space<vmem>>
      %dma_wait3A_52 = tpu.memref_squeeze %dma_wait3A_51 : memref<1x32xi32, #tpu.memory_space<vmem>> -> memref<32xi32, #tpu.memory_space<vmem>>
      %dma_wait3A_53 = arith.constant 0 : i32
      %dma_wait3A_54 = arith.constant 0 : i32
      %dma_wait3A_55 = tpu.memref_slice %arg2[%dma_wait3A_53, %dma_wait3A_54] : memref<16384x1024xf32, #tpu.memory_space<hbm>> -> memref<16384x1024xf32, #tpu.memory_space<hbm>>
      tpu.wait_indirect_dma semaphore(%arg13 : memref<!tpu.dma_semaphore, #tpu.memory_space<semaphore_mem>>) src(%dma_wait3A_55 : memref<16384x1024xf32, #tpu.memory_space<hbm>>) dst(%arg8 : memref<32x1024xf32, #tpu.memory_space<vmem>>)
      %ge3A = arith.constant 2 : i32
      %ge3A_56 = arith.cmpi sge, %add3A_49, %ge3A : i32
      %convert_element_type3A = arith.extui %ge3A_56 : i1 to i32
      %cond3A = arith.constant 0 : i32
      %cond3A_57 = arith.cmpi ne, %convert_element_type3A, %cond3A : i32
      scf.if %cond3A_57 {
        %dma_wait3A_696 = arith.constant 0 : i32
        %dma_wait3A_697 = arith.constant 0 : i32
        %dma_wait3A_698 = tpu.memref_slice %arg6[%dma_wait3A_696, %dma_wait3A_697] : memref<4096x1024xf32, #tpu.memory_space<hbm>> -> memref<4x1024xf32, #tpu.memory_space<hbm>>
        %dma_wait3A_699 = arith.constant 0 : i32
        %dma_wait3A_700 = arith.constant 0 : i32
        %dma_wait3A_701 = tpu.memref_slice %arg6[%dma_wait3A_699, %dma_wait3A_700] : memref<4096x1024xf32, #tpu.memory_space<hbm>> -> memref<4x1024xf32, #tpu.memory_space<hbm>>
        tpu.wait_dma2 semaphore(%arg15 : memref<!tpu.dma_semaphore, #tpu.memory_space<semaphore_mem>>) src(%arg11 : memref<4x1024xf32, #tpu.memory_space<vmem>>) dst(%dma_wait3A_701 : memref<4x1024xf32, #tpu.memory_space<hbm>>)
      } else {
      }
      %mul3A_58 = arith.constant 4 : i32
      %mul3A_59 = arith.muli %add3A_49, %mul3A_58 : i32
      %add3A_60 = arith.constant 0 : i32
      %add3A_61 = arith.addi %mul3A_59, %add3A_60 : i32
      %mul3A_62 = arith.constant 8 : i32
      %mul3A_63 = arith.muli %add3A_61, %mul3A_62 : i32
      %add3A_64 = arith.constant 0 : i32
      %add3A_65 = arith.addi %mul3A_63, %add3A_64 : i32
      %mul3A_66 = arith.constant 16 : i32
      %mul3A_67 = arith.muli %add3A_65, %mul3A_66 : i32
      %get3A = arith.index_cast %mul3A_67 : i32 to index
      %get3A_68 = tpu.vector_load %arg17[%get3A] {strides = array<i32>} : memref<16384xf32, #tpu.memory_space<vmem>>, vector<16xf32>,
      %mul3A_69 = arith.constant 8 : i32
      %mul3A_70 = arith.muli %add3A_61, %mul3A_69 : i32
      %add3A_71 = arith.constant 1 : i32
      %add3A_72 = arith.addi %mul3A_70, %add3A_71 : i32
      %mul3A_73 = arith.constant 16 : i32
      %mul3A_74 = arith.muli %add3A_72, %mul3A_73 : i32
      %get3A_75 = arith.index_cast %mul3A_74 : i32 to index
      %get3A_76 = tpu.vector_load %arg17[%get3A_75] {strides = array<i32>} : memref<16384xf32, #tpu.memory_space<vmem>>, vector<16xf32>,
      %mul3A_77 = arith.constant 8 : i32
      %mul3A_78 = arith.muli %add3A_61, %mul3A_77 : i32
      %add3A_79 = arith.constant 2 : i32
      %add3A_80 = arith.addi %mul3A_78, %add3A_79 : i32
      %mul3A_81 = arith.constant 16 : i32
      %mul3A_82 = arith.muli %add3A_80, %mul3A_81 : i32
      %get3A_83 = arith.index_cast %mul3A_82 : i32 to index
      %get3A_84 = tpu.vector_load %arg17[%get3A_83] {strides = array<i32>} : memref<16384xf32, #tpu.memory_space<vmem>>, vector<16xf32>,
      %mul3A_85 = arith.constant 8 : i32
      %mul3A_86 = arith.muli %add3A_61, %mul3A_85 : i32
      %add3A_87 = arith.constant 3 : i32
      %add3A_88 = arith.addi %mul3A_86, %add3A_87 : i32
      %mul3A_89 = arith.constant 16 : i32
      %mul3A_90 = arith.muli %add3A_88, %mul3A_89 : i32
      %get3A_91 = arith.index_cast %mul3A_90 : i32 to index
      %get3A_92 = tpu.vector_load %arg17[%get3A_91] {strides = array<i32>} : memref<16384xf32, #tpu.memory_space<vmem>>, vector<16xf32>,
      %mul3A_93 = arith.constant 8 : i32
      %mul3A_94 = arith.muli %add3A_61, %mul3A_93 : i32
      %add3A_95 = arith.constant 4 : i32
      %add3A_96 = arith.addi %mul3A_94, %add3A_95 : i32
      %mul3A_97 = arith.constant 16 : i32
      %mul3A_98 = arith.muli %add3A_96, %mul3A_97 : i32
      %get3A_99 = arith.index_cast %mul3A_98 : i32 to index
      %get3A_100 = tpu.vector_load %arg17[%get3A_99] {strides = array<i32>} : memref<16384xf32, #tpu.memory_space<vmem>>, vector<16xf32>,
      %mul3A_101 = arith.constant 8 : i32
      %mul3A_102 = arith.muli %add3A_61, %mul3A_101 : i32
      %add3A_103 = arith.constant 5 : i32
      %add3A_104 = arith.addi %mul3A_102, %add3A_103 : i32
      %mul3A_105 = arith.constant 16 : i32
      %mul3A_106 = arith.muli %add3A_104, %mul3A_105 : i32
      %get3A_107 = arith.index_cast %mul3A_106 : i32 to index
      %get3A_108 = tpu.vector_load %arg17[%get3A_107] {strides = array<i32>} : memref<16384xf32, #tpu.memory_space<vmem>>, vector<16xf32>,
      %mul3A_109 = arith.constant 8 : i32
      %mul3A_110 = arith.muli %add3A_61, %mul3A_109 : i32
      %add3A_111 = arith.constant 6 : i32
      %add3A_112 = arith.addi %mul3A_110, %add3A_111 : i32
      %mul3A_113 = arith.constant 16 : i32
      %mul3A_114 = arith.muli %add3A_112, %mul3A_113 : i32
      %get3A_115 = arith.index_cast %mul3A_114 : i32 to index
      %get3A_116 = tpu.vector_load %arg17[%get3A_115] {strides = array<i32>} : memref<16384xf32, #tpu.memory_space<vmem>>, vector<16xf32>,
      %mul3A_117 = arith.constant 8 : i32
      %mul3A_118 = arith.muli %add3A_61, %mul3A_117 : i32
      %add3A_119 = arith.constant 7 : i32
      %add3A_120 = arith.addi %mul3A_118, %add3A_119 : i32
      %mul3A_121 = arith.constant 16 : i32
      %mul3A_122 = arith.muli %add3A_120, %mul3A_121 : i32
      %get3A_123 = arith.index_cast %mul3A_122 : i32 to index
      %get3A_124 = tpu.vector_load %arg17[%get3A_123] {strides = array<i32>} : memref<16384xf32, #tpu.memory_space<vmem>>, vector<16xf32>,
      %mul3A_125 = arith.constant 16 : i32
      %mul3A_126 = arith.muli %add3A_61, %mul3A_125 : i32
      %get3A_127 = arith.index_cast %mul3A_126 : i32 to index
      %get3A_128 = tpu.vector_load %arg7[%get3A_127] {strides = array<i32>} : memref<2048xf32, #tpu.memory_space<vmem>>, vector<16xf32>,
      %parallel_loop3A = arith.constant 0 : i32
      %parallel_loop3A_129 = arith.constant 1024 : i32
      %parallel_loop3A_130 = arith.constant 16 : i32
      scf.for %parallel_loop3A_696 = %parallel_loop3A to %parallel_loop3A_129 step %parallel_loop3A_130  : i32 {
        %parallel_loop3A_697 = arith.constant 0 : i32
        %parallel_loop3A_698 = arith.index_cast %parallel_loop3A_697 : i32 to index
        %parallel_loop3A_699 = arith.index_cast %parallel_loop3A_696 : i32 to index
        %parallel_loop3A_700 = tpu.vector_load %arg8[%parallel_loop3A_698, %parallel_loop3A_699] {strides = array<i32>} : memref<32x1024xf32, #tpu.memory_space<vmem>>, vector<16xf32>,
        %parallel_loop3A_701 = arith.mulf %get3A_68, %parallel_loop3A_700 : vector<16xf32>
        %parallel_loop3A_702 = arith.addf %get3A_128, %parallel_loop3A_701 : vector<16xf32>
        %parallel_loop3A_703 = arith.constant 1 : i32
        %parallel_loop3A_704 = arith.index_cast %parallel_loop3A_703 : i32 to index
        %parallel_loop3A_705 = arith.index_cast %parallel_loop3A_696 : i32 to index
        %parallel_loop3A_706 = tpu.vector_load %arg8[%parallel_loop3A_704, %parallel_loop3A_705] {strides = array<i32>} : memref<32x1024xf32, #tpu.memory_space<vmem>>, vector<16xf32>,
        %parallel_loop3A_707 = arith.mulf %get3A_76, %parallel_loop3A_706 : vector<16xf32>
        %parallel_loop3A_708 = arith.addf %parallel_loop3A_702, %parallel_loop3A_707 : vector<16xf32>
        %parallel_loop3A_709 = arith.constant 2 : i32
        %parallel_loop3A_710 = arith.index_cast %parallel_loop3A_709 : i32 to index
        %parallel_loop3A_711 = arith.index_cast %parallel_loop3A_696 : i32 to index
        %parallel_loop3A_712 = tpu.vector_load %arg8[%parallel_loop3A_710, %parallel_loop3A_711] {strides = array<i32>} : memref<32x1024xf32, #tpu.memory_space<vmem>>, vector<16xf32>,
        %parallel_loop3A_713 = arith.mulf %get3A_84, %parallel_loop3A_712 : vector<16xf32>
        %parallel_loop3A_714 = arith.addf %parallel_loop3A_708, %parallel_loop3A_713 : vector<16xf32>
        %parallel_loop3A_715 = arith.constant 3 : i32
        %parallel_loop3A_716 = arith.index_cast %parallel_loop3A_715 : i32 to index
        %parallel_loop3A_717 = arith.index_cast %parallel_loop3A_696 : i32 to index
        %parallel_loop3A_718 = tpu.vector_load %arg8[%parallel_loop3A_716, %parallel_loop3A_717] {strides = array<i32>} : memref<32x1024xf32, #tpu.memory_space<vmem>>, vector<16xf32>,
        %parallel_loop3A_719 = arith.mulf %get3A_92, %parallel_loop3A_718 : vector<16xf32>
        %parallel_loop3A_720 = arith.addf %parallel_loop3A_714, %parallel_loop3A_719 : vector<16xf32>
        %parallel_loop3A_721 = arith.constant 4 : i32
        %parallel_loop3A_722 = arith.index_cast %parallel_loop3A_721 : i32 to index
        %parallel_loop3A_723 = arith.index_cast %parallel_loop3A_696 : i32 to index
        %parallel_loop3A_724 = tpu.vector_load %arg8[%parallel_loop3A_722, %parallel_loop3A_723] {strides = array<i32>} : memref<32x1024xf32, #tpu.memory_space<vmem>>, vector<16xf32>,
        %parallel_loop3A_725 = arith.mulf %get3A_100, %parallel_loop3A_724 : vector<16xf32>
        %parallel_loop3A_726 = arith.addf %parallel_loop3A_720, %parallel_loop3A_725 : vector<16xf32>
        %parallel_loop3A_727 = arith.constant 5 : i32
        %parallel_loop3A_728 = arith.index_cast %parallel_loop3A_727 : i32 to index
        %parallel_loop3A_729 = arith.index_cast %parallel_loop3A_696 : i32 to index
        %parallel_loop3A_730 = tpu.vector_load %arg8[%parallel_loop3A_728, %parallel_loop3A_729] {strides = array<i32>} : memref<32x1024xf32, #tpu.memory_space<vmem>>, vector<16xf32>,
        %parallel_loop3A_731 = arith.mulf %get3A_108, %parallel_loop3A_730 : vector<16xf32>
        %parallel_loop3A_732 = arith.addf %parallel_loop3A_726, %parallel_loop3A_731 : vector<16xf32>
        %parallel_loop3A_733 = arith.constant 6 : i32
        %parallel_loop3A_734 = arith.index_cast %parallel_loop3A_733 : i32 to index
        %parallel_loop3A_735 = arith.index_cast %parallel_loop3A_696 : i32 to index
        %parallel_loop3A_736 = tpu.vector_load %arg8[%parallel_loop3A_734, %parallel_loop3A_735] {strides = array<i32>} : memref<32x1024xf32, #tpu.memory_space<vmem>>, vector<16xf32>,
        %parallel_loop3A_737 = arith.mulf %get3A_116, %parallel_loop3A_736 : vector<16xf32>
        %parallel_loop3A_738 = arith.addf %parallel_loop3A_732, %parallel_loop3A_737 : vector<16xf32>
        %parallel_loop3A_739 = arith.constant 7 : i32
        %parallel_loop3A_740 = arith.index_cast %parallel_loop3A_739 : i32 to index
        %parallel_loop3A_741 = arith.index_cast %parallel_loop3A_696 : i32 to index
        %parallel_loop3A_742 = tpu.vector_load %arg8[%parallel_loop3A_740, %parallel_loop3A_741] {strides = array<i32>} : memref<32x1024xf32, #tpu.memory_space<vmem>>, vector<16xf32>,
        %parallel_loop3A_743 = arith.mulf %get3A_124, %parallel_loop3A_742 : vector<16xf32>
        %parallel_loop3A_744 = arith.addf %parallel_loop3A_738, %parallel_loop3A_743 : vector<16xf32>
        %parallel_loop3A_745 = arith.constant 0 : i32
        %parallel_loop3A_746 = arith.index_cast %parallel_loop3A_745 : i32 to index
        %parallel_loop3A_747 = arith.index_cast %parallel_loop3A_696 : i32 to index
        %parallel_loop3A_748 = tpu.vector_load %arg11[%parallel_loop3A_746, %parallel_loop3A_747] {strides = array<i32>} : memref<4x1024xf32, #tpu.memory_space<vmem>>, vector<16xf32>,
        tpu.vector_store %arg11[%parallel_loop3A_746, %parallel_loop3A_747], %parallel_loop3A_744 {strides = array<i32>} : memref<4x1024xf32, #tpu.memory_space<vmem>>, vector<16xf32>,
      } {sc.loop_unroll_factor = 4 : i64, sc.parallel_access}
      %mul3A_131 = arith.constant 4 : i32
      %mul3A_132 = arith.muli %add3A_49, %mul3A_131 : i32
      %add3A_133 = arith.constant 1 : i32
      %add3A_134 = arith.addi %mul3A_132, %add3A_133 : i32
      %mul3A_135 = arith.constant 8 : i32
      %mul3A_136 = arith.muli %add3A_134, %mul3A_135 : i32
      %add3A_137 = arith.constant 0 : i32
      %add3A_138 = arith.addi %mul3A_136, %add3A_137 : i32
      %mul3A_139 = arith.constant 16 : i32
      %mul3A_140 = arith.muli %add3A_138, %mul3A_139 : i32
      %get3A_141 = arith.index_cast %mul3A_140 : i32 to index
      %get3A_142 = tpu.vector_load %arg17[%get3A_141] {strides = array<i32>} : memref<16384xf32, #tpu.memory_space<vmem>>, vector<16xf32>,
      %mul3A_143 = arith.constant 8 : i32
      %mul3A_144 = arith.muli %add3A_134, %mul3A_143 : i32
      %add3A_145 = arith.constant 1 : i32
      %add3A_146 = arith.addi %mul3A_144, %add3A_145 : i32
      %mul3A_147 = arith.constant 16 : i32
      %mul3A_148 = arith.muli %add3A_146, %mul3A_147 : i32
      %get3A_149 = arith.index_cast %mul3A_148 : i32 to index
      %get3A_150 = tpu.vector_load %arg17[%get3A_149] {strides = array<i32>} : memref<16384xf32, #tpu.memory_space<vmem>>, vector<16xf32>,
      %mul3A_151 = arith.constant 8 : i32
      %mul3A_152 = arith.muli %add3A_134, %mul3A_151 : i32
      %add3A_153 = arith.constant 2 : i32
      %add3A_154 = arith.addi %mul3A_152, %add3A_153 : i32
      %mul3A_155 = arith.constant 16 : i32
      %mul3A_156 = arith.muli %add3A_154, %mul3A_155 : i32
      %get3A_157 = arith.index_cast %mul3A_156 : i32 to index
      %get3A_158 = tpu.vector_load %arg17[%get3A_157] {strides = array<i32>} : memref<16384xf32, #tpu.memory_space<vmem>>, vector<16xf32>,
      %mul3A_159 = arith.constant 8 : i32
      %mul3A_160 = arith.muli %add3A_134, %mul3A_159 : i32
      %add3A_161 = arith.constant 3 : i32
      %add3A_162 = arith.addi %mul3A_160, %add3A_161 : i32
      %mul3A_163 = arith.constant 16 : i32
      %mul3A_164 = arith.muli %add3A_162, %mul3A_163 : i32
      %get3A_165 = arith.index_cast %mul3A_164 : i32 to index
      %get3A_166 = tpu.vector_load %arg17[%get3A_165] {strides = array<i32>} : memref<16384xf32, #tpu.memory_space<vmem>>, vector<16xf32>,
      %mul3A_167 = arith.constant 8 : i32
      %mul3A_168 = arith.muli %add3A_134, %mul3A_167 : i32
      %add3A_169 = arith.constant 4 : i32
      %add3A_170 = arith.addi %mul3A_168, %add3A_169 : i32
      %mul3A_171 = arith.constant 16 : i32
      %mul3A_172 = arith.muli %add3A_170, %mul3A_171 : i32
      %get3A_173 = arith.index_cast %mul3A_172 : i32 to index
      %get3A_174 = tpu.vector_load %arg17[%get3A_173] {strides = array<i32>} : memref<16384xf32, #tpu.memory_space<vmem>>, vector<16xf32>,
      %mul3A_175 = arith.constant 8 : i32
      %mul3A_176 = arith.muli %add3A_134, %mul3A_175 : i32
      %add3A_177 = arith.constant 5 : i32
      %add3A_178 = arith.addi %mul3A_176, %add3A_177 : i32
      %mul3A_179 = arith.constant 16 : i32
      %mul3A_180 = arith.muli %add3A_178, %mul3A_179 : i32
      %get3A_181 = arith.index_cast %mul3A_180 : i32 to index
      %get3A_182 = tpu.vector_load %arg17[%get3A_181] {strides = array<i32>} : memref<16384xf32, #tpu.memory_space<vmem>>, vector<16xf32>,
      %mul3A_183 = arith.constant 8 : i32
      %mul3A_184 = arith.muli %add3A_134, %mul3A_183 : i32
      %add3A_185 = arith.constant 6 : i32
      %add3A_186 = arith.addi %mul3A_184, %add3A_185 : i32
      %mul3A_187 = arith.constant 16 : i32
      %mul3A_188 = arith.muli %add3A_186, %mul3A_187 : i32
      %get3A_189 = arith.index_cast %mul3A_188 : i32 to index
      %get3A_190 = tpu.vector_load %arg17[%get3A_189] {strides = array<i32>} : memref<16384xf32, #tpu.memory_space<vmem>>, vector<16xf32>,
      %mul3A_191 = arith.constant 8 : i32
      %mul3A_192 = arith.muli %add3A_134, %mul3A_191 : i32
      %add3A_193 = arith.constant 7 : i32
      %add3A_194 = arith.addi %mul3A_192, %add3A_193 : i32
      %mul3A_195 = arith.constant 16 : i32
      %mul3A_196 = arith.muli %add3A_194, %mul3A_195 : i32
      %get3A_197 = arith.index_cast %mul3A_196 : i32 to index
      %get3A_198 = tpu.vector_load %arg17[%get3A_197] {strides = array<i32>} : memref<16384xf32, #tpu.memory_space<vmem>>, vector<16xf32>,
      %mul3A_199 = arith.constant 16 : i32
      %mul3A_200 = arith.muli %add3A_134, %mul3A_199 : i32
      %get3A_201 = arith.index_cast %mul3A_200 : i32 to index
      %get3A_202 = tpu.vector_load %arg7[%get3A_201] {strides = array<i32>} : memref<2048xf32, #tpu.memory_space<vmem>>, vector<16xf32>,
      %parallel_loop3A_203 = arith.constant 0 : i32
      %parallel_loop3A_204 = arith.constant 1024 : i32
      %parallel_loop3A_205 = arith.constant 16 : i32
      scf.for %parallel_loop3A_696 = %parallel_loop3A_203 to %parallel_loop3A_204 step %parallel_loop3A_205  : i32 {
        %parallel_loop3A_697 = arith.constant 8 : i32
        %parallel_loop3A_698 = arith.index_cast %parallel_loop3A_697 : i32 to index
        %parallel_loop3A_699 = arith.index_cast %parallel_loop3A_696 : i32 to index
        %parallel_loop3A_700 = tpu.vector_load %arg8[%parallel_loop3A_698, %parallel_loop3A_699] {strides = array<i32>} : memref<32x1024xf32, #tpu.memory_space<vmem>>, vector<16xf32>,
        %parallel_loop3A_701 = arith.mulf %get3A_142, %parallel_loop3A_700 : vector<16xf32>
        %parallel_loop3A_702 = arith.addf %get3A_202, %parallel_loop3A_701 : vector<16xf32>
        %parallel_loop3A_703 = arith.constant 9 : i32
        %parallel_loop3A_704 = arith.index_cast %parallel_loop3A_703 : i32 to index
        %parallel_loop3A_705 = arith.index_cast %parallel_loop3A_696 : i32 to index
        %parallel_loop3A_706 = tpu.vector_load %arg8[%parallel_loop3A_704, %parallel_loop3A_705] {strides = array<i32>} : memref<32x1024xf32, #tpu.memory_space<vmem>>, vector<16xf32>,
        %parallel_loop3A_707 = arith.mulf %get3A_150, %parallel_loop3A_706 : vector<16xf32>
        %parallel_loop3A_708 = arith.addf %parallel_loop3A_702, %parallel_loop3A_707 : vector<16xf32>
        %parallel_loop3A_709 = arith.constant 10 : i32
        %parallel_loop3A_710 = arith.index_cast %parallel_loop3A_709 : i32 to index
        %parallel_loop3A_711 = arith.index_cast %parallel_loop3A_696 : i32 to index
        %parallel_loop3A_712 = tpu.vector_load %arg8[%parallel_loop3A_710, %parallel_loop3A_711] {strides = array<i32>} : memref<32x1024xf32, #tpu.memory_space<vmem>>, vector<16xf32>,
        %parallel_loop3A_713 = arith.mulf %get3A_158, %parallel_loop3A_712 : vector<16xf32>
        %parallel_loop3A_714 = arith.addf %parallel_loop3A_708, %parallel_loop3A_713 : vector<16xf32>
        %parallel_loop3A_715 = arith.constant 11 : i32
        %parallel_loop3A_716 = arith.index_cast %parallel_loop3A_715 : i32 to index
        %parallel_loop3A_717 = arith.index_cast %parallel_loop3A_696 : i32 to index
        %parallel_loop3A_718 = tpu.vector_load %arg8[%parallel_loop3A_716, %parallel_loop3A_717] {strides = array<i32>} : memref<32x1024xf32, #tpu.memory_space<vmem>>, vector<16xf32>,
        %parallel_loop3A_719 = arith.mulf %get3A_166, %parallel_loop3A_718 : vector<16xf32>
        %parallel_loop3A_720 = arith.addf %parallel_loop3A_714, %parallel_loop3A_719 : vector<16xf32>
        %parallel_loop3A_721 = arith.constant 12 : i32
        %parallel_loop3A_722 = arith.index_cast %parallel_loop3A_721 : i32 to index
        %parallel_loop3A_723 = arith.index_cast %parallel_loop3A_696 : i32 to index
        %parallel_loop3A_724 = tpu.vector_load %arg8[%parallel_loop3A_722, %parallel_loop3A_723] {strides = array<i32>} : memref<32x1024xf32, #tpu.memory_space<vmem>>, vector<16xf32>,
        %parallel_loop3A_725 = arith.mulf %get3A_174, %parallel_loop3A_724 : vector<16xf32>
        %parallel_loop3A_726 = arith.addf %parallel_loop3A_720, %parallel_loop3A_725 : vector<16xf32>
        %parallel_loop3A_727 = arith.constant 13 : i32
        %parallel_loop3A_728 = arith.index_cast %parallel_loop3A_727 : i32 to index
        %parallel_loop3A_729 = arith.index_cast %parallel_loop3A_696 : i32 to index
        %parallel_loop3A_730 = tpu.vector_load %arg8[%parallel_loop3A_728, %parallel_loop3A_729] {strides = array<i32>} : memref<32x1024xf32, #tpu.memory_space<vmem>>, vector<16xf32>,
        %parallel_loop3A_731 = arith.mulf %get3A_182, %parallel_loop3A_730 : vector<16xf32>
        %parallel_loop3A_732 = arith.addf %parallel_loop3A_726, %parallel_loop3A_731 : vector<16xf32>
        %parallel_loop3A_733 = arith.constant 14 : i32
        %parallel_loop3A_734 = arith.index_cast %parallel_loop3A_733 : i32 to index
        %parallel_loop3A_735 = arith.index_cast %parallel_loop3A_696 : i32 to index
        %parallel_loop3A_736 = tpu.vector_load %arg8[%parallel_loop3A_734, %parallel_loop3A_735] {strides = array<i32>} : memref<32x1024xf32, #tpu.memory_space<vmem>>, vector<16xf32>,
        %parallel_loop3A_737 = arith.mulf %get3A_190, %parallel_loop3A_736 : vector<16xf32>
        %parallel_loop3A_738 = arith.addf %parallel_loop3A_732, %parallel_loop3A_737 : vector<16xf32>
        %parallel_loop3A_739 = arith.constant 15 : i32
        %parallel_loop3A_740 = arith.index_cast %parallel_loop3A_739 : i32 to index
        %parallel_loop3A_741 = arith.index_cast %parallel_loop3A_696 : i32 to index
        %parallel_loop3A_742 = tpu.vector_load %arg8[%parallel_loop3A_740, %parallel_loop3A_741] {strides = array<i32>} : memref<32x1024xf32, #tpu.memory_space<vmem>>, vector<16xf32>,
        %parallel_loop3A_743 = arith.mulf %get3A_198, %parallel_loop3A_742 : vector<16xf32>
        %parallel_loop3A_744 = arith.addf %parallel_loop3A_738, %parallel_loop3A_743 : vector<16xf32>
        %parallel_loop3A_745 = arith.constant 1 : i32
        %parallel_loop3A_746 = arith.index_cast %parallel_loop3A_745 : i32 to index
        %parallel_loop3A_747 = arith.index_cast %parallel_loop3A_696 : i32 to index
        %parallel_loop3A_748 = tpu.vector_load %arg11[%parallel_loop3A_746, %parallel_loop3A_747] {strides = array<i32>} : memref<4x1024xf32, #tpu.memory_space<vmem>>, vector<16xf32>,
        tpu.vector_store %arg11[%parallel_loop3A_746, %parallel_loop3A_747], %parallel_loop3A_744 {strides = array<i32>} : memref<4x1024xf32, #tpu.memory_space<vmem>>, vector<16xf32>,
      } {sc.loop_unroll_factor = 4 : i64, sc.parallel_access}
      %mul3A_206 = arith.constant 4 : i32
      %mul3A_207 = arith.muli %add3A_49, %mul3A_206 : i32
      %add3A_208 = arith.constant 2 : i32
      %add3A_209 = arith.addi %mul3A_207, %add3A_208 : i32
      %mul3A_210 = arith.constant 8 : i32
      %mul3A_211 = arith.muli %add3A_209, %mul3A_210 : i32
      %add3A_212 = arith.constant 0 : i32
      %add3A_213 = arith.addi %mul3A_211, %add3A_212 : i32
      %mul3A_214 = arith.constant 16 : i32
      %mul3A_215 = arith.muli %add3A_213, %mul3A_214 : i32
      %get3A_216 = arith.index_cast %mul3A_215 : i32 to index
      %get3A_217 = tpu.vector_load %arg17[%get3A_216] {strides = array<i32>} : memref<16384xf32, #tpu.memory_space<vmem>>, vector<16xf32>,
      %mul3A_218 = arith.constant 8 : i32
      %mul3A_219 = arith.muli %add3A_209, %mul3A_218 : i32
      %add3A_220 = arith.constant 1 : i32
      %add3A_221 = arith.addi %mul3A_219, %add3A_220 : i32
      %mul3A_222 = arith.constant 16 : i32
      %mul3A_223 = arith.muli %add3A_221, %mul3A_222 : i32
      %get3A_224 = arith.index_cast %mul3A_223 : i32 to index
      %get3A_225 = tpu.vector_load %arg17[%get3A_224] {strides = array<i32>} : memref<16384xf32, #tpu.memory_space<vmem>>, vector<16xf32>,
      %mul3A_226 = arith.constant 8 : i32
      %mul3A_227 = arith.muli %add3A_209, %mul3A_226 : i32
      %add3A_228 = arith.constant 2 : i32
      %add3A_229 = arith.addi %mul3A_227, %add3A_228 : i32
      %mul3A_230 = arith.constant 16 : i32
      %mul3A_231 = arith.muli %add3A_229, %mul3A_230 : i32
      %get3A_232 = arith.index_cast %mul3A_231 : i32 to index
      %get3A_233 = tpu.vector_load %arg17[%get3A_232] {strides = array<i32>} : memref<16384xf32, #tpu.memory_space<vmem>>, vector<16xf32>,
      %mul3A_234 = arith.constant 8 : i32
      %mul3A_235 = arith.muli %add3A_209, %mul3A_234 : i32
      %add3A_236 = arith.constant 3 : i32
      %add3A_237 = arith.addi %mul3A_235, %add3A_236 : i32
      %mul3A_238 = arith.constant 16 : i32
      %mul3A_239 = arith.muli %add3A_237, %mul3A_238 : i32
      %get3A_240 = arith.index_cast %mul3A_239 : i32 to index
      %get3A_241 = tpu.vector_load %arg17[%get3A_240] {strides = array<i32>} : memref<16384xf32, #tpu.memory_space<vmem>>, vector<16xf32>,
      %mul3A_242 = arith.constant 8 : i32
      %mul3A_243 = arith.muli %add3A_209, %mul3A_242 : i32
      %add3A_244 = arith.constant 4 : i32
      %add3A_245 = arith.addi %mul3A_243, %add3A_244 : i32
      %mul3A_246 = arith.constant 16 : i32
      %mul3A_247 = arith.muli %add3A_245, %mul3A_246 : i32
      %get3A_248 = arith.index_cast %mul3A_247 : i32 to index
      %get3A_249 = tpu.vector_load %arg17[%get3A_248] {strides = array<i32>} : memref<16384xf32, #tpu.memory_space<vmem>>, vector<16xf32>,
      %mul3A_250 = arith.constant 8 : i32
      %mul3A_251 = arith.muli %add3A_209, %mul3A_250 : i32
      %add3A_252 = arith.constant 5 : i32
      %add3A_253 = arith.addi %mul3A_251, %add3A_252 : i32
      %mul3A_254 = arith.constant 16 : i32
      %mul3A_255 = arith.muli %add3A_253, %mul3A_254 : i32
      %get3A_256 = arith.index_cast %mul3A_255 : i32 to index
      %get3A_257 = tpu.vector_load %arg17[%get3A_256] {strides = array<i32>} : memref<16384xf32, #tpu.memory_space<vmem>>, vector<16xf32>,
      %mul3A_258 = arith.constant 8 : i32
      %mul3A_259 = arith.muli %add3A_209, %mul3A_258 : i32
      %add3A_260 = arith.constant 6 : i32
      %add3A_261 = arith.addi %mul3A_259, %add3A_260 : i32
      %mul3A_262 = arith.constant 16 : i32
      %mul3A_263 = arith.muli %add3A_261, %mul3A_262 : i32
      %get3A_264 = arith.index_cast %mul3A_263 : i32 to index
      %get3A_265 = tpu.vector_load %arg17[%get3A_264] {strides = array<i32>} : memref<16384xf32, #tpu.memory_space<vmem>>, vector<16xf32>,
      %mul3A_266 = arith.constant 8 : i32
      %mul3A_267 = arith.muli %add3A_209, %mul3A_266 : i32
      %add3A_268 = arith.constant 7 : i32
      %add3A_269 = arith.addi %mul3A_267, %add3A_268 : i32
      %mul3A_270 = arith.constant 16 : i32
      %mul3A_271 = arith.muli %add3A_269, %mul3A_270 : i32
      %get3A_272 = arith.index_cast %mul3A_271 : i32 to index
      %get3A_273 = tpu.vector_load %arg17[%get3A_272] {strides = array<i32>} : memref<16384xf32, #tpu.memory_space<vmem>>, vector<16xf32>,
      %mul3A_274 = arith.constant 16 : i32
      %mul3A_275 = arith.muli %add3A_209, %mul3A_274 : i32
      %get3A_276 = arith.index_cast %mul3A_275 : i32 to index
      %get3A_277 = tpu.vector_load %arg7[%get3A_276] {strides = array<i32>} : memref<2048xf32, #tpu.memory_space<vmem>>, vector<16xf32>,
      %parallel_loop3A_278 = arith.constant 0 : i32
      %parallel_loop3A_279 = arith.constant 1024 : i32
      %parallel_loop3A_280 = arith.constant 16 : i32
      scf.for %parallel_loop3A_696 = %parallel_loop3A_278 to %parallel_loop3A_279 step %parallel_loop3A_280  : i32 {
        %parallel_loop3A_697 = arith.constant 16 : i32
        %parallel_loop3A_698 = arith.index_cast %parallel_loop3A_697 : i32 to index
        %parallel_loop3A_699 = arith.index_cast %parallel_loop3A_696 : i32 to index
        %parallel_loop3A_700 = tpu.vector_load %arg8[%parallel_loop3A_698, %parallel_loop3A_699] {strides = array<i32>} : memref<32x1024xf32, #tpu.memory_space<vmem>>, vector<16xf32>,
        %parallel_loop3A_701 = arith.mulf %get3A_217, %parallel_loop3A_700 : vector<16xf32>
        %parallel_loop3A_702 = arith.addf %get3A_277, %parallel_loop3A_701 : vector<16xf32>
        %parallel_loop3A_703 = arith.constant 17 : i32
        %parallel_loop3A_704 = arith.index_cast %parallel_loop3A_703 : i32 to index
        %parallel_loop3A_705 = arith.index_cast %parallel_loop3A_696 : i32 to index
        %parallel_loop3A_706 = tpu.vector_load %arg8[%parallel_loop3A_704, %parallel_loop3A_705] {strides = array<i32>} : memref<32x1024xf32, #tpu.memory_space<vmem>>, vector<16xf32>,
        %parallel_loop3A_707 = arith.mulf %get3A_225, %parallel_loop3A_706 : vector<16xf32>
        %parallel_loop3A_708 = arith.addf %parallel_loop3A_702, %parallel_loop3A_707 : vector<16xf32>
        %parallel_loop3A_709 = arith.constant 18 : i32
        %parallel_loop3A_710 = arith.index_cast %parallel_loop3A_709 : i32 to index
        %parallel_loop3A_711 = arith.index_cast %parallel_loop3A_696 : i32 to index
        %parallel_loop3A_712 = tpu.vector_load %arg8[%parallel_loop3A_710, %parallel_loop3A_711] {strides = array<i32>} : memref<32x1024xf32, #tpu.memory_space<vmem>>, vector<16xf32>,
        %parallel_loop3A_713 = arith.mulf %get3A_233, %parallel_loop3A_712 : vector<16xf32>
        %parallel_loop3A_714 = arith.addf %parallel_loop3A_708, %parallel_loop3A_713 : vector<16xf32>
        %parallel_loop3A_715 = arith.constant 19 : i32
        %parallel_loop3A_716 = arith.index_cast %parallel_loop3A_715 : i32 to index
        %parallel_loop3A_717 = arith.index_cast %parallel_loop3A_696 : i32 to index
        %parallel_loop3A_718 = tpu.vector_load %arg8[%parallel_loop3A_716, %parallel_loop3A_717] {strides = array<i32>} : memref<32x1024xf32, #tpu.memory_space<vmem>>, vector<16xf32>,
        %parallel_loop3A_719 = arith.mulf %get3A_241, %parallel_loop3A_718 : vector<16xf32>
        %parallel_loop3A_720 = arith.addf %parallel_loop3A_714, %parallel_loop3A_719 : vector<16xf32>
        %parallel_loop3A_721 = arith.constant 20 : i32
        %parallel_loop3A_722 = arith.index_cast %parallel_loop3A_721 : i32 to index
        %parallel_loop3A_723 = arith.index_cast %parallel_loop3A_696 : i32 to index
        %parallel_loop3A_724 = tpu.vector_load %arg8[%parallel_loop3A_722, %parallel_loop3A_723] {strides = array<i32>} : memref<32x1024xf32, #tpu.memory_space<vmem>>, vector<16xf32>,
        %parallel_loop3A_725 = arith.mulf %get3A_249, %parallel_loop3A_724 : vector<16xf32>
        %parallel_loop3A_726 = arith.addf %parallel_loop3A_720, %parallel_loop3A_725 : vector<16xf32>
        %parallel_loop3A_727 = arith.constant 21 : i32
        %parallel_loop3A_728 = arith.index_cast %parallel_loop3A_727 : i32 to index
        %parallel_loop3A_729 = arith.index_cast %parallel_loop3A_696 : i32 to index
        %parallel_loop3A_730 = tpu.vector_load %arg8[%parallel_loop3A_728, %parallel_loop3A_729] {strides = array<i32>} : memref<32x1024xf32, #tpu.memory_space<vmem>>, vector<16xf32>,
        %parallel_loop3A_731 = arith.mulf %get3A_257, %parallel_loop3A_730 : vector<16xf32>
        %parallel_loop3A_732 = arith.addf %parallel_loop3A_726, %parallel_loop3A_731 : vector<16xf32>
        %parallel_loop3A_733 = arith.constant 22 : i32
        %parallel_loop3A_734 = arith.index_cast %parallel_loop3A_733 : i32 to index
        %parallel_loop3A_735 = arith.index_cast %parallel_loop3A_696 : i32 to index
        %parallel_loop3A_736 = tpu.vector_load %arg8[%parallel_loop3A_734, %parallel_loop3A_735] {strides = array<i32>} : memref<32x1024xf32, #tpu.memory_space<vmem>>, vector<16xf32>,
        %parallel_loop3A_737 = arith.mulf %get3A_265, %parallel_loop3A_736 : vector<16xf32>
        %parallel_loop3A_738 = arith.addf %parallel_loop3A_732, %parallel_loop3A_737 : vector<16xf32>
        %parallel_loop3A_739 = arith.constant 23 : i32
        %parallel_loop3A_740 = arith.index_cast %parallel_loop3A_739 : i32 to index
        %parallel_loop3A_741 = arith.index_cast %parallel_loop3A_696 : i32 to index
        %parallel_loop3A_742 = tpu.vector_load %arg8[%parallel_loop3A_740, %parallel_loop3A_741] {strides = array<i32>} : memref<32x1024xf32, #tpu.memory_space<vmem>>, vector<16xf32>,
        %parallel_loop3A_743 = arith.mulf %get3A_273, %parallel_loop3A_742 : vector<16xf32>
        %parallel_loop3A_744 = arith.addf %parallel_loop3A_738, %parallel_loop3A_743 : vector<16xf32>
        %parallel_loop3A_745 = arith.constant 2 : i32
        %parallel_loop3A_746 = arith.index_cast %parallel_loop3A_745 : i32 to index
        %parallel_loop3A_747 = arith.index_cast %parallel_loop3A_696 : i32 to index
        %parallel_loop3A_748 = tpu.vector_load %arg11[%parallel_loop3A_746, %parallel_loop3A_747] {strides = array<i32>} : memref<4x1024xf32, #tpu.memory_space<vmem>>, vector<16xf32>,
        tpu.vector_store %arg11[%parallel_loop3A_746, %parallel_loop3A_747], %parallel_loop3A_744 {strides = array<i32>} : memref<4x1024xf32, #tpu.memory_space<vmem>>, vector<16xf32>,
      } {sc.loop_unroll_factor = 4 : i64, sc.parallel_access}
      %mul3A_281 = arith.constant 4 : i32
      %mul3A_282 = arith.muli %add3A_49, %mul3A_281 : i32
      %add3A_283 = arith.constant 3 : i32
      %add3A_284 = arith.addi %mul3A_282, %add3A_283 : i32
      %mul3A_285 = arith.constant 8 : i32
      %mul3A_286 = arith.muli %add3A_284, %mul3A_285 : i32
      %add3A_287 = arith.constant 0 : i32
      %add3A_288 = arith.addi %mul3A_286, %add3A_287 : i32
      %mul3A_289 = arith.constant 16 : i32
      %mul3A_290 = arith.muli %add3A_288, %mul3A_289 : i32
      %get3A_291 = arith.index_cast %mul3A_290 : i32 to index
      %get3A_292 = tpu.vector_load %arg17[%get3A_291] {strides = array<i32>} : memref<16384xf32, #tpu.memory_space<vmem>>, vector<16xf32>,
      %mul3A_293 = arith.constant 8 : i32
      %mul3A_294 = arith.muli %add3A_284, %mul3A_293 : i32
      %add3A_295 = arith.constant 1 : i32
      %add3A_296 = arith.addi %mul3A_294, %add3A_295 : i32
      %mul3A_297 = arith.constant 16 : i32
      %mul3A_298 = arith.muli %add3A_296, %mul3A_297 : i32
      %get3A_299 = arith.index_cast %mul3A_298 : i32 to index
      %get3A_300 = tpu.vector_load %arg17[%get3A_299] {strides = array<i32>} : memref<16384xf32, #tpu.memory_space<vmem>>, vector<16xf32>,
      %mul3A_301 = arith.constant 8 : i32
      %mul3A_302 = arith.muli %add3A_284, %mul3A_301 : i32
      %add3A_303 = arith.constant 2 : i32
      %add3A_304 = arith.addi %mul3A_302, %add3A_303 : i32
      %mul3A_305 = arith.constant 16 : i32
      %mul3A_306 = arith.muli %add3A_304, %mul3A_305 : i32
      %get3A_307 = arith.index_cast %mul3A_306 : i32 to index
      %get3A_308 = tpu.vector_load %arg17[%get3A_307] {strides = array<i32>} : memref<16384xf32, #tpu.memory_space<vmem>>, vector<16xf32>,
      %mul3A_309 = arith.constant 8 : i32
      %mul3A_310 = arith.muli %add3A_284, %mul3A_309 : i32
      %add3A_311 = arith.constant 3 : i32
      %add3A_312 = arith.addi %mul3A_310, %add3A_311 : i32
      %mul3A_313 = arith.constant 16 : i32
      %mul3A_314 = arith.muli %add3A_312, %mul3A_313 : i32
      %get3A_315 = arith.index_cast %mul3A_314 : i32 to index
      %get3A_316 = tpu.vector_load %arg17[%get3A_315] {strides = array<i32>} : memref<16384xf32, #tpu.memory_space<vmem>>, vector<16xf32>,
      %mul3A_317 = arith.constant 8 : i32
      %mul3A_318 = arith.muli %add3A_284, %mul3A_317 : i32
      %add3A_319 = arith.constant 4 : i32
      %add3A_320 = arith.addi %mul3A_318, %add3A_319 : i32
      %mul3A_321 = arith.constant 16 : i32
      %mul3A_322 = arith.muli %add3A_320, %mul3A_321 : i32
      %get3A_323 = arith.index_cast %mul3A_322 : i32 to index
      %get3A_324 = tpu.vector_load %arg17[%get3A_323] {strides = array<i32>} : memref<16384xf32, #tpu.memory_space<vmem>>, vector<16xf32>,
      %mul3A_325 = arith.constant 8 : i32
      %mul3A_326 = arith.muli %add3A_284, %mul3A_325 : i32
      %add3A_327 = arith.constant 5 : i32
      %add3A_328 = arith.addi %mul3A_326, %add3A_327 : i32
      %mul3A_329 = arith.constant 16 : i32
      %mul3A_330 = arith.muli %add3A_328, %mul3A_329 : i32
      %get3A_331 = arith.index_cast %mul3A_330 : i32 to index
      %get3A_332 = tpu.vector_load %arg17[%get3A_331] {strides = array<i32>} : memref<16384xf32, #tpu.memory_space<vmem>>, vector<16xf32>,
      %mul3A_333 = arith.constant 8 : i32
      %mul3A_334 = arith.muli %add3A_284, %mul3A_333 : i32
      %add3A_335 = arith.constant 6 : i32
      %add3A_336 = arith.addi %mul3A_334, %add3A_335 : i32
      %mul3A_337 = arith.constant 16 : i32
      %mul3A_338 = arith.muli %add3A_336, %mul3A_337 : i32
      %get3A_339 = arith.index_cast %mul3A_338 : i32 to index
      %get3A_340 = tpu.vector_load %arg17[%get3A_339] {strides = array<i32>} : memref<16384xf32, #tpu.memory_space<vmem>>, vector<16xf32>,
      %mul3A_341 = arith.constant 8 : i32
      %mul3A_342 = arith.muli %add3A_284, %mul3A_341 : i32
      %add3A_343 = arith.constant 7 : i32
      %add3A_344 = arith.addi %mul3A_342, %add3A_343 : i32
      %mul3A_345 = arith.constant 16 : i32
      %mul3A_346 = arith.muli %add3A_344, %mul3A_345 : i32
      %get3A_347 = arith.index_cast %mul3A_346 : i32 to index
      %get3A_348 = tpu.vector_load %arg17[%get3A_347] {strides = array<i32>} : memref<16384xf32, #tpu.memory_space<vmem>>, vector<16xf32>,
      %mul3A_349 = arith.constant 16 : i32
      %mul3A_350 = arith.muli %add3A_284, %mul3A_349 : i32
      %get3A_351 = arith.index_cast %mul3A_350 : i32 to index
      %get3A_352 = tpu.vector_load %arg7[%get3A_351] {strides = array<i32>} : memref<2048xf32, #tpu.memory_space<vmem>>, vector<16xf32>,
      %parallel_loop3A_353 = arith.constant 0 : i32
      %parallel_loop3A_354 = arith.constant 1024 : i32
      %parallel_loop3A_355 = arith.constant 16 : i32
      scf.for %parallel_loop3A_696 = %parallel_loop3A_353 to %parallel_loop3A_354 step %parallel_loop3A_355  : i32 {
        %parallel_loop3A_697 = arith.constant 24 : i32
        %parallel_loop3A_698 = arith.index_cast %parallel_loop3A_697 : i32 to index
        %parallel_loop3A_699 = arith.index_cast %parallel_loop3A_696 : i32 to index
        %parallel_loop3A_700 = tpu.vector_load %arg8[%parallel_loop3A_698, %parallel_loop3A_699] {strides = array<i32>} : memref<32x1024xf32, #tpu.memory_space<vmem>>, vector<16xf32>,
        %parallel_loop3A_701 = arith.mulf %get3A_292, %parallel_loop3A_700 : vector<16xf32>
        %parallel_loop3A_702 = arith.addf %get3A_352, %parallel_loop3A_701 : vector<16xf32>
        %parallel_loop3A_703 = arith.constant 25 : i32
        %parallel_loop3A_704 = arith.index_cast %parallel_loop3A_703 : i32 to index
        %parallel_loop3A_705 = arith.index_cast %parallel_loop3A_696 : i32 to index
        %parallel_loop3A_706 = tpu.vector_load %arg8[%parallel_loop3A_704, %parallel_loop3A_705] {strides = array<i32>} : memref<32x1024xf32, #tpu.memory_space<vmem>>, vector<16xf32>,
        %parallel_loop3A_707 = arith.mulf %get3A_300, %parallel_loop3A_706 : vector<16xf32>
        %parallel_loop3A_708 = arith.addf %parallel_loop3A_702, %parallel_loop3A_707 : vector<16xf32>
        %parallel_loop3A_709 = arith.constant 26 : i32
        %parallel_loop3A_710 = arith.index_cast %parallel_loop3A_709 : i32 to index
        %parallel_loop3A_711 = arith.index_cast %parallel_loop3A_696 : i32 to index
        %parallel_loop3A_712 = tpu.vector_load %arg8[%parallel_loop3A_710, %parallel_loop3A_711] {strides = array<i32>} : memref<32x1024xf32, #tpu.memory_space<vmem>>, vector<16xf32>,
        %parallel_loop3A_713 = arith.mulf %get3A_308, %parallel_loop3A_712 : vector<16xf32>
        %parallel_loop3A_714 = arith.addf %parallel_loop3A_708, %parallel_loop3A_713 : vector<16xf32>
        %parallel_loop3A_715 = arith.constant 27 : i32
        %parallel_loop3A_716 = arith.index_cast %parallel_loop3A_715 : i32 to index
        %parallel_loop3A_717 = arith.index_cast %parallel_loop3A_696 : i32 to index
        %parallel_loop3A_718 = tpu.vector_load %arg8[%parallel_loop3A_716, %parallel_loop3A_717] {strides = array<i32>} : memref<32x1024xf32, #tpu.memory_space<vmem>>, vector<16xf32>,
        %parallel_loop3A_719 = arith.mulf %get3A_316, %parallel_loop3A_718 : vector<16xf32>
        %parallel_loop3A_720 = arith.addf %parallel_loop3A_714, %parallel_loop3A_719 : vector<16xf32>
        %parallel_loop3A_721 = arith.constant 28 : i32
        %parallel_loop3A_722 = arith.index_cast %parallel_loop3A_721 : i32 to index
        %parallel_loop3A_723 = arith.index_cast %parallel_loop3A_696 : i32 to index
        %parallel_loop3A_724 = tpu.vector_load %arg8[%parallel_loop3A_722, %parallel_loop3A_723] {strides = array<i32>} : memref<32x1024xf32, #tpu.memory_space<vmem>>, vector<16xf32>,
        %parallel_loop3A_725 = arith.mulf %get3A_324, %parallel_loop3A_724 : vector<16xf32>
        %parallel_loop3A_726 = arith.addf %parallel_loop3A_720, %parallel_loop3A_725 : vector<16xf32>
        %parallel_loop3A_727 = arith.constant 29 : i32
        %parallel_loop3A_728 = arith.index_cast %parallel_loop3A_727 : i32 to index
        %parallel_loop3A_729 = arith.index_cast %parallel_loop3A_696 : i32 to index
        %parallel_loop3A_730 = tpu.vector_load %arg8[%parallel_loop3A_728, %parallel_loop3A_729] {strides = array<i32>} : memref<32x1024xf32, #tpu.memory_space<vmem>>, vector<16xf32>,
        %parallel_loop3A_731 = arith.mulf %get3A_332, %parallel_loop3A_730 : vector<16xf32>
        %parallel_loop3A_732 = arith.addf %parallel_loop3A_726, %parallel_loop3A_731 : vector<16xf32>
        %parallel_loop3A_733 = arith.constant 30 : i32
        %parallel_loop3A_734 = arith.index_cast %parallel_loop3A_733 : i32 to index
        %parallel_loop3A_735 = arith.index_cast %parallel_loop3A_696 : i32 to index
        %parallel_loop3A_736 = tpu.vector_load %arg8[%parallel_loop3A_734, %parallel_loop3A_735] {strides = array<i32>} : memref<32x1024xf32, #tpu.memory_space<vmem>>, vector<16xf32>,
        %parallel_loop3A_737 = arith.mulf %get3A_340, %parallel_loop3A_736 : vector<16xf32>
        %parallel_loop3A_738 = arith.addf %parallel_loop3A_732, %parallel_loop3A_737 : vector<16xf32>
        %parallel_loop3A_739 = arith.constant 31 : i32
        %parallel_loop3A_740 = arith.index_cast %parallel_loop3A_739 : i32 to index
        %parallel_loop3A_741 = arith.index_cast %parallel_loop3A_696 : i32 to index
        %parallel_loop3A_742 = tpu.vector_load %arg8[%parallel_loop3A_740, %parallel_loop3A_741] {strides = array<i32>} : memref<32x1024xf32, #tpu.memory_space<vmem>>, vector<16xf32>,
        %parallel_loop3A_743 = arith.mulf %get3A_348, %parallel_loop3A_742 : vector<16xf32>
        %parallel_loop3A_744 = arith.addf %parallel_loop3A_738, %parallel_loop3A_743 : vector<16xf32>
        %parallel_loop3A_745 = arith.constant 3 : i32
        %parallel_loop3A_746 = arith.index_cast %parallel_loop3A_745 : i32 to index
        %parallel_loop3A_747 = arith.index_cast %parallel_loop3A_696 : i32 to index
        %parallel_loop3A_748 = tpu.vector_load %arg11[%parallel_loop3A_746, %parallel_loop3A_747] {strides = array<i32>} : memref<4x1024xf32, #tpu.memory_space<vmem>>, vector<16xf32>,
        tpu.vector_store %arg11[%parallel_loop3A_746, %parallel_loop3A_747], %parallel_loop3A_744 {strides = array<i32>} : memref<4x1024xf32, #tpu.memory_space<vmem>>, vector<16xf32>,
      } {sc.loop_unroll_factor = 4 : i64, sc.parallel_access}
      %add3A_356 = arith.constant 2 : i32
      %add3A_357 = arith.addi %add3A_49, %add3A_356 : i32
      %lt3A = arith.constant 32 : i32
      %lt3A_358 = arith.cmpi slt, %add3A_357, %lt3A : i32
      %convert_element_type3A_359 = arith.extui %lt3A_358 : i1 to i32
      %cond3A_360 = arith.constant 0 : i32
      %cond3A_361 = arith.cmpi ne, %convert_element_type3A_359, %cond3A_360 : i32
      scf.if %cond3A_361 {
        %add3A_696 = arith.constant 2 : i32
        %add3A_697 = arith.addi %add3A_49, %add3A_696 : i32
        %dma_start3A_698 = arith.constant 0 : i32
        %dma_start3A_699 = tpu.memref_slice %arg10[%add3A_697, %dma_start3A_698] : memref<32x32xi32, #tpu.memory_space<vmem>> -> memref<1x32xi32, #tpu.memory_space<vmem>>
        %dma_start3A_700 = tpu.memref_squeeze %dma_start3A_699 : memref<1x32xi32, #tpu.memory_space<vmem>> -> memref<32xi32, #tpu.memory_space<vmem>>
        %dma_start3A_701 = arith.constant 0 : i32
        %dma_start3A_702 = arith.constant 0 : i32
        %dma_start3A_703 = tpu.memref_slice %arg2[%dma_start3A_701, %dma_start3A_702] : memref<16384x1024xf32, #tpu.memory_space<hbm>> -> memref<16384x1024xf32, #tpu.memory_space<hbm>>
        tpu.enqueue_indirect_dma source(%dma_start3A_703 : memref<16384x1024xf32, #tpu.memory_space<hbm>>) target(%arg8 : memref<32x1024xf32, #tpu.memory_space<vmem>>) offsets(%dma_start3A_700 : memref<32xi32, #tpu.memory_space<vmem>>) semaphore(%arg13 : memref<!tpu.dma_semaphore, #tpu.memory_space<semaphore_mem>>)
      } else {
      }
      %mul3A_362 = arith.constant 4 : i32
      %mul3A_363 = arith.muli %add3A_49, %mul3A_362 : i32
      %add3A_364 = arith.addi %mul3A_2, %mul3A_363 : i32
      %dma_start3A_365 = arith.constant 0 : i32
      %dma_start3A_366 = tpu.memref_slice %arg6[%add3A_364, %dma_start3A_365] : memref<4096x1024xf32, #tpu.memory_space<hbm>> -> memref<4x1024xf32, #tpu.memory_space<hbm>>
      %dma_start3A_367 = arith.constant 0 : i32
      %dma_start3A_368 = tpu.memref_slice %arg6[%add3A_364, %dma_start3A_367] : memref<4096x1024xf32, #tpu.memory_space<hbm>> -> memref<4x1024xf32, #tpu.memory_space<hbm>>
      tpu.enqueue_dma source(%arg11 : memref<4x1024xf32, #tpu.memory_space<vmem>>) target(%dma_start3A_368 : memref<4x1024xf32, #tpu.memory_space<hbm>>) target_semaphore(%arg15 : memref<!tpu.dma_semaphore, #tpu.memory_space<semaphore_mem>>)
      %add3A_369 = arith.constant 1 : i32
      %add3A_370 = arith.addi %add3A_47, %add3A_369 : i32
      %dma_wait3A_371 = arith.constant 0 : i32
      %dma_wait3A_372 = tpu.memref_slice %arg10[%add3A_370, %dma_wait3A_371] : memref<32x32xi32, #tpu.memory_space<vmem>> -> memref<1x32xi32, #tpu.memory_space<vmem>>
      %dma_wait3A_373 = tpu.memref_squeeze %dma_wait3A_372 : memref<1x32xi32, #tpu.memory_space<vmem>> -> memref<32xi32, #tpu.memory_space<vmem>>
      %dma_wait3A_374 = arith.constant 0 : i32
      %dma_wait3A_375 = arith.constant 0 : i32
      %dma_wait3A_376 = tpu.memref_slice %arg2[%dma_wait3A_374, %dma_wait3A_375] : memref<16384x1024xf32, #tpu.memory_space<hbm>> -> memref<16384x1024xf32, #tpu.memory_space<hbm>>
      tpu.wait_indirect_dma semaphore(%arg14 : memref<!tpu.dma_semaphore, #tpu.memory_space<semaphore_mem>>) src(%dma_wait3A_376 : memref<16384x1024xf32, #tpu.memory_space<hbm>>) dst(%arg9 : memref<32x1024xf32, #tpu.memory_space<vmem>>)
      %ge3A_377 = arith.constant 2 : i32
      %ge3A_378 = arith.cmpi sge, %add3A_370, %ge3A_377 : i32
      %convert_element_type3A_379 = arith.extui %ge3A_378 : i1 to i32
      %cond3A_380 = arith.constant 0 : i32
      %cond3A_381 = arith.cmpi ne, %convert_element_type3A_379, %cond3A_380 : i32
      scf.if %cond3A_381 {
        %dma_wait3A_696 = arith.constant 0 : i32
        %dma_wait3A_697 = arith.constant 0 : i32
        %dma_wait3A_698 = tpu.memref_slice %arg6[%dma_wait3A_696, %dma_wait3A_697] : memref<4096x1024xf32, #tpu.memory_space<hbm>> -> memref<4x1024xf32, #tpu.memory_space<hbm>>
        %dma_wait3A_699 = arith.constant 0 : i32
        %dma_wait3A_700 = arith.constant 0 : i32
        %dma_wait3A_701 = tpu.memref_slice %arg6[%dma_wait3A_699, %dma_wait3A_700] : memref<4096x1024xf32, #tpu.memory_space<hbm>> -> memref<4x1024xf32, #tpu.memory_space<hbm>>
        tpu.wait_dma2 semaphore(%arg16 : memref<!tpu.dma_semaphore, #tpu.memory_space<semaphore_mem>>) src(%arg12 : memref<4x1024xf32, #tpu.memory_space<vmem>>) dst(%dma_wait3A_701 : memref<4x1024xf32, #tpu.memory_space<hbm>>)
      } else {
      }
      %mul3A_382 = arith.constant 4 : i32
      %mul3A_383 = arith.muli %add3A_370, %mul3A_382 : i32
      %add3A_384 = arith.constant 0 : i32
      %add3A_385 = arith.addi %mul3A_383, %add3A_384 : i32
      %mul3A_386 = arith.constant 8 : i32
      %mul3A_387 = arith.muli %add3A_385, %mul3A_386 : i32
      %add3A_388 = arith.constant 0 : i32
      %add3A_389 = arith.addi %mul3A_387, %add3A_388 : i32
      %mul3A_390 = arith.constant 16 : i32
      %mul3A_391 = arith.muli %add3A_389, %mul3A_390 : i32
      %get3A_392 = arith.index_cast %mul3A_391 : i32 to index
      %get3A_393 = tpu.vector_load %arg17[%get3A_392] {strides = array<i32>} : memref<16384xf32, #tpu.memory_space<vmem>>, vector<16xf32>,
      %mul3A_394 = arith.constant 8 : i32
      %mul3A_395 = arith.muli %add3A_385, %mul3A_394 : i32
      %add3A_396 = arith.constant 1 : i32
      %add3A_397 = arith.addi %mul3A_395, %add3A_396 : i32
      %mul3A_398 = arith.constant 16 : i32
      %mul3A_399 = arith.muli %add3A_397, %mul3A_398 : i32
      %get3A_400 = arith.index_cast %mul3A_399 : i32 to index
      %get3A_401 = tpu.vector_load %arg17[%get3A_400] {strides = array<i32>} : memref<16384xf32, #tpu.memory_space<vmem>>, vector<16xf32>,
      %mul3A_402 = arith.constant 8 : i32
      %mul3A_403 = arith.muli %add3A_385, %mul3A_402 : i32
      %add3A_404 = arith.constant 2 : i32
      %add3A_405 = arith.addi %mul3A_403, %add3A_404 : i32
      %mul3A_406 = arith.constant 16 : i32
      %mul3A_407 = arith.muli %add3A_405, %mul3A_406 : i32
      %get3A_408 = arith.index_cast %mul3A_407 : i32 to index
      %get3A_409 = tpu.vector_load %arg17[%get3A_408] {strides = array<i32>} : memref<16384xf32, #tpu.memory_space<vmem>>, vector<16xf32>,
      %mul3A_410 = arith.constant 8 : i32
      %mul3A_411 = arith.muli %add3A_385, %mul3A_410 : i32
      %add3A_412 = arith.constant 3 : i32
      %add3A_413 = arith.addi %mul3A_411, %add3A_412 : i32
      %mul3A_414 = arith.constant 16 : i32
      %mul3A_415 = arith.muli %add3A_413, %mul3A_414 : i32
      %get3A_416 = arith.index_cast %mul3A_415 : i32 to index
      %get3A_417 = tpu.vector_load %arg17[%get3A_416] {strides = array<i32>} : memref<16384xf32, #tpu.memory_space<vmem>>, vector<16xf32>,
      %mul3A_418 = arith.constant 8 : i32
      %mul3A_419 = arith.muli %add3A_385, %mul3A_418 : i32
      %add3A_420 = arith.constant 4 : i32
      %add3A_421 = arith.addi %mul3A_419, %add3A_420 : i32
      %mul3A_422 = arith.constant 16 : i32
      %mul3A_423 = arith.muli %add3A_421, %mul3A_422 : i32
      %get3A_424 = arith.index_cast %mul3A_423 : i32 to index
      %get3A_425 = tpu.vector_load %arg17[%get3A_424] {strides = array<i32>} : memref<16384xf32, #tpu.memory_space<vmem>>, vector<16xf32>,
      %mul3A_426 = arith.constant 8 : i32
      %mul3A_427 = arith.muli %add3A_385, %mul3A_426 : i32
      %add3A_428 = arith.constant 5 : i32
      %add3A_429 = arith.addi %mul3A_427, %add3A_428 : i32
      %mul3A_430 = arith.constant 16 : i32
      %mul3A_431 = arith.muli %add3A_429, %mul3A_430 : i32
      %get3A_432 = arith.index_cast %mul3A_431 : i32 to index
      %get3A_433 = tpu.vector_load %arg17[%get3A_432] {strides = array<i32>} : memref<16384xf32, #tpu.memory_space<vmem>>, vector<16xf32>,
      %mul3A_434 = arith.constant 8 : i32
      %mul3A_435 = arith.muli %add3A_385, %mul3A_434 : i32
      %add3A_436 = arith.constant 6 : i32
      %add3A_437 = arith.addi %mul3A_435, %add3A_436 : i32
      %mul3A_438 = arith.constant 16 : i32
      %mul3A_439 = arith.muli %add3A_437, %mul3A_438 : i32
      %get3A_440 = arith.index_cast %mul3A_439 : i32 to index
      %get3A_441 = tpu.vector_load %arg17[%get3A_440] {strides = array<i32>} : memref<16384xf32, #tpu.memory_space<vmem>>, vector<16xf32>,
      %mul3A_442 = arith.constant 8 : i32
      %mul3A_443 = arith.muli %add3A_385, %mul3A_442 : i32
      %add3A_444 = arith.constant 7 : i32
      %add3A_445 = arith.addi %mul3A_443, %add3A_444 : i32
      %mul3A_446 = arith.constant 16 : i32
      %mul3A_447 = arith.muli %add3A_445, %mul3A_446 : i32
      %get3A_448 = arith.index_cast %mul3A_447 : i32 to index
      %get3A_449 = tpu.vector_load %arg17[%get3A_448] {strides = array<i32>} : memref<16384xf32, #tpu.memory_space<vmem>>, vector<16xf32>,
      %mul3A_450 = arith.constant 16 : i32
      %mul3A_451 = arith.muli %add3A_385, %mul3A_450 : i32
      %get3A_452 = arith.index_cast %mul3A_451 : i32 to index
      %get3A_453 = tpu.vector_load %arg7[%get3A_452] {strides = array<i32>} : memref<2048xf32, #tpu.memory_space<vmem>>, vector<16xf32>,
      %parallel_loop3A_454 = arith.constant 0 : i32
      %parallel_loop3A_455 = arith.constant 1024 : i32
      %parallel_loop3A_456 = arith.constant 16 : i32
      scf.for %parallel_loop3A_696 = %parallel_loop3A_454 to %parallel_loop3A_455 step %parallel_loop3A_456  : i32 {
        %parallel_loop3A_697 = arith.constant 0 : i32
        %parallel_loop3A_698 = arith.index_cast %parallel_loop3A_697 : i32 to index
        %parallel_loop3A_699 = arith.index_cast %parallel_loop3A_696 : i32 to index
        %parallel_loop3A_700 = tpu.vector_load %arg9[%parallel_loop3A_698, %parallel_loop3A_699] {strides = array<i32>} : memref<32x1024xf32, #tpu.memory_space<vmem>>, vector<16xf32>,
        %parallel_loop3A_701 = arith.mulf %get3A_393, %parallel_loop3A_700 : vector<16xf32>
        %parallel_loop3A_702 = arith.addf %get3A_453, %parallel_loop3A_701 : vector<16xf32>
        %parallel_loop3A_703 = arith.constant 1 : i32
        %parallel_loop3A_704 = arith.index_cast %parallel_loop3A_703 : i32 to index
        %parallel_loop3A_705 = arith.index_cast %parallel_loop3A_696 : i32 to index
        %parallel_loop3A_706 = tpu.vector_load %arg9[%parallel_loop3A_704, %parallel_loop3A_705] {strides = array<i32>} : memref<32x1024xf32, #tpu.memory_space<vmem>>, vector<16xf32>,
        %parallel_loop3A_707 = arith.mulf %get3A_401, %parallel_loop3A_706 : vector<16xf32>
        %parallel_loop3A_708 = arith.addf %parallel_loop3A_702, %parallel_loop3A_707 : vector<16xf32>
        %parallel_loop3A_709 = arith.constant 2 : i32
        %parallel_loop3A_710 = arith.index_cast %parallel_loop3A_709 : i32 to index
        %parallel_loop3A_711 = arith.index_cast %parallel_loop3A_696 : i32 to index
        %parallel_loop3A_712 = tpu.vector_load %arg9[%parallel_loop3A_710, %parallel_loop3A_711] {strides = array<i32>} : memref<32x1024xf32, #tpu.memory_space<vmem>>, vector<16xf32>,
        %parallel_loop3A_713 = arith.mulf %get3A_409, %parallel_loop3A_712 : vector<16xf32>
        %parallel_loop3A_714 = arith.addf %parallel_loop3A_708, %parallel_loop3A_713 : vector<16xf32>
        %parallel_loop3A_715 = arith.constant 3 : i32
        %parallel_loop3A_716 = arith.index_cast %parallel_loop3A_715 : i32 to index
        %parallel_loop3A_717 = arith.index_cast %parallel_loop3A_696 : i32 to index
        %parallel_loop3A_718 = tpu.vector_load %arg9[%parallel_loop3A_716, %parallel_loop3A_717] {strides = array<i32>} : memref<32x1024xf32, #tpu.memory_space<vmem>>, vector<16xf32>,
        %parallel_loop3A_719 = arith.mulf %get3A_417, %parallel_loop3A_718 : vector<16xf32>
        %parallel_loop3A_720 = arith.addf %parallel_loop3A_714, %parallel_loop3A_719 : vector<16xf32>
        %parallel_loop3A_721 = arith.constant 4 : i32
        %parallel_loop3A_722 = arith.index_cast %parallel_loop3A_721 : i32 to index
        %parallel_loop3A_723 = arith.index_cast %parallel_loop3A_696 : i32 to index
        %parallel_loop3A_724 = tpu.vector_load %arg9[%parallel_loop3A_722, %parallel_loop3A_723] {strides = array<i32>} : memref<32x1024xf32, #tpu.memory_space<vmem>>, vector<16xf32>,
        %parallel_loop3A_725 = arith.mulf %get3A_425, %parallel_loop3A_724 : vector<16xf32>
        %parallel_loop3A_726 = arith.addf %parallel_loop3A_720, %parallel_loop3A_725 : vector<16xf32>
        %parallel_loop3A_727 = arith.constant 5 : i32
        %parallel_loop3A_728 = arith.index_cast %parallel_loop3A_727 : i32 to index
        %parallel_loop3A_729 = arith.index_cast %parallel_loop3A_696 : i32 to index
        %parallel_loop3A_730 = tpu.vector_load %arg9[%parallel_loop3A_728, %parallel_loop3A_729] {strides = array<i32>} : memref<32x1024xf32, #tpu.memory_space<vmem>>, vector<16xf32>,
        %parallel_loop3A_731 = arith.mulf %get3A_433, %parallel_loop3A_730 : vector<16xf32>
        %parallel_loop3A_732 = arith.addf %parallel_loop3A_726, %parallel_loop3A_731 : vector<16xf32>
        %parallel_loop3A_733 = arith.constant 6 : i32
        %parallel_loop3A_734 = arith.index_cast %parallel_loop3A_733 : i32 to index
        %parallel_loop3A_735 = arith.index_cast %parallel_loop3A_696 : i32 to index
        %parallel_loop3A_736 = tpu.vector_load %arg9[%parallel_loop3A_734, %parallel_loop3A_735] {strides = array<i32>} : memref<32x1024xf32, #tpu.memory_space<vmem>>, vector<16xf32>,
        %parallel_loop3A_737 = arith.mulf %get3A_441, %parallel_loop3A_736 : vector<16xf32>
        %parallel_loop3A_738 = arith.addf %parallel_loop3A_732, %parallel_loop3A_737 : vector<16xf32>
        %parallel_loop3A_739 = arith.constant 7 : i32
        %parallel_loop3A_740 = arith.index_cast %parallel_loop3A_739 : i32 to index
        %parallel_loop3A_741 = arith.index_cast %parallel_loop3A_696 : i32 to index
        %parallel_loop3A_742 = tpu.vector_load %arg9[%parallel_loop3A_740, %parallel_loop3A_741] {strides = array<i32>} : memref<32x1024xf32, #tpu.memory_space<vmem>>, vector<16xf32>,
        %parallel_loop3A_743 = arith.mulf %get3A_449, %parallel_loop3A_742 : vector<16xf32>
        %parallel_loop3A_744 = arith.addf %parallel_loop3A_738, %parallel_loop3A_743 : vector<16xf32>
        %parallel_loop3A_745 = arith.constant 0 : i32
        %parallel_loop3A_746 = arith.index_cast %parallel_loop3A_745 : i32 to index
        %parallel_loop3A_747 = arith.index_cast %parallel_loop3A_696 : i32 to index
        %parallel_loop3A_748 = tpu.vector_load %arg12[%parallel_loop3A_746, %parallel_loop3A_747] {strides = array<i32>} : memref<4x1024xf32, #tpu.memory_space<vmem>>, vector<16xf32>,
        tpu.vector_store %arg12[%parallel_loop3A_746, %parallel_loop3A_747], %parallel_loop3A_744 {strides = array<i32>} : memref<4x1024xf32, #tpu.memory_space<vmem>>, vector<16xf32>,
      } {sc.loop_unroll_factor = 4 : i64, sc.parallel_access}
      %mul3A_457 = arith.constant 4 : i32
      %mul3A_458 = arith.muli %add3A_370, %mul3A_457 : i32
      %add3A_459 = arith.constant 1 : i32
      %add3A_460 = arith.addi %mul3A_458, %add3A_459 : i32
      %mul3A_461 = arith.constant 8 : i32
      %mul3A_462 = arith.muli %add3A_460, %mul3A_461 : i32
      %add3A_463 = arith.constant 0 : i32
      %add3A_464 = arith.addi %mul3A_462, %add3A_463 : i32
      %mul3A_465 = arith.constant 16 : i32
      %mul3A_466 = arith.muli %add3A_464, %mul3A_465 : i32
      %get3A_467 = arith.index_cast %mul3A_466 : i32 to index
      %get3A_468 = tpu.vector_load %arg17[%get3A_467] {strides = array<i32>} : memref<16384xf32, #tpu.memory_space<vmem>>, vector<16xf32>,
      %mul3A_469 = arith.constant 8 : i32
      %mul3A_470 = arith.muli %add3A_460, %mul3A_469 : i32
      %add3A_471 = arith.constant 1 : i32
      %add3A_472 = arith.addi %mul3A_470, %add3A_471 : i32
      %mul3A_473 = arith.constant 16 : i32
      %mul3A_474 = arith.muli %add3A_472, %mul3A_473 : i32
      %get3A_475 = arith.index_cast %mul3A_474 : i32 to index
      %get3A_476 = tpu.vector_load %arg17[%get3A_475] {strides = array<i32>} : memref<16384xf32, #tpu.memory_space<vmem>>, vector<16xf32>,
      %mul3A_477 = arith.constant 8 : i32
      %mul3A_478 = arith.muli %add3A_460, %mul3A_477 : i32
      %add3A_479 = arith.constant 2 : i32
      %add3A_480 = arith.addi %mul3A_478, %add3A_479 : i32
      %mul3A_481 = arith.constant 16 : i32
      %mul3A_482 = arith.muli %add3A_480, %mul3A_481 : i32
      %get3A_483 = arith.index_cast %mul3A_482 : i32 to index
      %get3A_484 = tpu.vector_load %arg17[%get3A_483] {strides = array<i32>} : memref<16384xf32, #tpu.memory_space<vmem>>, vector<16xf32>,
      %mul3A_485 = arith.constant 8 : i32
      %mul3A_486 = arith.muli %add3A_460, %mul3A_485 : i32
      %add3A_487 = arith.constant 3 : i32
      %add3A_488 = arith.addi %mul3A_486, %add3A_487 : i32
      %mul3A_489 = arith.constant 16 : i32
      %mul3A_490 = arith.muli %add3A_488, %mul3A_489 : i32
      %get3A_491 = arith.index_cast %mul3A_490 : i32 to index
      %get3A_492 = tpu.vector_load %arg17[%get3A_491] {strides = array<i32>} : memref<16384xf32, #tpu.memory_space<vmem>>, vector<16xf32>,
      %mul3A_493 = arith.constant 8 : i32
      %mul3A_494 = arith.muli %add3A_460, %mul3A_493 : i32
      %add3A_495 = arith.constant 4 : i32
      %add3A_496 = arith.addi %mul3A_494, %add3A_495 : i32
      %mul3A_497 = arith.constant 16 : i32
      %mul3A_498 = arith.muli %add3A_496, %mul3A_497 : i32
      %get3A_499 = arith.index_cast %mul3A_498 : i32 to index
      %get3A_500 = tpu.vector_load %arg17[%get3A_499] {strides = array<i32>} : memref<16384xf32, #tpu.memory_space<vmem>>, vector<16xf32>,
      %mul3A_501 = arith.constant 8 : i32
      %mul3A_502 = arith.muli %add3A_460, %mul3A_501 : i32
      %add3A_503 = arith.constant 5 : i32
      %add3A_504 = arith.addi %mul3A_502, %add3A_503 : i32
      %mul3A_505 = arith.constant 16 : i32
      %mul3A_506 = arith.muli %add3A_504, %mul3A_505 : i32
      %get3A_507 = arith.index_cast %mul3A_506 : i32 to index
      %get3A_508 = tpu.vector_load %arg17[%get3A_507] {strides = array<i32>} : memref<16384xf32, #tpu.memory_space<vmem>>, vector<16xf32>,
      %mul3A_509 = arith.constant 8 : i32
      %mul3A_510 = arith.muli %add3A_460, %mul3A_509 : i32
      %add3A_511 = arith.constant 6 : i32
      %add3A_512 = arith.addi %mul3A_510, %add3A_511 : i32
      %mul3A_513 = arith.constant 16 : i32
      %mul3A_514 = arith.muli %add3A_512, %mul3A_513 : i32
      %get3A_515 = arith.index_cast %mul3A_514 : i32 to index
      %get3A_516 = tpu.vector_load %arg17[%get3A_515] {strides = array<i32>} : memref<16384xf32, #tpu.memory_space<vmem>>, vector<16xf32>,
      %mul3A_517 = arith.constant 8 : i32
      %mul3A_518 = arith.muli %add3A_460, %mul3A_517 : i32
      %add3A_519 = arith.constant 7 : i32
      %add3A_520 = arith.addi %mul3A_518, %add3A_519 : i32
      %mul3A_521 = arith.constant 16 : i32
      %mul3A_522 = arith.muli %add3A_520, %mul3A_521 : i32
      %get3A_523 = arith.index_cast %mul3A_522 : i32 to index
      %get3A_524 = tpu.vector_load %arg17[%get3A_523] {strides = array<i32>} : memref<16384xf32, #tpu.memory_space<vmem>>, vector<16xf32>,
      %mul3A_525 = arith.constant 16 : i32
      %mul3A_526 = arith.muli %add3A_460, %mul3A_525 : i32
      %get3A_527 = arith.index_cast %mul3A_526 : i32 to index
      %get3A_528 = tpu.vector_load %arg7[%get3A_527] {strides = array<i32>} : memref<2048xf32, #tpu.memory_space<vmem>>, vector<16xf32>,
      %parallel_loop3A_529 = arith.constant 0 : i32
      %parallel_loop3A_530 = arith.constant 1024 : i32
      %parallel_loop3A_531 = arith.constant 16 : i32
      scf.for %parallel_loop3A_696 = %parallel_loop3A_529 to %parallel_loop3A_530 step %parallel_loop3A_531  : i32 {
        %parallel_loop3A_697 = arith.constant 8 : i32
        %parallel_loop3A_698 = arith.index_cast %parallel_loop3A_697 : i32 to index
        %parallel_loop3A_699 = arith.index_cast %parallel_loop3A_696 : i32 to index
        %parallel_loop3A_700 = tpu.vector_load %arg9[%parallel_loop3A_698, %parallel_loop3A_699] {strides = array<i32>} : memref<32x1024xf32, #tpu.memory_space<vmem>>, vector<16xf32>,
        %parallel_loop3A_701 = arith.mulf %get3A_468, %parallel_loop3A_700 : vector<16xf32>
        %parallel_loop3A_702 = arith.addf %get3A_528, %parallel_loop3A_701 : vector<16xf32>
        %parallel_loop3A_703 = arith.constant 9 : i32
        %parallel_loop3A_704 = arith.index_cast %parallel_loop3A_703 : i32 to index
        %parallel_loop3A_705 = arith.index_cast %parallel_loop3A_696 : i32 to index
        %parallel_loop3A_706 = tpu.vector_load %arg9[%parallel_loop3A_704, %parallel_loop3A_705] {strides = array<i32>} : memref<32x1024xf32, #tpu.memory_space<vmem>>, vector<16xf32>,
        %parallel_loop3A_707 = arith.mulf %get3A_476, %parallel_loop3A_706 : vector<16xf32>
        %parallel_loop3A_708 = arith.addf %parallel_loop3A_702, %parallel_loop3A_707 : vector<16xf32>
        %parallel_loop3A_709 = arith.constant 10 : i32
        %parallel_loop3A_710 = arith.index_cast %parallel_loop3A_709 : i32 to index
        %parallel_loop3A_711 = arith.index_cast %parallel_loop3A_696 : i32 to index
        %parallel_loop3A_712 = tpu.vector_load %arg9[%parallel_loop3A_710, %parallel_loop3A_711] {strides = array<i32>} : memref<32x1024xf32, #tpu.memory_space<vmem>>, vector<16xf32>,
        %parallel_loop3A_713 = arith.mulf %get3A_484, %parallel_loop3A_712 : vector<16xf32>
        %parallel_loop3A_714 = arith.addf %parallel_loop3A_708, %parallel_loop3A_713 : vector<16xf32>
        %parallel_loop3A_715 = arith.constant 11 : i32
        %parallel_loop3A_716 = arith.index_cast %parallel_loop3A_715 : i32 to index
        %parallel_loop3A_717 = arith.index_cast %parallel_loop3A_696 : i32 to index
        %parallel_loop3A_718 = tpu.vector_load %arg9[%parallel_loop3A_716, %parallel_loop3A_717] {strides = array<i32>} : memref<32x1024xf32, #tpu.memory_space<vmem>>, vector<16xf32>,
        %parallel_loop3A_719 = arith.mulf %get3A_492, %parallel_loop3A_718 : vector<16xf32>
        %parallel_loop3A_720 = arith.addf %parallel_loop3A_714, %parallel_loop3A_719 : vector<16xf32>
        %parallel_loop3A_721 = arith.constant 12 : i32
        %parallel_loop3A_722 = arith.index_cast %parallel_loop3A_721 : i32 to index
        %parallel_loop3A_723 = arith.index_cast %parallel_loop3A_696 : i32 to index
        %parallel_loop3A_724 = tpu.vector_load %arg9[%parallel_loop3A_722, %parallel_loop3A_723] {strides = array<i32>} : memref<32x1024xf32, #tpu.memory_space<vmem>>, vector<16xf32>,
        %parallel_loop3A_725 = arith.mulf %get3A_500, %parallel_loop3A_724 : vector<16xf32>
        %parallel_loop3A_726 = arith.addf %parallel_loop3A_720, %parallel_loop3A_725 : vector<16xf32>
        %parallel_loop3A_727 = arith.constant 13 : i32
        %parallel_loop3A_728 = arith.index_cast %parallel_loop3A_727 : i32 to index
        %parallel_loop3A_729 = arith.index_cast %parallel_loop3A_696 : i32 to index
        %parallel_loop3A_730 = tpu.vector_load %arg9[%parallel_loop3A_728, %parallel_loop3A_729] {strides = array<i32>} : memref<32x1024xf32, #tpu.memory_space<vmem>>, vector<16xf32>,
        %parallel_loop3A_731 = arith.mulf %get3A_508, %parallel_loop3A_730 : vector<16xf32>
        %parallel_loop3A_732 = arith.addf %parallel_loop3A_726, %parallel_loop3A_731 : vector<16xf32>
        %parallel_loop3A_733 = arith.constant 14 : i32
        %parallel_loop3A_734 = arith.index_cast %parallel_loop3A_733 : i32 to index
        %parallel_loop3A_735 = arith.index_cast %parallel_loop3A_696 : i32 to index
        %parallel_loop3A_736 = tpu.vector_load %arg9[%parallel_loop3A_734, %parallel_loop3A_735] {strides = array<i32>} : memref<32x1024xf32, #tpu.memory_space<vmem>>, vector<16xf32>,
        %parallel_loop3A_737 = arith.mulf %get3A_516, %parallel_loop3A_736 : vector<16xf32>
        %parallel_loop3A_738 = arith.addf %parallel_loop3A_732, %parallel_loop3A_737 : vector<16xf32>
        %parallel_loop3A_739 = arith.constant 15 : i32
        %parallel_loop3A_740 = arith.index_cast %parallel_loop3A_739 : i32 to index
        %parallel_loop3A_741 = arith.index_cast %parallel_loop3A_696 : i32 to index
        %parallel_loop3A_742 = tpu.vector_load %arg9[%parallel_loop3A_740, %parallel_loop3A_741] {strides = array<i32>} : memref<32x1024xf32, #tpu.memory_space<vmem>>, vector<16xf32>,
        %parallel_loop3A_743 = arith.mulf %get3A_524, %parallel_loop3A_742 : vector<16xf32>
        %parallel_loop3A_744 = arith.addf %parallel_loop3A_738, %parallel_loop3A_743 : vector<16xf32>
        %parallel_loop3A_745 = arith.constant 1 : i32
        %parallel_loop3A_746 = arith.index_cast %parallel_loop3A_745 : i32 to index
        %parallel_loop3A_747 = arith.index_cast %parallel_loop3A_696 : i32 to index
        %parallel_loop3A_748 = tpu.vector_load %arg12[%parallel_loop3A_746, %parallel_loop3A_747] {strides = array<i32>} : memref<4x1024xf32, #tpu.memory_space<vmem>>, vector<16xf32>,
        tpu.vector_store %arg12[%parallel_loop3A_746, %parallel_loop3A_747], %parallel_loop3A_744 {strides = array<i32>} : memref<4x1024xf32, #tpu.memory_space<vmem>>, vector<16xf32>,
      } {sc.loop_unroll_factor = 4 : i64, sc.parallel_access}
      %mul3A_532 = arith.constant 4 : i32
      %mul3A_533 = arith.muli %add3A_370, %mul3A_532 : i32
      %add3A_534 = arith.constant 2 : i32
      %add3A_535 = arith.addi %mul3A_533, %add3A_534 : i32
      %mul3A_536 = arith.constant 8 : i32
      %mul3A_537 = arith.muli %add3A_535, %mul3A_536 : i32
      %add3A_538 = arith.constant 0 : i32
      %add3A_539 = arith.addi %mul3A_537, %add3A_538 : i32
      %mul3A_540 = arith.constant 16 : i32
      %mul3A_541 = arith.muli %add3A_539, %mul3A_540 : i32
      %get3A_542 = arith.index_cast %mul3A_541 : i32 to index
      %get3A_543 = tpu.vector_load %arg17[%get3A_542] {strides = array<i32>} : memref<16384xf32, #tpu.memory_space<vmem>>, vector<16xf32>,
      %mul3A_544 = arith.constant 8 : i32
      %mul3A_545 = arith.muli %add3A_535, %mul3A_544 : i32
      %add3A_546 = arith.constant 1 : i32
      %add3A_547 = arith.addi %mul3A_545, %add3A_546 : i32
      %mul3A_548 = arith.constant 16 : i32
      %mul3A_549 = arith.muli %add3A_547, %mul3A_548 : i32
      %get3A_550 = arith.index_cast %mul3A_549 : i32 to index
      %get3A_551 = tpu.vector_load %arg17[%get3A_550] {strides = array<i32>} : memref<16384xf32, #tpu.memory_space<vmem>>, vector<16xf32>,
      %mul3A_552 = arith.constant 8 : i32
      %mul3A_553 = arith.muli %add3A_535, %mul3A_552 : i32
      %add3A_554 = arith.constant 2 : i32
      %add3A_555 = arith.addi %mul3A_553, %add3A_554 : i32
      %mul3A_556 = arith.constant 16 : i32
      %mul3A_557 = arith.muli %add3A_555, %mul3A_556 : i32
      %get3A_558 = arith.index_cast %mul3A_557 : i32 to index
      %get3A_559 = tpu.vector_load %arg17[%get3A_558] {strides = array<i32>} : memref<16384xf32, #tpu.memory_space<vmem>>, vector<16xf32>,
      %mul3A_560 = arith.constant 8 : i32
      %mul3A_561 = arith.muli %add3A_535, %mul3A_560 : i32
      %add3A_562 = arith.constant 3 : i32
      %add3A_563 = arith.addi %mul3A_561, %add3A_562 : i32
      %mul3A_564 = arith.constant 16 : i32
      %mul3A_565 = arith.muli %add3A_563, %mul3A_564 : i32
      %get3A_566 = arith.index_cast %mul3A_565 : i32 to index
      %get3A_567 = tpu.vector_load %arg17[%get3A_566] {strides = array<i32>} : memref<16384xf32, #tpu.memory_space<vmem>>, vector<16xf32>,
      %mul3A_568 = arith.constant 8 : i32
      %mul3A_569 = arith.muli %add3A_535, %mul3A_568 : i32
      %add3A_570 = arith.constant 4 : i32
      %add3A_571 = arith.addi %mul3A_569, %add3A_570 : i32
      %mul3A_572 = arith.constant 16 : i32
      %mul3A_573 = arith.muli %add3A_571, %mul3A_572 : i32
      %get3A_574 = arith.index_cast %mul3A_573 : i32 to index
      %get3A_575 = tpu.vector_load %arg17[%get3A_574] {strides = array<i32>} : memref<16384xf32, #tpu.memory_space<vmem>>, vector<16xf32>,
      %mul3A_576 = arith.constant 8 : i32
      %mul3A_577 = arith.muli %add3A_535, %mul3A_576 : i32
      %add3A_578 = arith.constant 5 : i32
      %add3A_579 = arith.addi %mul3A_577, %add3A_578 : i32
      %mul3A_580 = arith.constant 16 : i32
      %mul3A_581 = arith.muli %add3A_579, %mul3A_580 : i32
      %get3A_582 = arith.index_cast %mul3A_581 : i32 to index
      %get3A_583 = tpu.vector_load %arg17[%get3A_582] {strides = array<i32>} : memref<16384xf32, #tpu.memory_space<vmem>>, vector<16xf32>,
      %mul3A_584 = arith.constant 8 : i32
      %mul3A_585 = arith.muli %add3A_535, %mul3A_584 : i32
      %add3A_586 = arith.constant 6 : i32
      %add3A_587 = arith.addi %mul3A_585, %add3A_586 : i32
      %mul3A_588 = arith.constant 16 : i32
      %mul3A_589 = arith.muli %add3A_587, %mul3A_588 : i32
      %get3A_590 = arith.index_cast %mul3A_589 : i32 to index
      %get3A_591 = tpu.vector_load %arg17[%get3A_590] {strides = array<i32>} : memref<16384xf32, #tpu.memory_space<vmem>>, vector<16xf32>,
      %mul3A_592 = arith.constant 8 : i32
      %mul3A_593 = arith.muli %add3A_535, %mul3A_592 : i32
      %add3A_594 = arith.constant 7 : i32
      %add3A_595 = arith.addi %mul3A_593, %add3A_594 : i32
      %mul3A_596 = arith.constant 16 : i32
      %mul3A_597 = arith.muli %add3A_595, %mul3A_596 : i32
      %get3A_598 = arith.index_cast %mul3A_597 : i32 to index
      %get3A_599 = tpu.vector_load %arg17[%get3A_598] {strides = array<i32>} : memref<16384xf32, #tpu.memory_space<vmem>>, vector<16xf32>,
      %mul3A_600 = arith.constant 16 : i32
      %mul3A_601 = arith.muli %add3A_535, %mul3A_600 : i32
      %get3A_602 = arith.index_cast %mul3A_601 : i32 to index
      %get3A_603 = tpu.vector_load %arg7[%get3A_602] {strides = array<i32>} : memref<2048xf32, #tpu.memory_space<vmem>>, vector<16xf32>,
      %parallel_loop3A_604 = arith.constant 0 : i32
      %parallel_loop3A_605 = arith.constant 1024 : i32
      %parallel_loop3A_606 = arith.constant 16 : i32
      scf.for %parallel_loop3A_696 = %parallel_loop3A_604 to %parallel_loop3A_605 step %parallel_loop3A_606  : i32 {
        %parallel_loop3A_697 = arith.constant 16 : i32
        %parallel_loop3A_698 = arith.index_cast %parallel_loop3A_697 : i32 to index
        %parallel_loop3A_699 = arith.index_cast %parallel_loop3A_696 : i32 to index
        %parallel_loop3A_700 = tpu.vector_load %arg9[%parallel_loop3A_698, %parallel_loop3A_699] {strides = array<i32>} : memref<32x1024xf32, #tpu.memory_space<vmem>>, vector<16xf32>,
        %parallel_loop3A_701 = arith.mulf %get3A_543, %parallel_loop3A_700 : vector<16xf32>
        %parallel_loop3A_702 = arith.addf %get3A_603, %parallel_loop3A_701 : vector<16xf32>
        %parallel_loop3A_703 = arith.constant 17 : i32
        %parallel_loop3A_704 = arith.index_cast %parallel_loop3A_703 : i32 to index
        %parallel_loop3A_705 = arith.index_cast %parallel_loop3A_696 : i32 to index
        %parallel_loop3A_706 = tpu.vector_load %arg9[%parallel_loop3A_704, %parallel_loop3A_705] {strides = array<i32>} : memref<32x1024xf32, #tpu.memory_space<vmem>>, vector<16xf32>,
        %parallel_loop3A_707 = arith.mulf %get3A_551, %parallel_loop3A_706 : vector<16xf32>
        %parallel_loop3A_708 = arith.addf %parallel_loop3A_702, %parallel_loop3A_707 : vector<16xf32>
        %parallel_loop3A_709 = arith.constant 18 : i32
        %parallel_loop3A_710 = arith.index_cast %parallel_loop3A_709 : i32 to index
        %parallel_loop3A_711 = arith.index_cast %parallel_loop3A_696 : i32 to index
        %parallel_loop3A_712 = tpu.vector_load %arg9[%parallel_loop3A_710, %parallel_loop3A_711] {strides = array<i32>} : memref<32x1024xf32, #tpu.memory_space<vmem>>, vector<16xf32>,
        %parallel_loop3A_713 = arith.mulf %get3A_559, %parallel_loop3A_712 : vector<16xf32>
        %parallel_loop3A_714 = arith.addf %parallel_loop3A_708, %parallel_loop3A_713 : vector<16xf32>
        %parallel_loop3A_715 = arith.constant 19 : i32
        %parallel_loop3A_716 = arith.index_cast %parallel_loop3A_715 : i32 to index
        %parallel_loop3A_717 = arith.index_cast %parallel_loop3A_696 : i32 to index
        %parallel_loop3A_718 = tpu.vector_load %arg9[%parallel_loop3A_716, %parallel_loop3A_717] {strides = array<i32>} : memref<32x1024xf32, #tpu.memory_space<vmem>>, vector<16xf32>,
        %parallel_loop3A_719 = arith.mulf %get3A_567, %parallel_loop3A_718 : vector<16xf32>
        %parallel_loop3A_720 = arith.addf %parallel_loop3A_714, %parallel_loop3A_719 : vector<16xf32>
        %parallel_loop3A_721 = arith.constant 20 : i32
        %parallel_loop3A_722 = arith.index_cast %parallel_loop3A_721 : i32 to index
        %parallel_loop3A_723 = arith.index_cast %parallel_loop3A_696 : i32 to index
        %parallel_loop3A_724 = tpu.vector_load %arg9[%parallel_loop3A_722, %parallel_loop3A_723] {strides = array<i32>} : memref<32x1024xf32, #tpu.memory_space<vmem>>, vector<16xf32>,
        %parallel_loop3A_725 = arith.mulf %get3A_575, %parallel_loop3A_724 : vector<16xf32>
        %parallel_loop3A_726 = arith.addf %parallel_loop3A_720, %parallel_loop3A_725 : vector<16xf32>
        %parallel_loop3A_727 = arith.constant 21 : i32
        %parallel_loop3A_728 = arith.index_cast %parallel_loop3A_727 : i32 to index
        %parallel_loop3A_729 = arith.index_cast %parallel_loop3A_696 : i32 to index
        %parallel_loop3A_730 = tpu.vector_load %arg9[%parallel_loop3A_728, %parallel_loop3A_729] {strides = array<i32>} : memref<32x1024xf32, #tpu.memory_space<vmem>>, vector<16xf32>,
        %parallel_loop3A_731 = arith.mulf %get3A_583, %parallel_loop3A_730 : vector<16xf32>
        %parallel_loop3A_732 = arith.addf %parallel_loop3A_726, %parallel_loop3A_731 : vector<16xf32>
        %parallel_loop3A_733 = arith.constant 22 : i32
        %parallel_loop3A_734 = arith.index_cast %parallel_loop3A_733 : i32 to index
        %parallel_loop3A_735 = arith.index_cast %parallel_loop3A_696 : i32 to index
        %parallel_loop3A_736 = tpu.vector_load %arg9[%parallel_loop3A_734, %parallel_loop3A_735] {strides = array<i32>} : memref<32x1024xf32, #tpu.memory_space<vmem>>, vector<16xf32>,
        %parallel_loop3A_737 = arith.mulf %get3A_591, %parallel_loop3A_736 : vector<16xf32>
        %parallel_loop3A_738 = arith.addf %parallel_loop3A_732, %parallel_loop3A_737 : vector<16xf32>
        %parallel_loop3A_739 = arith.constant 23 : i32
        %parallel_loop3A_740 = arith.index_cast %parallel_loop3A_739 : i32 to index
        %parallel_loop3A_741 = arith.index_cast %parallel_loop3A_696 : i32 to index
        %parallel_loop3A_742 = tpu.vector_load %arg9[%parallel_loop3A_740, %parallel_loop3A_741] {strides = array<i32>} : memref<32x1024xf32, #tpu.memory_space<vmem>>, vector<16xf32>,
        %parallel_loop3A_743 = arith.mulf %get3A_599, %parallel_loop3A_742 : vector<16xf32>
        %parallel_loop3A_744 = arith.addf %parallel_loop3A_738, %parallel_loop3A_743 : vector<16xf32>
        %parallel_loop3A_745 = arith.constant 2 : i32
        %parallel_loop3A_746 = arith.index_cast %parallel_loop3A_745 : i32 to index
        %parallel_loop3A_747 = arith.index_cast %parallel_loop3A_696 : i32 to index
        %parallel_loop3A_748 = tpu.vector_load %arg12[%parallel_loop3A_746, %parallel_loop3A_747] {strides = array<i32>} : memref<4x1024xf32, #tpu.memory_space<vmem>>, vector<16xf32>,
        tpu.vector_store %arg12[%parallel_loop3A_746, %parallel_loop3A_747], %parallel_loop3A_744 {strides = array<i32>} : memref<4x1024xf32, #tpu.memory_space<vmem>>, vector<16xf32>,
      } {sc.loop_unroll_factor = 4 : i64, sc.parallel_access}
      %mul3A_607 = arith.constant 4 : i32
      %mul3A_608 = arith.muli %add3A_370, %mul3A_607 : i32
      %add3A_609 = arith.constant 3 : i32
      %add3A_610 = arith.addi %mul3A_608, %add3A_609 : i32
      %mul3A_611 = arith.constant 8 : i32
      %mul3A_612 = arith.muli %add3A_610, %mul3A_611 : i32
      %add3A_613 = arith.constant 0 : i32
      %add3A_614 = arith.addi %mul3A_612, %add3A_613 : i32
      %mul3A_615 = arith.constant 16 : i32
      %mul3A_616 = arith.muli %add3A_614, %mul3A_615 : i32
      %get3A_617 = arith.index_cast %mul3A_616 : i32 to index
      %get3A_618 = tpu.vector_load %arg17[%get3A_617] {strides = array<i32>} : memref<16384xf32, #tpu.memory_space<vmem>>, vector<16xf32>,
      %mul3A_619 = arith.constant 8 : i32
      %mul3A_620 = arith.muli %add3A_610, %mul3A_619 : i32
      %add3A_621 = arith.constant 1 : i32
      %add3A_622 = arith.addi %mul3A_620, %add3A_621 : i32
      %mul3A_623 = arith.constant 16 : i32
      %mul3A_624 = arith.muli %add3A_622, %mul3A_623 : i32
      %get3A_625 = arith.index_cast %mul3A_624 : i32 to index
      %get3A_626 = tpu.vector_load %arg17[%get3A_625] {strides = array<i32>} : memref<16384xf32, #tpu.memory_space<vmem>>, vector<16xf32>,
      %mul3A_627 = arith.constant 8 : i32
      %mul3A_628 = arith.muli %add3A_610, %mul3A_627 : i32
      %add3A_629 = arith.constant 2 : i32
      %add3A_630 = arith.addi %mul3A_628, %add3A_629 : i32
      %mul3A_631 = arith.constant 16 : i32
      %mul3A_632 = arith.muli %add3A_630, %mul3A_631 : i32
      %get3A_633 = arith.index_cast %mul3A_632 : i32 to index
      %get3A_634 = tpu.vector_load %arg17[%get3A_633] {strides = array<i32>} : memref<16384xf32, #tpu.memory_space<vmem>>, vector<16xf32>,
      %mul3A_635 = arith.constant 8 : i32
      %mul3A_636 = arith.muli %add3A_610, %mul3A_635 : i32
      %add3A_637 = arith.constant 3 : i32
      %add3A_638 = arith.addi %mul3A_636, %add3A_637 : i32
      %mul3A_639 = arith.constant 16 : i32
      %mul3A_640 = arith.muli %add3A_638, %mul3A_639 : i32
      %get3A_641 = arith.index_cast %mul3A_640 : i32 to index
      %get3A_642 = tpu.vector_load %arg17[%get3A_641] {strides = array<i32>} : memref<16384xf32, #tpu.memory_space<vmem>>, vector<16xf32>,
      %mul3A_643 = arith.constant 8 : i32
      %mul3A_644 = arith.muli %add3A_610, %mul3A_643 : i32
      %add3A_645 = arith.constant 4 : i32
      %add3A_646 = arith.addi %mul3A_644, %add3A_645 : i32
      %mul3A_647 = arith.constant 16 : i32
      %mul3A_648 = arith.muli %add3A_646, %mul3A_647 : i32
      %get3A_649 = arith.index_cast %mul3A_648 : i32 to index
      %get3A_650 = tpu.vector_load %arg17[%get3A_649] {strides = array<i32>} : memref<16384xf32, #tpu.memory_space<vmem>>, vector<16xf32>,
      %mul3A_651 = arith.constant 8 : i32
      %mul3A_652 = arith.muli %add3A_610, %mul3A_651 : i32
      %add3A_653 = arith.constant 5 : i32
      %add3A_654 = arith.addi %mul3A_652, %add3A_653 : i32
      %mul3A_655 = arith.constant 16 : i32
      %mul3A_656 = arith.muli %add3A_654, %mul3A_655 : i32
      %get3A_657 = arith.index_cast %mul3A_656 : i32 to index
      %get3A_658 = tpu.vector_load %arg17[%get3A_657] {strides = array<i32>} : memref<16384xf32, #tpu.memory_space<vmem>>, vector<16xf32>,
      %mul3A_659 = arith.constant 8 : i32
      %mul3A_660 = arith.muli %add3A_610, %mul3A_659 : i32
      %add3A_661 = arith.constant 6 : i32
      %add3A_662 = arith.addi %mul3A_660, %add3A_661 : i32
      %mul3A_663 = arith.constant 16 : i32
      %mul3A_664 = arith.muli %add3A_662, %mul3A_663 : i32
      %get3A_665 = arith.index_cast %mul3A_664 : i32 to index
      %get3A_666 = tpu.vector_load %arg17[%get3A_665] {strides = array<i32>} : memref<16384xf32, #tpu.memory_space<vmem>>, vector<16xf32>,
      %mul3A_667 = arith.constant 8 : i32
      %mul3A_668 = arith.muli %add3A_610, %mul3A_667 : i32
      %add3A_669 = arith.constant 7 : i32
      %add3A_670 = arith.addi %mul3A_668, %add3A_669 : i32
      %mul3A_671 = arith.constant 16 : i32
      %mul3A_672 = arith.muli %add3A_670, %mul3A_671 : i32
      %get3A_673 = arith.index_cast %mul3A_672 : i32 to index
      %get3A_674 = tpu.vector_load %arg17[%get3A_673] {strides = array<i32>} : memref<16384xf32, #tpu.memory_space<vmem>>, vector<16xf32>,
      %mul3A_675 = arith.constant 16 : i32
      %mul3A_676 = arith.muli %add3A_610, %mul3A_675 : i32
      %get3A_677 = arith.index_cast %mul3A_676 : i32 to index
      %get3A_678 = tpu.vector_load %arg7[%get3A_677] {strides = array<i32>} : memref<2048xf32, #tpu.memory_space<vmem>>, vector<16xf32>,
      %parallel_loop3A_679 = arith.constant 0 : i32
      %parallel_loop3A_680 = arith.constant 1024 : i32
      %parallel_loop3A_681 = arith.constant 16 : i32
      scf.for %parallel_loop3A_696 = %parallel_loop3A_679 to %parallel_loop3A_680 step %parallel_loop3A_681  : i32 {
        %parallel_loop3A_697 = arith.constant 24 : i32
        %parallel_loop3A_698 = arith.index_cast %parallel_loop3A_697 : i32 to index
        %parallel_loop3A_699 = arith.index_cast %parallel_loop3A_696 : i32 to index
        %parallel_loop3A_700 = tpu.vector_load %arg9[%parallel_loop3A_698, %parallel_loop3A_699] {strides = array<i32>} : memref<32x1024xf32, #tpu.memory_space<vmem>>, vector<16xf32>,
        %parallel_loop3A_701 = arith.mulf %get3A_618, %parallel_loop3A_700 : vector<16xf32>
        %parallel_loop3A_702 = arith.addf %get3A_678, %parallel_loop3A_701 : vector<16xf32>
        %parallel_loop3A_703 = arith.constant 25 : i32
        %parallel_loop3A_704 = arith.index_cast %parallel_loop3A_703 : i32 to index
        %parallel_loop3A_705 = arith.index_cast %parallel_loop3A_696 : i32 to index
        %parallel_loop3A_706 = tpu.vector_load %arg9[%parallel_loop3A_704, %parallel_loop3A_705] {strides = array<i32>} : memref<32x1024xf32, #tpu.memory_space<vmem>>, vector<16xf32>,
        %parallel_loop3A_707 = arith.mulf %get3A_626, %parallel_loop3A_706 : vector<16xf32>
        %parallel_loop3A_708 = arith.addf %parallel_loop3A_702, %parallel_loop3A_707 : vector<16xf32>
        %parallel_loop3A_709 = arith.constant 26 : i32
        %parallel_loop3A_710 = arith.index_cast %parallel_loop3A_709 : i32 to index
        %parallel_loop3A_711 = arith.index_cast %parallel_loop3A_696 : i32 to index
        %parallel_loop3A_712 = tpu.vector_load %arg9[%parallel_loop3A_710, %parallel_loop3A_711] {strides = array<i32>} : memref<32x1024xf32, #tpu.memory_space<vmem>>, vector<16xf32>,
        %parallel_loop3A_713 = arith.mulf %get3A_634, %parallel_loop3A_712 : vector<16xf32>
        %parallel_loop3A_714 = arith.addf %parallel_loop3A_708, %parallel_loop3A_713 : vector<16xf32>
        %parallel_loop3A_715 = arith.constant 27 : i32
        %parallel_loop3A_716 = arith.index_cast %parallel_loop3A_715 : i32 to index
        %parallel_loop3A_717 = arith.index_cast %parallel_loop3A_696 : i32 to index
        %parallel_loop3A_718 = tpu.vector_load %arg9[%parallel_loop3A_716, %parallel_loop3A_717] {strides = array<i32>} : memref<32x1024xf32, #tpu.memory_space<vmem>>, vector<16xf32>,
        %parallel_loop3A_719 = arith.mulf %get3A_642, %parallel_loop3A_718 : vector<16xf32>
        %parallel_loop3A_720 = arith.addf %parallel_loop3A_714, %parallel_loop3A_719 : vector<16xf32>
        %parallel_loop3A_721 = arith.constant 28 : i32
        %parallel_loop3A_722 = arith.index_cast %parallel_loop3A_721 : i32 to index
        %parallel_loop3A_723 = arith.index_cast %parallel_loop3A_696 : i32 to index
        %parallel_loop3A_724 = tpu.vector_load %arg9[%parallel_loop3A_722, %parallel_loop3A_723] {strides = array<i32>} : memref<32x1024xf32, #tpu.memory_space<vmem>>, vector<16xf32>,
        %parallel_loop3A_725 = arith.mulf %get3A_650, %parallel_loop3A_724 : vector<16xf32>
        %parallel_loop3A_726 = arith.addf %parallel_loop3A_720, %parallel_loop3A_725 : vector<16xf32>
        %parallel_loop3A_727 = arith.constant 29 : i32
        %parallel_loop3A_728 = arith.index_cast %parallel_loop3A_727 : i32 to index
        %parallel_loop3A_729 = arith.index_cast %parallel_loop3A_696 : i32 to index
        %parallel_loop3A_730 = tpu.vector_load %arg9[%parallel_loop3A_728, %parallel_loop3A_729] {strides = array<i32>} : memref<32x1024xf32, #tpu.memory_space<vmem>>, vector<16xf32>,
        %parallel_loop3A_731 = arith.mulf %get3A_658, %parallel_loop3A_730 : vector<16xf32>
        %parallel_loop3A_732 = arith.addf %parallel_loop3A_726, %parallel_loop3A_731 : vector<16xf32>
        %parallel_loop3A_733 = arith.constant 30 : i32
        %parallel_loop3A_734 = arith.index_cast %parallel_loop3A_733 : i32 to index
        %parallel_loop3A_735 = arith.index_cast %parallel_loop3A_696 : i32 to index
        %parallel_loop3A_736 = tpu.vector_load %arg9[%parallel_loop3A_734, %parallel_loop3A_735] {strides = array<i32>} : memref<32x1024xf32, #tpu.memory_space<vmem>>, vector<16xf32>,
        %parallel_loop3A_737 = arith.mulf %get3A_666, %parallel_loop3A_736 : vector<16xf32>
        %parallel_loop3A_738 = arith.addf %parallel_loop3A_732, %parallel_loop3A_737 : vector<16xf32>
        %parallel_loop3A_739 = arith.constant 31 : i32
        %parallel_loop3A_740 = arith.index_cast %parallel_loop3A_739 : i32 to index
        %parallel_loop3A_741 = arith.index_cast %parallel_loop3A_696 : i32 to index
        %parallel_loop3A_742 = tpu.vector_load %arg9[%parallel_loop3A_740, %parallel_loop3A_741] {strides = array<i32>} : memref<32x1024xf32, #tpu.memory_space<vmem>>, vector<16xf32>,
        %parallel_loop3A_743 = arith.mulf %get3A_674, %parallel_loop3A_742 : vector<16xf32>
        %parallel_loop3A_744 = arith.addf %parallel_loop3A_738, %parallel_loop3A_743 : vector<16xf32>
        %parallel_loop3A_745 = arith.constant 3 : i32
        %parallel_loop3A_746 = arith.index_cast %parallel_loop3A_745 : i32 to index
        %parallel_loop3A_747 = arith.index_cast %parallel_loop3A_696 : i32 to index
        %parallel_loop3A_748 = tpu.vector_load %arg12[%parallel_loop3A_746, %parallel_loop3A_747] {strides = array<i32>} : memref<4x1024xf32, #tpu.memory_space<vmem>>, vector<16xf32>,
        tpu.vector_store %arg12[%parallel_loop3A_746, %parallel_loop3A_747], %parallel_loop3A_744 {strides = array<i32>} : memref<4x1024xf32, #tpu.memory_space<vmem>>, vector<16xf32>,
      } {sc.loop_unroll_factor = 4 : i64, sc.parallel_access}
      %add3A_682 = arith.constant 2 : i32
      %add3A_683 = arith.addi %add3A_370, %add3A_682 : i32
      %lt3A_684 = arith.constant 32 : i32
      %lt3A_685 = arith.cmpi slt, %add3A_683, %lt3A_684 : i32
      %convert_element_type3A_686 = arith.extui %lt3A_685 : i1 to i32
      %cond3A_687 = arith.constant 0 : i32
      %cond3A_688 = arith.cmpi ne, %convert_element_type3A_686, %cond3A_687 : i32
      scf.if %cond3A_688 {
        %add3A_696 = arith.constant 2 : i32
        %add3A_697 = arith.addi %add3A_370, %add3A_696 : i32
        %dma_start3A_698 = arith.constant 0 : i32
        %dma_start3A_699 = tpu.memref_slice %arg10[%add3A_697, %dma_start3A_698] : memref<32x32xi32, #tpu.memory_space<vmem>> -> memref<1x32xi32, #tpu.memory_space<vmem>>
        %dma_start3A_700 = tpu.memref_squeeze %dma_start3A_699 : memref<1x32xi32, #tpu.memory_space<vmem>> -> memref<32xi32, #tpu.memory_space<vmem>>
        %dma_start3A_701 = arith.constant 0 : i32
        %dma_start3A_702 = arith.constant 0 : i32
        %dma_start3A_703 = tpu.memref_slice %arg2[%dma_start3A_701, %dma_start3A_702] : memref<16384x1024xf32, #tpu.memory_space<hbm>> -> memref<16384x1024xf32, #tpu.memory_space<hbm>>
        tpu.enqueue_indirect_dma source(%dma_start3A_703 : memref<16384x1024xf32, #tpu.memory_space<hbm>>) target(%arg9 : memref<32x1024xf32, #tpu.memory_space<vmem>>) offsets(%dma_start3A_700 : memref<32xi32, #tpu.memory_space<vmem>>) semaphore(%arg14 : memref<!tpu.dma_semaphore, #tpu.memory_space<semaphore_mem>>)
      } else {
      }
      %mul3A_689 = arith.constant 4 : i32
      %mul3A_690 = arith.muli %add3A_370, %mul3A_689 : i32
      %add3A_691 = arith.addi %mul3A_2, %mul3A_690 : i32
      %dma_start3A_692 = arith.constant 0 : i32
      %dma_start3A_693 = tpu.memref_slice %arg6[%add3A_691, %dma_start3A_692] : memref<4096x1024xf32, #tpu.memory_space<hbm>> -> memref<4x1024xf32, #tpu.memory_space<hbm>>
      %dma_start3A_694 = arith.constant 0 : i32
      %dma_start3A_695 = tpu.memref_slice %arg6[%add3A_691, %dma_start3A_694] : memref<4096x1024xf32, #tpu.memory_space<hbm>> -> memref<4x1024xf32, #tpu.memory_space<hbm>>
      tpu.enqueue_dma source(%arg12 : memref<4x1024xf32, #tpu.memory_space<vmem>>) target(%dma_start3A_695 : memref<4x1024xf32, #tpu.memory_space<hbm>>) target_semaphore(%arg16 : memref<!tpu.dma_semaphore, #tpu.memory_space<semaphore_mem>>)
    }
    %scan3A_31 = arith.constant 16 : i32
    %dma_wait3A = arith.constant 0 : i32
    %dma_wait3A_32 = arith.constant 0 : i32
    %dma_wait3A_33 = tpu.memref_slice %arg6[%dma_wait3A, %dma_wait3A_32] : memref<4096x1024xf32, #tpu.memory_space<hbm>> -> memref<4x1024xf32, #tpu.memory_space<hbm>>
    %dma_wait3A_34 = arith.constant 0 : i32
    %dma_wait3A_35 = arith.constant 0 : i32
    %dma_wait3A_36 = tpu.memref_slice %arg6[%dma_wait3A_34, %dma_wait3A_35] : memref<4096x1024xf32, #tpu.memory_space<hbm>> -> memref<4x1024xf32, #tpu.memory_space<hbm>>
    tpu.wait_dma2 semaphore(%arg15 : memref<!tpu.dma_semaphore, #tpu.memory_space<semaphore_mem>>) src(%arg11 : memref<4x1024xf32, #tpu.memory_space<vmem>>) dst(%dma_wait3A_36 : memref<4x1024xf32, #tpu.memory_space<hbm>>)
    %dma_wait3A_37 = arith.constant 0 : i32
    %dma_wait3A_38 = arith.constant 0 : i32
    %dma_wait3A_39 = tpu.memref_slice %arg6[%dma_wait3A_37, %dma_wait3A_38] : memref<4096x1024xf32, #tpu.memory_space<hbm>> -> memref<4x1024xf32, #tpu.memory_space<hbm>>
    %dma_wait3A_40 = arith.constant 0 : i32
    %dma_wait3A_41 = arith.constant 0 : i32
    %dma_wait3A_42 = tpu.memref_slice %arg6[%dma_wait3A_40, %dma_wait3A_41] : memref<4096x1024xf32, #tpu.memory_space<hbm>> -> memref<4x1024xf32, #tpu.memory_space<hbm>>
    tpu.wait_dma2 semaphore(%arg16 : memref<!tpu.dma_semaphore, #tpu.memory_space<semaphore_mem>>) src(%arg12 : memref<4x1024xf32, #tpu.memory_space<vmem>>) dst(%dma_wait3A_42 : memref<4x1024xf32, #tpu.memory_space<hbm>>)
    return
  }
}

</mosaic_0001>

<sc_bundles>
// kernel: kernel.4.cloned.1.call-start
scs
__scs_entry_jumppad:
0x0: {  	(pc) =	sbr.rel $0x88, $3  }
0x1: {  	(tag) =	ssettag $0x0;
	lr =	simm.s32 $0x1  }
0x2: {  	[smem:$0x3F9D] =	sst lr;
	_ =	strace $0xD0000000  }
0x3: {  	_ = 	snop  }
0x4: {  	_ = 	snop  }
0x5: {  	_ = 	snop  }
0x6: {  	_ = 	snop  }
0x7: {  	_ = 	snop  }
__scs_overlays_trampoline_lowered:
0x8: {  	[smem:$0x3FAC] =	sst s0  }
0x9: {  	[smem:$0x3FAD] =	sst s1  }
0xa: {  	[smem:$0x3FAE] =	sst s2  }
0xb: {  	[smem:$0x3FAF] =	sst s3  }
0xc: {  	[smem:$0x3FB0] =	sst s4  }
0xd: {  	[smem:$0x3FB1] =	sst s5  }
0xe: {  	[smem:$0x3FB2] =	sst s6  }
0xf: {  	[smem:$0x3FB3] =	sst s7  }
0x10: {  	[smem:$0x3FB4] =	sst s8  }
0x11: {  	[smem:$0x3FB5] =	sst s9;
	s0 =	simm.s32 @!p0 $0x0  }
0x12: {  	s1 =	sld [smem:$0x3F9B];
	s0 =	simm.s32 @p0 $0x1  }
0x13: {  	[smem:$0x3FB6] =	sst s0;
	s0 =	simm.s32 @!p1 $0x0  }
0x14: {  	s2 =	sld [smem:$0x3F9A];
	s0 =	simm.s32 @p1 $0x1  }
0x15: {  	[smem:$0x3FB7] =	sst s0;
	s0 =	simm.s32 @!p2 $0x0  }
0x16: {  	s3 =	sld [smem:$0x3FDB];
	s0 =	simm.s32 @p2 $0x1  }
0x17: {  	s4 =	simm.s32 $0x1BF5;
	[smem:$0x3FB9] =	sst s0  }
0x18: {  	s0 =	sld [smem:$0x3F9C];
	_ =	swait.ge [sflag:s4], $0x0  }
0x19: {  	s7 =	sld [smem:$0x3F9D]  }
0x1a: {  	s8 =	sadd.s32 $0xFFFFE003, lr  }
0x1b: {  	s9 =	sadd.s32 $0xFFFFFEF7, lr;
	s5 =	simm.s32 $0xFFFFFFFF;
	p2 =	slt.u32 s8, $0xFFFFF086  }
0x1c: {  	p1 =	slt.u32 s9, $0xF7A;
	s5 =	simm.s32 @!p2 $0x0  }
0x1d: {  	s5 =	simm.s32 @p1 $0x1;
	p0 =	seq.s32 s7, s2  }
0x1e: {  	s7 =	smul.u32 @!p0 $0xF7A, s2;
	p2 =	seq.s32 @!p0 s5, $0x0  }
0x1f: {  	s9 =	smul.u32 $0xF7A, s1;
	s8 =	simm.s32 @!p0 $0x1BF5;
	p2 =	por !p2, p0  }
0x20: {  	[sflag:s8] =	ssyncset.s32 @!p0 $0xFFFFF086;
	s6 =	sadd.s32 @!p0 s3, s7;
	s7 =	simm.s32 @!p0 $0x108  }
0x21: {  	s3 =	sadd.s32 s3, s9;
	s6 =	sadd.s32 @!p0 $0x88, s6;
	s7 =	simm.s32 @p2 $0x1082  }
0x22: {  	[simem:s7], [sflag:s8] =	dma.local @!p0 [hbm:s6], $0xF7A  }
0x23: {  	s9 =	sor.u32 $0xD0000000, s2;
	s6 =	simm.s32 $0x108;
	_ =	swait.ge @!p0 [sflag:s8], $0x0  }
0x24: {  	s3 =	sadd.s32 $0x88, s3;
	s6 =	simm.s32 @!p1 $0x1082;
	[sflag:s4] =	ssyncset.s32 $0xFFFFF086  }
0x25: {  	[simem:s6], [sflag:s4] =	dma.local [hbm:s3], $0xF7A  }
0x26: {  	[smem:$0x3F9D] =	sst s1;
	(tag) =	ssettag s2;
	_ =	strace s9  }
0x27: {  	s1 =	sld [smem:$0x3FAD]  }
0x28: {  	s2 =	sld [smem:$0x3FAE]  }
0x29: {  	s4 =	sld [smem:$0x3FB0]  }
0x2a: {  	p0 =	seq.s32 s5, $0x0;
	s5 =	sld [smem:$0x3FB1]  }
0x2b: {  	s6 =	sld [smem:$0x3FB2]  }
0x2c: {  	s7 =	sld [smem:$0x3FB3]  }
0x2d: {  	s3 =	simm.s32 $0x108;
	s8 =	sld [smem:$0x3FB4]  }
0x2e: {  	s3 =	simm.s32 @!p0 $0x1082;
	s9 =	sld [smem:$0x3FB5]  }
0x2f: {  	lr =	sadd.s32 s0, s3;
	s0 =	sld [smem:$0x3FAC]  }
0x30: {  	s3 =	sld [smem:$0x3FAF]  }
0x31: {  	[smem:$0x3FB8] =	sst s10  }
0x32: {  	s10 =	sld [smem:$0x3FB6];
	_ =	sdelay $0x3  }
0x33: {  	p0 =	seq.s32 s10, $0x1;
	s10 =	sld [smem:$0x3FB8];
	_ =	sdelay $0x3  }
0x34: {  	[smem:$0x3FB8] =	sst s10  }
0x35: {  	s10 =	sld [smem:$0x3FB7];
	_ =	sdelay $0x3  }
0x36: {  	p1 =	seq.s32 s10, $0x1;
	s10 =	sld [smem:$0x3FB8];
	_ =	sdelay $0x3  }
0x37: {  	[smem:$0x3FB8] =	sst s10  }
0x38: {  	s10 =	sld [smem:$0x3FB9]  }
0x39: {  	_ = 	snop;
	(pc) =	sbr.ind lr, $3  }
0x3a: {  	_ = 	snop  }
0x3b: {  	_ = 	snop  }
0x3c: {  	p2 =	seq.s32 s10, $0x1;
	s10 =	sld [smem:$0x3FB8]  }
0x3d: {  	_ =	shalt  }
0x3e: {  	_ =	shalt  }
0x3f: {  	_ =	shalt  }
0x40: {  	_ =	shalt  }
0x41: {  	_ =	shalt  }
0x42: {  	_ =	shalt  }
0x43: {  	_ =	shalt  }
0x44: {  	_ =	shalt  }
0x45: {  	_ =	shalt  }
0x46: {  	_ =	shalt  }
0x47: {  	_ =	shalt  }
0x48: {  	_ =	shalt  }
0x49: {  	_ =	shalt  }
0x4a: {  	_ =	shalt  }
0x4b: {  	_ =	shalt  }
0x4c: {  	_ =	shalt  }
0x4d: {  	_ =	shalt  }
0x4e: {  	_ =	shalt  }
0x4f: {  	_ =	shalt  }
0x50: {  	_ =	shalt  }
0x51: {  	_ =	shalt  }
0x52: {  	_ =	shalt  }
0x53: {  	_ =	shalt  }
0x54: {  	_ =	shalt  }
0x55: {  	_ =	shalt  }
0x56: {  	_ =	shalt  }
0x57: {  	_ =	shalt  }
0x58: {  	_ =	shalt  }
0x59: {  	_ =	shalt  }
0x5a: {  	_ =	shalt  }
0x5b: {  	_ =	shalt  }
0x5c: {  	_ =	shalt  }
0x5d: {  	_ =	shalt  }
0x5e: {  	_ =	shalt  }
0x5f: {  	_ =	shalt  }
0x60: {  	_ =	shalt  }
0x61: {  	_ =	shalt  }
0x62: {  	_ =	shalt  }
0x63: {  	_ =	shalt  }
0x64: {  	_ =	shalt  }
0x65: {  	_ =	shalt  }
0x66: {  	_ =	shalt  }
0x67: {  	_ =	shalt  }
0x68: {  	_ =	shalt  }
0x69: {  	_ =	shalt  }
0x6a: {  	_ =	shalt  }
0x6b: {  	_ =	shalt  }
0x6c: {  	_ =	shalt  }
0x6d: {  	_ =	shalt  }
0x6e: {  	_ =	shalt  }
0x6f: {  	_ =	shalt  }
0x70: {  	_ =	shalt  }
0x71: {  	_ =	shalt  }
0x72: {  	_ =	shalt  }
0x73: {  	_ =	shalt  }
0x74: {  	_ =	shalt  }
0x75: {  	_ =	shalt  }
0x76: {  	_ =	shalt  }
0x77: {  	_ =	shalt  }
0x78: {  	_ =	shalt  }
0x79: {  	_ =	shalt  }
0x7a: {  	_ =	shalt  }
0x7b: {  	_ =	shalt  }
0x7c: {  	_ =	shalt  }
0x7d: {  	_ =	shalt  }
0x7e: {  	_ =	shalt  }
0x7f: {  	_ =	shalt  }
0x80: {  	_ =	shalt  }
0x81: {  	_ =	shalt  }
0x82: {  	_ =	shalt  }
0x83: {  	_ =	shalt  }
0x84: {  	_ =	shalt  }
0x85: {  	_ =	shalt  }
0x86: {  	_ =	shalt  }
0x87: {  	_ =	shalt  }
.Lfunc_end0:
.L_simem_size_0:
called_computation_lowered:
.L_overlay_start_0:
0x88: {  	s2 =	sld [smem:$0x3FD9]  }
0x89: {  	s3 =	sld [smem:$0x3FFE];
	_ =	sdelay $0x1  }
0x8a: {  	s1 =	srdreg.scid  }
0x8b: {  	s0 =	sand.u32 $0x1, s1  }
0x8c: {  	s17 =	sshll.u32 s0, $0xA;
	s2 =	sadd.s32 s3, s2  }
0x8d: {  	s2 =	sadd.s32 s2, s17  }
0x8e: {  	[smem:$0x3FC4] =	sst s2  }
0x8f: {  	_ = 	snop  }
0x90: {  	s2 =	sld [smem:$0x3FD0];
	(tm) =	ssettm $0x1  }
0x91: {  	s18 =	sld [smem:$0x3FFB];
	_ =	sdelay $0x3  }
0x92: {  	_ =	strace s18  }
0x93: {  	s3 =	sld [smem:$0x3FFC];
	_ =	sdelay $0x3  }
0x94: {  	_ =	strace s3  }
0x95: {  	s3 =	sld [smem:$0x3FFD];
	_ =	sdelay $0x3  }
0x96: {  	_ =	strace s3  }
0x97: {  	_ =	strace $0x8FFFFFFF  }
0x98: {  	s19 =	sld [smem:$0x3FDB];
	_ =	sdelay $0x1  }
0x99: {  	s4 =	simm.s32 $_scs_section_size  }
0x9a: {  	s5 =	simm.s32 $_size__tile_overlayer_lowered;
	s6 =	simm.s32 $_tile_overlayer_lowered  }
0x9b: {  	s22 =	simm.s32 $0x1BFF;
	s21 =	sshll.u32 s6, $0x1;
	s3 =	sadd.s32 s4, s19  }
0x9c: {  	s7 =	simm.s32 $0x0;
	s20 =	sshll.u32 s5, $0x1;
	s5 =	sadd.s32 s21, s3  }
0x9d: {  	[timem:s7], [sflag:s22] =	dma.local [hbm:s5], s20  }
0x9e: {  	_ =	swait.ge [sflag:s22], s20  }
0x9f: {  	s4 =	ssub.s32 $0x0, s20;
	[sflag:s22] =	ssyncset.done $0x0  }
0xa0: {  	[sflag:s22] =	ssyncadd.s32 s4;
	_ =	sdelay $0x1  }
0xa1: {  	s23 =	simm.s32 $0x1B8B  }
0xa2: {  	_ =	swait.ge [sflag:s23], $0x1  }
0xa3: {  	[sflag:s23] =	ssyncset.done $0x0  }
0xa4: {  	s25 =	simm.s32 $0x1B8E;
	s24 =	sld [smem:$0x3FFE];
	[sflag:s23] =	ssyncadd.s32 $0xFFFFFFFF  }
0xa5: {  	s26 =	simm.s32 $execute0_lowered;
	[smem:$0x3FD2] =	sst s25  }
0xa6: {  	s5 =	sshll.u32 s26, $0x1;
	_ =	strace $0x80000046;
	[dreg:$0x1] =	wrdreg $0xFFFFFFFF  }
0xa7: {  	s28 =	simm.s32 $_size_execute0_lowered;
	s3 =	sadd.s32 s3, s5;
	[dreg:$0x0] =	wrdreg $0x0  }
0xa8: {  	s5 =	sshll.u32 s28, $0x1;
	[dreg:$0x2] =	wrdreg s3  }
0xa9: {  	[dreg:$0x3] =	wrdreg s5  }
0xaa: {  	[dreg:$0x4] =	wrdreg $0xC0  }
0xab: {  	_ =	task [dreg:s7], $0x5FFFF  }
0xac: {  	[dreg:$0x1] =	wrdreg $0xFFFFFFFF  }
0xad: {  	[dreg:$0x0] =	wrdreg $0x60  }
0xae: {  	[dreg:$0x2] =	wrdreg s24  }
0xaf: {  	[dreg:$0x3] =	wrdreg s2  }
0xb0: {  	[dreg:$0x4] =	wrdreg $0x9  }
0xb1: {  	_ =	task.clear_ibuf [dreg:s7], $0x5FFFF;
	_ =	strace $0x90000046  }
0xb2: {  	s29 =	simm.s32 $0x9;
	_ =	strace $0x80000048  }
0xb3: {  	_ =	swait.ge [sflag:s29], $0x1  }
0xb4: {  	[sflag:s29] =	ssyncadd.s32 $0xFFFFFFFF  }
0xb5: {  	_ =	strace $0x90000048  }
0xb6: {  	_ =	sfence  }
0xb7: {  	s30 =	sld [smem:$0x0];
	_ =	sdelay $0x2  }
0xb8: {  	s31 =	sshll.u32 s1, $0xD;
	s1 =	sshrl.u32 s1, $0x2  }
0xb9: {  	s3 =	sand.u32 $0x4000, s31;
	s1 =	sadd.s32 s1, s30  }
0xba: {  	s0 =	sor.u32 s3, s0;
	s1 =	sshll.u32 s1, $0x11  }
0xbb: {  	s0 =	sor.u32 s1, s0  }
0xbc: {  	s0 =	sadd.s32 $0x8F2B, s0  }
0xbd: {  	[sflag:s0] =	ssyncadd.remote.s32 $0x1  }
0xbe: {  	_ =	sfence.sel $0xFFFF  }
0xbf: {  	[dreg:$0x0] =	wrdreg $0xFFFFFFFF;
	(pc) =	sbr.abs _section_cstart, $3  }
0xc0: {  	[dreg:$0x1] =	wrdreg $0xFFFFFFFF  }
0xc1: {  	_ =	task.clear_ibuf [dreg:s7], $0x2FFFF;
	_ =	strace $0x9FFFFFFF  }
0xc2: {  	(tm) =	ssettm $0x7FFFFFFF  }
0xc3: {  	_ =	shalt  }
tec
execute0_lowered:
.L_overlay_start_1:
0x0: {  	(tag) =	ssettag $0x1  }
0x1: {  	s0 =	rddreg [dreg:$0x0]  }
0x2: {  	s1 =	rddreg [dreg:$0x1];
	s4 =	simm.s32 $0x0;
	s2 =	srdreg.scid  }
0x3: {  	s3 =	stileid.u32;
	[smem:$0x7FF] =	sst s4;
	s2 =	sand.u32 $0x1, s2  }
0x4: {  	s3 =	sshll.u32 s3, $0x1;
	s9 =	sadd.s32 $0x6300, s0;
	_ =	strace $0x80000047  }
0x5: {  	s25 =	sor.u32 s2, s3;
	s3 =	sadd.s32 $0x6000, s0;
	s2 =	ssub.s32 $0x2, s2  }
0x6: {  	s5 =	sshll.u32 s25, $0x8;
	s6 =	sshll.u32 s25, $0xE;
	s8 =	sshll.u32 s25, $0x9  }
0x7: {  	s4 =	sshll.u32 s25, $0xB;
	[dreg:$0x3] =	wrdreg s3;
	s26 =	sadd.s32 s0, s8  }
0x8: {  	s5 =	sadd.s32 s5, s0;
	s1 =	sadd.s32 s1, s4;
	[dreg:$0x4] =	wrdreg s26  }
0x9: {  	s6 =	sadd.s32 s6, s0;
	[dreg:$0x5] =	wrdreg s1;
	s28 =	sadd.s32 $0x4000, s5  }
0xa: {  	s7 =	sshrl.u32 s2, $0x1;
	s29 =	sadd.s32 $0x206000, s6;
	[dreg:$0x6] =	wrdreg s28  }
0xb: {  	v2 =	vlaneseq.u32;
	s2 =	ssub.s32 s2, s7;
	s30 =	sadd.s32 $0x206040, s6;
	[dreg:$0x7] =	wrdreg s29  }
0xc: {  	vm0 =	vmmov $0xffff;
	v1 =	vshrl.u32 v2, $0x3;
	s7 =	sadd.s32 $0x6100, s0;
	s31 =	smax.u32 s2, $0x1;
	[dreg:$0x8] =	wrdreg s30  }
0xd: {  	v0 =	vand.u32 $0x7, v2;
	v2 =	vor.u32 $0x8, v2;
	v1 =	vmul.u32 $0x8, v1;
	s8 =	sadd.s32 $0x6200, s0;
	s2 =	simm.s32 $0x0;
	[dreg:$0x9] =	wrdreg s31  }
.LBB2_1:
0xe: {  	[dreg:$0xa] =	wrdreg s2;
	s0 =	simm.s32 $0x0  }
0xf: {  	s1 =	rddreg [dreg:$0x4];
	s20 =	simm.s32 $0x10800;
	s21 =	simm.s32 $0x5  }
0x10: {  	[tilespmem:s20], [sflag:$0x5] =	stream.linear.gather [hbm4b:s1+s0], $0x1000, $0x38;
	[tilespmem:$0x17800] =	vst v63  }
0x11: {  	_ =	swait.ge [sflag:s21], $0x1000  }
0x12: {  	[sflag:s21] =	ssyncset.done $0x0  }
0x13: {  	s4 =	simm.s32 $0x13800;
	s22 =	rddreg [dreg:$0x5];
	[sflag:s21] =	ssyncadd.s32 $0xFFFFF000  }
0x14: {  	[tilespmem:s4], [sflag:$0x5] =	stream.linear.gather [hbm4b:s22+s0], $0x4000, $0x38;
	[tilespmem:$0x17800] =	vst v63  }
0x15: {  	_ =	swait.ge [sflag:s21], $0x4000  }
0x16: {  	[sflag:s21] =	ssyncset.done $0x0  }
0x17: {  	s23 =	rddreg [dreg:$0x6];
	[sflag:s21] =	ssyncadd.s32 $0xFFFFC000  }
0x18: {  	[tilespmem:s0], [sflag:$0x5] =	stream.linear.gather [hbm4b:s23+s0], $0x800, $0x38;
	[tilespmem:$0x17800] =	vst v63  }
0x19: {  	_ =	swait.ge [sflag:s21], $0x800  }
0x1a: {  	[sflag:s21] =	ssyncset.done $0x0  }
0x1b: {  	[sflag:s21] =	ssyncadd.s32 $0xFFFFF800  }
0x1c: {  	v3 =	vld [tilespmem:$0x10800];
	_ =	sdelay $0x4  }
0x1d: {  	v4 =	vshll.u32 v3, $0x3  }
0x1e: {  	v3 =	vand.u32 $0x7, v3;
	v4 =	vand.u32 $0xFFFFFFC0, v4  }
0x1f: {  	v3 =	vor.u32 v3, v4  }
0x20: {  	v4 =	vperm.xlane v3, v0;
	_ =	sdelay $0x1  }
0x21: {  	v4 =	vadd.s32 v1, v4;
	_ =	sdelay $0x3  }
0x22: {  	s24 =	simm.s32 $0x800  }
0x23: {  	[tilespmem:s24], [sflag:$0x1] =	stream.indirect_vreg.gather [hbm4b:s3+s0], $0x80, v4, vm0, $0xb8;
	[tilespmem:$0x17800] =	vst v63  }
0x24: {  	s25 =	simm.s32 $0x1000;
	v3 =	vperm.xlane v3, v2  }
0x25: {  	[tilespmem:s25], [sflag:$0x1] =	stream.indirect_vreg.gather [hbm4b:s7+s0], $0x80, v4, vm0, $0xb8;
	[tilespmem:$0x17800] =	vst v63  }
0x26: {  	s26 =	simm.s32 $0x1800;
	v3 =	vadd.s32 v1, v3  }
0x27: {  	[tilespmem:s26], [sflag:$0x1] =	stream.indirect_vreg.gather [hbm4b:s8+s0], $0x80, v4, vm0, $0xb8;
	[tilespmem:$0x17800] =	vst v63  }
0x28: {  	s28 =	simm.s32 $0x2000  }
0x29: {  	[tilespmem:s28], [sflag:$0x1] =	stream.indirect_vreg.gather [hbm4b:s9+s0], $0x80, v4, vm0, $0xb8;
	[tilespmem:$0x17800] =	vst v63  }
0x2a: {  	s29 =	simm.s32 $0x2800  }
0x2b: {  	[tilespmem:s29], [sflag:$0x1] =	stream.indirect_vreg.gather [hbm4b:s3+s0], $0x80, v3, vm0, $0xb8;
	[tilespmem:$0x17800] =	vst v63  }
0x2c: {  	s30 =	simm.s32 $0x3000  }
0x2d: {  	[tilespmem:s30], [sflag:$0x1] =	stream.indirect_vreg.gather [hbm4b:s7+s0], $0x80, v3, vm0, $0xb8;
	[tilespmem:$0x17800] =	vst v63  }
0x2e: {  	s31 =	simm.s32 $0x3800  }
0x2f: {  	[tilespmem:s31], [sflag:$0x1] =	stream.indirect_vreg.gather [hbm4b:s8+s0], $0x80, v3, vm0, $0xb8;
	[tilespmem:$0x17800] =	vst v63  }
0x30: {  	s2 =	simm.s32 $0x4000  }
0x31: {  	[tilespmem:s2], [sflag:$0x1] =	stream.indirect_vreg.gather [hbm4b:s9+s0], $0x80, v3, vm0, $0xb8;
	[tilespmem:$0x17800] =	vst v63  }
0x32: {  	v3 =	vld [tilespmem:$0x10810];
	_ =	sdelay $0x4  }
0x33: {  	v61 =	vshll.u32 v3, $0x3  }
0x34: {  	v3 =	vand.u32 $0x7, v3;
	v4 =	vand.u32 $0xFFFFFFC0, v61  }
0x35: {  	v3 =	vor.u32 v3, v4  }
0x36: {  	v4 =	vperm.xlane v3, v0;
	_ =	sdelay $0x1  }
0x37: {  	v4 =	vadd.s32 v1, v4;
	_ =	sdelay $0x3  }
0x38: {  	s4 =	simm.s32 $0x4800  }
0x39: {  	[tilespmem:s4], [sflag:$0x1] =	stream.indirect_vreg.gather [hbm4b:s3+s0], $0x80, v4, vm0, $0xb8;
	[tilespmem:$0x17800] =	vst v63  }
0x3a: {  	s5 =	simm.s32 $0x5000;
	v3 =	vperm.xlane v3, v2  }
0x3b: {  	[tilespmem:s5], [sflag:$0x1] =	stream.indirect_vreg.gather [hbm4b:s7+s0], $0x80, v4, vm0, $0xb8;
	[tilespmem:$0x17800] =	vst v63  }
0x3c: {  	s6 =	simm.s32 $0x5800;
	v3 =	vadd.s32 v1, v3  }
0x3d: {  	[tilespmem:s6], [sflag:$0x1] =	stream.indirect_vreg.gather [hbm4b:s8+s0], $0x80, v4, vm0, $0xb8;
	[tilespmem:$0x17800] =	vst v63  }
0x3e: {  	s10 =	simm.s32 $0x6000  }
0x3f: {  	[tilespmem:s10], [sflag:$0x1] =	stream.indirect_vreg.gather [hbm4b:s9+s0], $0x80, v4, vm0, $0xb8;
	[tilespmem:$0x17800] =	vst v63  }
0x40: {  	s11 =	simm.s32 $0x6800  }
0x41: {  	[tilespmem:s11], [sflag:$0x1] =	stream.indirect_vreg.gather [hbm4b:s3+s0], $0x80, v3, vm0, $0xb8;
	[tilespmem:$0x17800] =	vst v63  }
0x42: {  	s12 =	simm.s32 $0x7000  }
0x43: {  	[tilespmem:s12], [sflag:$0x1] =	stream.indirect_vreg.gather [hbm4b:s7+s0], $0x80, v3, vm0, $0xb8;
	[tilespmem:$0x17800] =	vst v63  }
0x44: {  	s13 =	simm.s32 $0x7800  }
0x45: {  	[tilespmem:s13], [sflag:$0x1] =	stream.indirect_vreg.gather [hbm4b:s8+s0], $0x80, v3, vm0, $0xb8;
	[tilespmem:$0x17800] =	vst v63  }
0x46: {  	s14 =	simm.s32 $0x8000  }
0x47: {  	[tilespmem:s14], [sflag:$0x1] =	stream.indirect_vreg.gather [hbm4b:s9+s0], $0x80, v3, vm0, $0xb8;
	[tilespmem:$0x17800] =	vst v63  }
0x48: {  	v3 =	vld [tilespmem:$0x10880];
	_ =	sdelay $0x4  }
0x49: {  	v62 =	vshll.u32 v3, $0x3  }
0x4a: {  	v3 =	vand.u32 $0x7, v3;
	v4 =	vand.u32 $0xFFFFFFC0, v62  }
0x4b: {  	v3 =	vor.u32 v3, v4  }
0x4c: {  	v4 =	vperm.xlane v3, v0;
	_ =	sdelay $0x1  }
0x4d: {  	v4 =	vadd.s32 v1, v4;
	_ =	sdelay $0x3  }
0x4e: {  	s15 =	simm.s32 $0x8800  }
0x4f: {  	[tilespmem:s15], [sflag:$0x2] =	stream.indirect_vreg.gather [hbm4b:s3+s0], $0x80, v4, vm0, $0xb8;
	[tilespmem:$0x17800] =	vst v63  }
0x50: {  	s16 =	simm.s32 $0x9000;
	v3 =	vperm.xlane v3, v2  }
0x51: {  	[tilespmem:s16], [sflag:$0x2] =	stream.indirect_vreg.gather [hbm4b:s7+s0], $0x80, v4, vm0, $0xb8;
	[tilespmem:$0x17800] =	vst v63  }
0x52: {  	s17 =	simm.s32 $0x9800;
	v3 =	vadd.s32 v1, v3  }
0x53: {  	[tilespmem:s17], [sflag:$0x2] =	stream.indirect_vreg.gather [hbm4b:s8+s0], $0x80, v4, vm0, $0xb8;
	[tilespmem:$0x17800] =	vst v63  }
0x54: {  	s18 =	simm.s32 $0xA000  }
0x55: {  	[tilespmem:s18], [sflag:$0x2] =	stream.indirect_vreg.gather [hbm4b:s9+s0], $0x80, v4, vm0, $0xb8;
	[tilespmem:$0x17800] =	vst v63  }
0x56: {  	s19 =	simm.s32 $0xA800  }
0x57: {  	[tilespmem:s19], [sflag:$0x2] =	stream.indirect_vreg.gather [hbm4b:s3+s0], $0x80, v3, vm0, $0xb8;
	[tilespmem:$0x17800] =	vst v63  }
0x58: {  	s20 =	simm.s32 $0xB000  }
0x59: {  	[tilespmem:s20], [sflag:$0x2] =	stream.indirect_vreg.gather [hbm4b:s7+s0], $0x80, v3, vm0, $0xb8;
	[tilespmem:$0x17800] =	vst v63  }
0x5a: {  	s21 =	simm.s32 $0xB800  }
0x5b: {  	[tilespmem:s21], [sflag:$0x2] =	stream.indirect_vreg.gather [hbm4b:s8+s0], $0x80, v3, vm0, $0xb8;
	[tilespmem:$0x17800] =	vst v63  }
0x5c: {  	s22 =	simm.s32 $0xC000  }
0x5d: {  	[tilespmem:s22], [sflag:$0x2] =	stream.indirect_vreg.gather [hbm4b:s9+s0], $0x80, v3, vm0, $0xb8;
	[tilespmem:$0x17800] =	vst v63  }
0x5e: {  	v3 =	vld [tilespmem:$0x10890];
	_ =	sdelay $0x4  }
0x5f: {  	v63 =	vshll.u32 v3, $0x3  }
0x60: {  	v3 =	vand.u32 $0x7, v3;
	v4 =	vand.u32 $0xFFFFFFC0, v63  }
0x61: {  	v3 =	vor.u32 v3, v4  }
0x62: {  	v4 =	vperm.xlane v3, v0;
	_ =	sdelay $0x1  }
0x63: {  	v4 =	vadd.s32 v1, v4;
	_ =	sdelay $0x3  }
0x64: {  	s23 =	simm.s32 $0xC800  }
0x65: {  	[tilespmem:s23], [sflag:$0x2] =	stream.indirect_vreg.gather [hbm4b:s3+s0], $0x80, v4, vm0, $0xb8;
	[tilespmem:$0x17800] =	vst v63  }
0x66: {  	s24 =	simm.s32 $0xD000;
	v3 =	vperm.xlane v3, v2  }
0x67: {  	[tilespmem:s24], [sflag:$0x2] =	stream.indirect_vreg.gather [hbm4b:s7+s0], $0x80, v4, vm0, $0xb8;
	[tilespmem:$0x17800] =	vst v63  }
0x68: {  	s25 =	simm.s32 $0xD800;
	v3 =	vadd.s32 v1, v3  }
0x69: {  	[tilespmem:s25], [sflag:$0x2] =	stream.indirect_vreg.gather [hbm4b:s8+s0], $0x80, v4, vm0, $0xb8;
	[tilespmem:$0x17800] =	vst v63  }
0x6a: {  	s26 =	simm.s32 $0xE000  }
0x6b: {  	[tilespmem:s26], [sflag:$0x2] =	stream.indirect_vreg.gather [hbm4b:s9+s0], $0x80, v4, vm0, $0xb8;
	[tilespmem:$0x17800] =	vst v63  }
0x6c: {  	s28 =	simm.s32 $0xE800  }
0x6d: {  	[tilespmem:s28], [sflag:$0x2] =	stream.indirect_vreg.gather [hbm4b:s3+s0], $0x80, v3, vm0, $0xb8;
	[tilespmem:$0x17800] =	vst v63  }
0x6e: {  	s29 =	simm.s32 $0xF000  }
0x6f: {  	[tilespmem:s29], [sflag:$0x2] =	stream.indirect_vreg.gather [hbm4b:s7+s0], $0x80, v3, vm0, $0xb8;
	[tilespmem:$0x17800] =	vst v63  }
0x70: {  	s30 =	simm.s32 $0xF800  }
0x71: {  	[tilespmem:s30], [sflag:$0x2] =	stream.indirect_vreg.gather [hbm4b:s8+s0], $0x80, v3, vm0, $0xb8;
	[tilespmem:$0x17800] =	vst v63  }
0x72: {  	s31 =	simm.s32 $0x10000;
	s19 =	simm.s32 $0x0  }
0x73: {  	[tilespmem:s31], [sflag:$0x2] =	stream.indirect_vreg.gather [hbm4b:s9+s0], $0x80, v3, vm0, $0xb8;
	[tilespmem:$0x17800] =	vst v63  }
.LBB2_2:
0x74: {  	s0 =	simm.s32 $0x1  }
0x75: {  	_ =	swait.ge [sflag:s0], $0x8000  }
0x76: {  	p1 =	seq.s32 s19, $0x0;
	[sflag:s0] =	ssyncset.done $0x0  }
0x77: {  	[sflag:s0] =	ssyncadd.s32 $0xFFFF8000;
	s0 =	simm.s32 @!p1 $0x3  }
0x78: {  	_ =	swait.ge @!p1 [sflag:s0], $0x1000  }
0x79: {  	s1 =	sshll.u32 s19, $0xC;
	[sflag:s0] =	ssyncset.done @!p1 $0x0  }
0x7a: {  	s20 =	sshra.s32 s1, $0x2;
	[sflag:s0] =	ssyncadd.s32 @!p1 $0xFFFFF000  }
0x7b: {  	v6 =	vld [tilespmem:s20+$0x13800]  }
0x7c: {  	v8 =	vld [tilespmem:s20+$0x13810]  }
0x7d: {  	v9 =	vld [tilespmem:s20+$0x13820]  }
0x7e: {  	v10 =	vld [tilespmem:s20+$0x13830]  }
0x7f: {  	v7 =	vld [tilespmem:s20+$0x13840]  }
0x80: {  	s22 =	simm.s32 $0x0;
	s26 =	simm.s32 $0x0;
	v5 =	vld [tilespmem:s20+$0x13850]  }
0x81: {  	s28 =	sshll.u32 s19, $0x7;
	s4 =	sand.u32 $0x40, s22;
	s0 =	sand.u32 $0x3FFFFC00, s26;
	v4 =	vld [tilespmem:s20+$0x13860]  }
0x82: {  	s21 =	sand.u32 $0x3FFFFF80, s28;
	s29 =	sor.u32 $0x30, s4;
	v3 =	vld [tilespmem:s20+$0x13870];
	s5 =	sadd.s32 $0x800, s0  }
0x83: {  	v11 =	vld [tilespmem:s21+$0x0];
	s6 =	sor.u32 s29, s5  }
0x84: {  	s25 =	sor.u32 s4, s5;
	v12 =	vld [tilespmem:s6+$0x0]  }
0x85: {  	s30 =	sor.u32 $0x10, s4;
	v13 =	vld [tilespmem:s25+$0x0]  }
0x86: {  	s24 =	sor.u32 s30, s5;
	v14 =	vld [tilespmem:s6+$0x80]  }
0x87: {  	s2 =	sor.u32 $0x20, s4;
	v15 =	vld [tilespmem:s24+$0x0]  }
0x88: {  	s23 =	sor.u32 s2, s5;
	v16 =	vld [tilespmem:s6+$0x100]  }
0x89: {  	v17 =	vld [tilespmem:s23+$0x0]  }
0x8a: {  	v18 =	vld [tilespmem:s6+$0x180]  }
0x8b: {  	v19 =	vld [tilespmem:s25+$0x80];
	v12 =	vmul.f32 v12, v6  }
0x8c: {  	v20 =	vld [tilespmem:s6+$0x200]  }
0x8d: {  	v21 =	vld [tilespmem:s24+$0x80];
	v14 =	vmul.f32 v14, v8;
	v12 =	vadd.f32 v12, v11  }
0x8e: {  	v22 =	vld [tilespmem:s6+$0x280]  }
0x8f: {  	v23 =	vld [tilespmem:s6+$0x300];
	v12 =	vadd.f32 v14, v12;
	v14 =	vmul.f32 v16, v9  }
0x90: {  	v24 =	vld [tilespmem:s6+$0x380];
	v13 =	vmul.f32 v13, v6  }
0x91: {  	v25 =	vld [tilespmem:s23+$0x100];
	v12 =	vadd.f32 v14, v12;
	v14 =	vmul.f32 v18, v10  }
0x92: {  	v19 =	vmul.f32 v19, v8;
	v13 =	vadd.f32 v13, v11;
	v16 =	vld [tilespmem:s23+$0x80]  }
0x93: {  	v18 =	vld [tilespmem:s25+$0x100];
	v12 =	vadd.f32 v14, v12;
	v14 =	vmul.f32 v20, v7  }
0x94: {  	v15 =	vmul.f32 v15, v6;
	v17 =	vmul.f32 v17, v6;
	v13 =	vadd.f32 v19, v13;
	v20 =	vld [tilespmem:s24+$0x100]  }
0x95: {  	v19 =	vmul.f32 v21, v8;
	v21 =	vld [tilespmem:s24+$0x180];
	v12 =	vadd.f32 v14, v12;
	v14 =	vmul.f32 v22, v5  }
0x96: {  	v15 =	vadd.f32 v15, v11;
	v17 =	vadd.f32 v17, v11;
	v22 =	vld [tilespmem:s25+$0x180]  }
0x97: {  	v16 =	vmul.f32 v16, v8;
	v12 =	vadd.f32 v14, v12;
	v14 =	vmul.f32 v23, v4;
	v23 =	vld [tilespmem:s23+$0x180]  }
0x98: {  	v15 =	vadd.f32 v19, v15;
	v19 =	vld [tilespmem:s25+$0x200];
	v18 =	vmul.f32 v18, v9  }
0x99: {  	v26 =	vld [tilespmem:s24+$0x200];
	v24 =	vmul.f32 v24, v3;
	v16 =	vadd.f32 v16, v17;
	v20 =	vmul.f32 v20, v9  }
0x9a: {  	s31 =	simm.s32 $0x0;
	v17 =	vadd.f32 v18, v13;
	v18 =	vmul.f32 v25, v9;
	v14 =	vadd.f32 v14, v12;
	v12 =	vld [tilespmem:s23+$0x200]  }
0x9b: {  	s5 =	sand.u32 $0x3FFFFE00, s31;
	v21 =	vmul.f32 v21, v10;
	v13 =	vld [tilespmem:s25+$0x280];
	v22 =	vmul.f32 v22, v10;
	v63 =	vadd.f32 v20, v15  }
0x9c: {  	s5 =	sadd.s32 $0x11800, s5;
	v18 =	vadd.f32 v18, v16;
	v24 =	vadd.f32 v24, v14;
	v14 =	vld [tilespmem:s24+$0x280];
	v23 =	vmul.f32 v23, v10  }
0x9d: {  	s1 =	sor.u32 s29, s5;
	v20 =	vmul.f32 v19, v7;
	v15 =	vld [tilespmem:s23+$0x280];
	v17 =	vadd.f32 v22, v17  }
0x9e: {  	s26 =	sor.u32 s4, s5;
	s4 =	sor.u32 s30, s5;
	s5 =	sor.u32 s2, s5;
	v16 =	vld [tilespmem:s25+$0x300];
	v19 =	vadd.f32 v21, v63;
	v21 =	vmul.f32 v26, v7;
	[tilespmem:s1+$0x0] =	vst v24;
	v18 =	vadd.f32 v23, v18  }
.LBB2_3:
0x9f: {  	s22 =	sadd.s32 $0x40, s22;
	v17 =	vadd.f32 v20, v17;
	v20 =	vld [tilespmem:s24+$0x300];
	v12 =	vmul.f32 v12, v7  }
0xa0: {  	s0 =	sshll.u32 s22, $0x3;
	p0 =	slt.u32 s22, $0x3C0;
	v13 =	vmul.f32 v13, v5;
	v19 =	vadd.f32 v21, v19;
	v21 =	vld [tilespmem:s23+$0x300]  }
0xa1: {  	s28 =	sand.u32 $0x40, s22;
	s0 =	sand.u32 $0x3FFFFC00, s0;
	v22 =	vld [tilespmem:s25+$0x380];
	v14 =	vmul.f32 v14, v5;
	v12 =	vadd.f32 v12, v18  }
0xa2: {  	s29 =	sor.u32 $0x10, s28;
	s6 =	sor.u32 $0x30, s28;
	s1 =	sadd.s32 $0x800, s0;
	v13 =	vadd.f32 v13, v17;
	v17 =	vld [tilespmem:s24+$0x380];
	v15 =	vmul.f32 v15, v5  }
0xa3: {  	s12 =	sor.u32 $0x20, s28;
	s25 =	sor.u32 s28, s1;
	s0 =	sor.u32 s6, s1;
	v16 =	vmul.f32 v16, v4;
	v14 =	vadd.f32 v14, v19;
	v18 =	vld [tilespmem:s23+$0x380]  }
0xa4: {  	s24 =	sor.u32 s29, s1;
	s23 =	sor.u32 s12, s1;
	v19 =	vld [tilespmem:s0+$0x0];
	v20 =	vmul.f32 v20, v4;
	v12 =	vadd.f32 v15, v12  }
0xa5: {  	v15 =	vld [tilespmem:s25+$0x0];
	v13 =	vadd.f32 v16, v13;
	v16 =	vmul.f32 v21, v4  }
0xa6: {  	v21 =	vld [tilespmem:s0+$0x80];
	v22 =	vmul.f32 v22, v3;
	v14 =	vadd.f32 v20, v14  }
0xa7: {  	v20 =	vld [tilespmem:s24+$0x0];
	v17 =	vmul.f32 v17, v3;
	v12 =	vadd.f32 v16, v12  }
0xa8: {  	v16 =	vld [tilespmem:s0+$0x100];
	v13 =	vadd.f32 v22, v13;
	v18 =	vmul.f32 v18, v3  }
0xa9: {  	v22 =	vld [tilespmem:s23+$0x0];
	v19 =	vmul.f32 v19, v6;
	v14 =	vadd.f32 v17, v14  }
0xaa: {  	v15 =	vmul.f32 v15, v6;
	v17 =	vld [tilespmem:s0+$0x180];
	[tilespmem:s26+$0x0] =	vst v13;
	v12 =	vadd.f32 v18, v12  }
0xab: {  	v13 =	vld [tilespmem:s25+$0x80];
	v18 =	vadd.f32 v19, v11;
	v19 =	vmul.f32 v21, v8;
	[tilespmem:s4+$0x0] =	vst v14  }
0xac: {  	v14 =	vadd.f32 v15, v11;
	v15 =	vmul.f32 v20, v6;
	v20 =	vld [tilespmem:s0+$0x200];
	[tilespmem:s5+$0x0] =	vst v12  }
0xad: {  	v12 =	vld [tilespmem:s24+$0x80];
	v18 =	vadd.f32 v19, v18;
	v16 =	vmul.f32 v16, v9  }
0xae: {  	v15 =	vadd.f32 v15, v11;
	v19 =	vmul.f32 v22, v6;
	v21 =	vld [tilespmem:s0+$0x280]  }
0xaf: {  	v22 =	vld [tilespmem:s23+$0x80];
	v16 =	vadd.f32 v16, v18;
	v17 =	vmul.f32 v17, v10  }
0xb0: {  	v13 =	vmul.f32 v13, v8;
	v18 =	vadd.f32 v19, v11;
	v19 =	vld [tilespmem:s0+$0x300]  }
0xb1: {  	v23 =	vld [tilespmem:s25+$0x100];
	v16 =	vadd.f32 v17, v16;
	v17 =	vmul.f32 v20, v7  }
0xb2: {  	v13 =	vadd.f32 v13, v14;
	v12 =	vmul.f32 v12, v8;
	v14 =	vld [tilespmem:s0+$0x380]  }
0xb3: {  	v20 =	vld [tilespmem:s24+$0x100];
	v16 =	vadd.f32 v17, v16;
	v17 =	vmul.f32 v21, v5  }
0xb4: {  	v12 =	vadd.f32 v12, v15;
	v15 =	vmul.f32 v22, v8;
	v21 =	vld [tilespmem:s23+$0x100]  }
0xb5: {  	v22 =	vld [tilespmem:s25+$0x180];
	v16 =	vadd.f32 v17, v16;
	v17 =	vmul.f32 v19, v4  }
0xb6: {  	s0 =	sshll.u32 s22, $0x2;
	v19 =	vmul.f32 v23, v9;
	v23 =	vld [tilespmem:s24+$0x180];
	v15 =	vadd.f32 v15, v18  }
0xb7: {  	s0 =	sand.u32 $0x3FFFFE00, s0;
	v18 =	vld [tilespmem:s23+$0x180];
	v16 =	vadd.f32 v17, v16;
	v14 =	vmul.f32 v14, v3  }
0xb8: {  	s0 =	sadd.s32 $0x11800, s0;
	v17 =	vadd.f32 v19, v13;
	v19 =	vld [tilespmem:s25+$0x200];
	v13 =	vmul.f32 v20, v9  }
0xb9: {  	s26 =	sor.u32 s28, s0;
	v24 =	vld [tilespmem:s24+$0x200];
	v20 =	vmul.f32 v21, v9;
	v14 =	vadd.f32 v14, v16  }
.Ltmp0:
0xba: {  	s4 =	sor.u32 s29, s0;
	s1 =	sor.u32 s6, s0;
	v16 =	vmul.f32 v22, v10;
	v21 =	vadd.f32 v13, v12;
	v12 =	vld [tilespmem:s23+$0x200];
	(pc) =	sbr.rel @p0 .LBB2_3-.Ltmp0, $4  }
0xbb: {  	s5 =	sor.u32 s12, s0;
	v13 =	vld [tilespmem:s25+$0x280];
	v22 =	vmul.f32 v23, v10;
	v23 =	vadd.f32 v20, v15;
	[tilespmem:s1+$0x0] =	vst v14  }
0xbc: {  	v17 =	vadd.f32 v16, v17;
	v14 =	vld [tilespmem:s24+$0x280];
	v18 =	vmul.f32 v18, v10  }
0xbd: {  	v20 =	vmul.f32 v19, v7;
	v19 =	vadd.f32 v22, v21;
	v15 =	vld [tilespmem:s23+$0x280]  }
0xbe: {  	v16 =	vld [tilespmem:s25+$0x300];
	v21 =	vmul.f32 v24, v7;
	v18 =	vadd.f32 v18, v23  }
0xbf: {  	v6 =	vld [tilespmem:s24+$0x300]  }
0xc0: {  	v8 =	vld [tilespmem:s23+$0x300]  }
0xc1: {  	v7 =	vmul.f32 v12, v7;
	v9 =	vld [tilespmem:s25+$0x380]  }
0xc2: {  	v10 =	vadd.f32 v20, v17;
	v11 =	vmul.f32 v13, v5;
	v12 =	vadd.f32 v21, v19;
	v13 =	vld [tilespmem:s24+$0x380]  }
0xc3: {  	v14 =	vmul.f32 v14, v5;
	v7 =	vadd.f32 v7, v18;
	v5 =	vmul.f32 v15, v5;
	v15 =	vld [tilespmem:s23+$0x380]  }
0xc4: {  	v10 =	vadd.f32 v11, v10;
	v11 =	vmul.f32 v16, v4  }
0xc5: {  	v12 =	vadd.f32 v14, v12;
	v6 =	vmul.f32 v6, v4;
	v5 =	vadd.f32 v5, v7  }
0xc6: {  	v4 =	vmul.f32 v8, v4;
	v8 =	vmul.f32 v9, v3;
	v7 =	vadd.f32 v11, v10  }
0xc7: {  	v9 =	vmul.f32 v13, v3;
	v6 =	vadd.f32 v6, v12  }
0xc8: {  	v4 =	vadd.f32 v4, v5;
	v5 =	vadd.f32 v8, v7;
	v3 =	vmul.f32 v15, v3  }
0xc9: {  	v6 =	vadd.f32 v9, v6  }
0xca: {  	[tilespmem:s26+$0x0] =	vst v5;
	v3 =	vadd.f32 v3, v4  }
0xcb: {  	[tilespmem:s4+$0x0] =	vst v6  }
0xcc: {  	[tilespmem:s5+$0x0] =	vst v3  }
0xcd: {  	v6 =	vld [tilespmem:s20+$0x13880]  }
0xce: {  	v8 =	vld [tilespmem:s20+$0x13890]  }
0xcf: {  	v9 =	vld [tilespmem:s20+$0x138A0]  }
0xd0: {  	v10 =	vld [tilespmem:s20+$0x138B0]  }
0xd1: {  	v7 =	vld [tilespmem:s20+$0x138C0]  }
0xd2: {  	s0 =	simm.s32 $0x0;
	v5 =	vld [tilespmem:s20+$0x138D0]  }
0xd3: {  	s22 =	simm.s32 $0x0;
	s0 =	sand.u32 $0x3FFFFC00, s0;
	v4 =	vld [tilespmem:s20+$0x138E0]  }
0xd4: {  	s1 =	sadd.s32 $0x2800, s0;
	s4 =	sand.u32 $0x40, s22;
	v3 =	vld [tilespmem:s20+$0x138F0]  }
0xd5: {  	s6 =	sadd.s32 $0x2880, s0;
	s18 =	sor.u32 s4, s1;
	v11 =	vld [tilespmem:s21+$0x10]  }
0xd6: {  	s16 =	sor.u32 $0x30, s4;
	s31 =	sor.u32 s4, s6;
	v13 =	vld [tilespmem:s18+$0x0]  }
0xd7: {  	s2 =	sor.u32 s16, s1;
	v19 =	vld [tilespmem:s31+$0x0]  }
0xd8: {  	s23 =	sor.u32 $0x10, s4;
	s24 =	sor.u32 s16, s6;
	v12 =	vld [tilespmem:s2+$0x0]  }
0xd9: {  	s10 =	sadd.s32 $0x2900, s0;
	s25 =	sor.u32 s23, s1;
	v14 =	vld [tilespmem:s24+$0x0]  }
0xda: {  	s5 =	sadd.s32 $0x2980, s0;
	s26 =	sor.u32 s16, s10;
	v15 =	vld [tilespmem:s25+$0x0]  }
0xdb: {  	s30 =	sor.u32 s16, s5;
	v16 =	vld [tilespmem:s26+$0x0]  }
0xdc: {  	s12 =	sadd.s32 $0x2A80, s0;
	s13 =	sor.u32 s23, s6;
	v18 =	vld [tilespmem:s30+$0x0]  }
0xdd: {  	s11 =	sadd.s32 $0x2A00, s0;
	s14 =	sor.u32 s16, s12;
	v21 =	vld [tilespmem:s13+$0x0];
	v12 =	vmul.f32 v12, v6  }
0xde: {  	s24 =	sor.u32 $0x20, s4;
	s2 =	sor.u32 s16, s11;
	v22 =	vld [tilespmem:s14+$0x0]  }
0xdf: {  	s1 =	sor.u32 s24, s1;
	v20 =	vld [tilespmem:s2+$0x0];
	v14 =	vmul.f32 v14, v8;
	v12 =	vadd.f32 v12, v11  }
0xe0: {  	s26 =	sor.u32 s24, s10;
	v17 =	vld [tilespmem:s1+$0x0];
	s1 =	sadd.s32 $0x2B00, s0  }
0xe1: {  	s0 =	sadd.s32 $0x2B80, s0;
	v25 =	vld [tilespmem:s26+$0x0];
	s15 =	sor.u32 s16, s1;
	v12 =	vadd.f32 v14, v12;
	v14 =	vmul.f32 v16, v9  }
0xe2: {  	s18 =	sor.u32 s16, s0;
	v23 =	vld [tilespmem:s15+$0x0];
	v13 =	vmul.f32 v13, v6  }
0xe3: {  	s6 =	sor.u32 s24, s6;
	v24 =	vld [tilespmem:s18+$0x0];
	v12 =	vadd.f32 v14, v12;
	v14 =	vmul.f32 v18, v10  }
0xe4: {  	s17 =	sor.u32 s4, s10;
	v19 =	vmul.f32 v19, v8;
	v13 =	vadd.f32 v13, v11;
	v16 =	vld [tilespmem:s6+$0x0]  }
0xe5: {  	s25 =	sor.u32 s23, s10;
	v18 =	vld [tilespmem:s17+$0x0];
	v12 =	vadd.f32 v14, v12;
	v14 =	vmul.f32 v20, v7  }
0xe6: {  	s31 =	sor.u32 s23, s5;
	v15 =	vmul.f32 v15, v6;
	v17 =	vmul.f32 v17, v6;
	v13 =	vadd.f32 v19, v13;
	v20 =	vld [tilespmem:s25+$0x0]  }
0xe7: {  	s30 =	sor.u32 s4, s5;
	v19 =	vmul.f32 v21, v8;
	v21 =	vld [tilespmem:s31+$0x0];
	v12 =	vadd.f32 v14, v12;
	v14 =	vmul.f32 v22, v5  }
0xe8: {  	s5 =	sor.u32 s24, s5;
	v15 =	vadd.f32 v15, v11;
	v17 =	vadd.f32 v17, v11;
	v22 =	vld [tilespmem:s30+$0x0]  }
0xe9: {  	s6 =	sor.u32 s4, s11;
	v16 =	vmul.f32 v16, v8;
	v12 =	vadd.f32 v14, v12;
	v14 =	vmul.f32 v23, v4;
	v23 =	vld [tilespmem:s5+$0x0]  }
0xea: {  	s10 =	sor.u32 s23, s11;
	v15 =	vadd.f32 v19, v15;
	v19 =	vld [tilespmem:s6+$0x0];
	v18 =	vmul.f32 v18, v9  }
0xeb: {  	s14 =	sor.u32 s4, s12;
	s13 =	sor.u32 s24, s11;
	v26 =	vld [tilespmem:s10+$0x0];
	v24 =	vmul.f32 v24, v3;
	v16 =	vadd.f32 v16, v17;
	v20 =	vmul.f32 v20, v9  }
0xec: {  	s26 =	sor.u32 s4, s1;
	s15 =	sor.u32 s23, s12;
	s25 =	simm.s32 $0x0;
	v17 =	vadd.f32 v18, v13;
	v18 =	vmul.f32 v25, v9;
	v14 =	vadd.f32 v14, v12;
	v12 =	vld [tilespmem:s13+$0x0]  }
0xed: {  	s18 =	sor.u32 s24, s12;
	s6 =	sor.u32 s23, s1;
	v21 =	vmul.f32 v21, v10;
	s12 =	sand.u32 $0x3FFFFE00, s25;
	v13 =	vld [tilespmem:s14+$0x0];
	v22 =	vmul.f32 v22, v10;
	v63 =	vadd.f32 v20, v15  }
0xee: {  	s17 =	sor.u32 s4, s0;
	s30 =	sadd.s32 $0x11800, s12;
	s12 =	sor.u32 s23, s0;
	v18 =	vadd.f32 v18, v16;
	v24 =	vadd.f32 v24, v14;
	v14 =	vld [tilespmem:s15+$0x0];
	v23 =	vmul.f32 v23, v10  }
0xef: {  	s31 =	sor.u32 s16, s30;
	s4 =	sor.u32 s4, s30;
	s28 =	sor.u32 s23, s30;
	v20 =	vmul.f32 v19, v7;
	v15 =	vld [tilespmem:s18+$0x0];
	v17 =	vadd.f32 v22, v17  }
0xf0: {  	s29 =	sor.u32 s24, s30;
	s5 =	sor.u32 s24, s0;
	s14 =	sor.u32 s24, s1;
	v16 =	vld [tilespmem:s26+$0x0];
	v19 =	vadd.f32 v21, v63;
	v21 =	vmul.f32 v26, v7;
	[tilespmem:s31+$0x80] =	vst v24;
	v18 =	vadd.f32 v23, v18  }
.LBB2_5:
0xf1: {  	s22 =	sadd.s32 $0x40, s22;
	v17 =	vadd.f32 v20, v17;
	v20 =	vld [tilespmem:s6+$0x0];
	v12 =	vmul.f32 v12, v7  }
0xf2: {  	s0 =	sshll.u32 s22, $0x3;
	p0 =	slt.u32 s22, $0x3C0;
	v13 =	vmul.f32 v13, v5;
	v19 =	vadd.f32 v21, v19;
	v21 =	vld [tilespmem:s14+$0x0]  }
0xf3: {  	s23 =	sand.u32 $0x40, s22;
	s14 =	sand.u32 $0x3FFFFC00, s0;
	v22 =	vld [tilespmem:s17+$0x0];
	v14 =	vmul.f32 v14, v5;
	v12 =	vadd.f32 v12, v18  }
0xf4: {  	s25 =	sor.u32 $0x10, s23;
	s24 =	sor.u32 $0x30, s23;
	s0 =	sadd.s32 $0x2800, s14;
	v13 =	vadd.f32 v13, v17;
	v17 =	vld [tilespmem:s12+$0x0];
	v15 =	vmul.f32 v15, v5  }
0xf5: {  	s26 =	sor.u32 $0x20, s23;
	s1 =	sor.u32 s23, s0;
	s2 =	sor.u32 s24, s0;
	v16 =	vmul.f32 v16, v4;
	v14 =	vadd.f32 v14, v19;
	v18 =	vld [tilespmem:s5+$0x0]  }
0xf6: {  	s5 =	sadd.s32 $0x2880, s14;
	s6 =	sor.u32 s25, s0;
	s0 =	sor.u32 s26, s0;
	v19 =	vld [tilespmem:s2+$0x0];
	v20 =	vmul.f32 v20, v4;
	v12 =	vadd.f32 v15, v12  }
0xf7: {  	s2 =	sor.u32 s23, s5;
	s10 =	sor.u32 s25, s5;
	v15 =	vld [tilespmem:s1+$0x0];
	s1 =	sor.u32 s24, s5;
	v13 =	vadd.f32 v16, v13;
	v16 =	vmul.f32 v21, v4  }
0xf8: {  	s11 =	sadd.s32 $0x2900, s14;
	s12 =	sor.u32 s26, s5;
	v21 =	vld [tilespmem:s1+$0x0];
	v22 =	vmul.f32 v22, v3;
	v14 =	vadd.f32 v20, v14  }
0xf9: {  	s5 =	sor.u32 s23, s11;
	s1 =	sor.u32 s25, s11;
	v20 =	vld [tilespmem:s6+$0x0];
	s6 =	sor.u32 s24, s11;
	v17 =	vmul.f32 v17, v3;
	v12 =	vadd.f32 v16, v12  }
0xfa: {  	s13 =	sadd.s32 $0x2980, s14;
	s15 =	sor.u32 s26, s11;
	v16 =	vld [tilespmem:s6+$0x0];
	v13 =	vadd.f32 v22, v13;
	v18 =	vmul.f32 v18, v3  }
0xfb: {  	s31 =	sor.u32 s23, s13;
	s18 =	sor.u32 s25, s13;
	s6 =	sor.u32 s24, s13;
	v22 =	vld [tilespmem:s0+$0x0];
	v19 =	vmul.f32 v19, v6;
	v14 =	vadd.f32 v17, v14  }
0xfc: {  	s11 =	sadd.s32 $0x2A00, s14;
	s0 =	sor.u32 s26, s13;
	v15 =	vmul.f32 v15, v6;
	v17 =	vld [tilespmem:s6+$0x0];
	[tilespmem:s4+$0x80] =	vst v13;
	v12 =	vadd.f32 v18, v12  }
0xfd: {  	s30 =	sor.u32 s23, s11;
	s4 =	sor.u32 s25, s11;
	v13 =	vld [tilespmem:s2+$0x0];
	v18 =	vadd.f32 v19, v11;
	v19 =	vmul.f32 v21, v8;
	s2 =	sor.u32 s24, s11;
	[tilespmem:s28+$0x80] =	vst v14  }
0xfe: {  	s6 =	sadd.s32 $0x2A80, s14;
	s11 =	sor.u32 s26, s11;
	v14 =	vadd.f32 v15, v11;
	v15 =	vmul.f32 v20, v6;
	v20 =	vld [tilespmem:s2+$0x0];
	[tilespmem:s29+$0x80] =	vst v12  }
0xff: {  	s16 =	sor.u32 s25, s6;
	s29 =	sor.u32 s23, s6;
	v12 =	vld [tilespmem:s10+$0x0];
	v18 =	vadd.f32 v19, v18;
	v16 =	vmul.f32 v16, v9;
	s10 =	sor.u32 s24, s6  }
0x100: {  	s13 =	sadd.s32 $0x2B00, s14;
	s2 =	sor.u32 s26, s6;
	v15 =	vadd.f32 v15, v11;
	v19 =	vmul.f32 v22, v6;
	v21 =	vld [tilespmem:s10+$0x0]  }
0x101: {  	s6 =	sor.u32 s25, s13;
	s10 =	sor.u32 s23, s13;
	v22 =	vld [tilespmem:s12+$0x0];
	v16 =	vadd.f32 v16, v18;
	v17 =	vmul.f32 v17, v10;
	s12 =	sor.u32 s24, s13  }
0x102: {  	s28 =	sadd.s32 $0x2B80, s14;
	s14 =	sor.u32 s26, s13;
	v13 =	vmul.f32 v13, v8;
	v18 =	vadd.f32 v19, v11;
	v19 =	vld [tilespmem:s12+$0x0]  }
0x103: {  	s17 =	sor.u32 s23, s28;
	s13 =	sor.u32 s24, s28;
	s12 =	sor.u32 s25, s28;
	v23 =	vld [tilespmem:s5+$0x0];
	v16 =	vadd.f32 v17, v16;
	v17 =	vmul.f32 v20, v7  }
0x104: {  	s5 =	sor.u32 s26, s28;
	v13 =	vadd.f32 v13, v14;
	v12 =	vmul.f32 v12, v8;
	v14 =	vld [tilespmem:s13+$0x0]  }
0x105: {  	v20 =	vld [tilespmem:s1+$0x0];
	v16 =	vadd.f32 v17, v16;
	v17 =	vmul.f32 v21, v5  }
0x106: {  	v12 =	vadd.f32 v12, v15;
	v15 =	vmul.f32 v22, v8;
	v21 =	vld [tilespmem:s15+$0x0]  }
0x107: {  	v22 =	vld [tilespmem:s31+$0x0];
	v16 =	vadd.f32 v17, v16;
	v17 =	vmul.f32 v19, v4  }
0x108: {  	s1 =	sshll.u32 s22, $0x2;
	v19 =	vmul.f32 v23, v9;
	v23 =	vld [tilespmem:s18+$0x0];
	v15 =	vadd.f32 v15, v18  }
0x109: {  	v18 =	vld [tilespmem:s0+$0x0];
	v16 =	vadd.f32 v17, v16;
	v14 =	vmul.f32 v14, v3;
	s0 =	sand.u32 $0x3FFFFE00, s1  }
0x10a: {  	v17 =	vadd.f32 v19, v13;
	v19 =	vld [tilespmem:s30+$0x0];
	v13 =	vmul.f32 v20, v9;
	s0 =	sadd.s32 $0x11800, s0  }
0x10b: {  	v24 =	vld [tilespmem:s4+$0x0];
	v20 =	vmul.f32 v21, v9;
	v14 =	vadd.f32 v14, v16;
	s4 =	sor.u32 s23, s0  }
.Ltmp1:
0x10c: {  	s28 =	sor.u32 s25, s0;
	s1 =	sor.u32 s24, s0;
	v16 =	vmul.f32 v22, v10;
	v21 =	vadd.f32 v13, v12;
	v12 =	vld [tilespmem:s11+$0x0];
	(pc) =	sbr.rel @p0 .LBB2_5-.Ltmp1, $4  }
0x10d: {  	v13 =	vld [tilespmem:s29+$0x0];
	v22 =	vmul.f32 v23, v10;
	v23 =	vadd.f32 v20, v15;
	s29 =	sor.u32 s26, s0;
	[tilespmem:s1+$0x80] =	vst v14  }
0x10e: {  	v17 =	vadd.f32 v16, v17;
	v14 =	vld [tilespmem:s16+$0x0];
	v18 =	vmul.f32 v18, v10  }
0x10f: {  	v20 =	vmul.f32 v19, v7;
	v19 =	vadd.f32 v22, v21;
	v15 =	vld [tilespmem:s2+$0x0]  }
0x110: {  	v16 =	vld [tilespmem:s10+$0x0];
	v21 =	vmul.f32 v24, v7;
	v18 =	vadd.f32 v18, v23  }
0x111: {  	v6 =	vld [tilespmem:s6+$0x0]  }
0x112: {  	v8 =	vld [tilespmem:s14+$0x0]  }
0x113: {  	v7 =	vmul.f32 v12, v7;
	v9 =	vld [tilespmem:s17+$0x0]  }
0x114: {  	v10 =	vadd.f32 v20, v17;
	v11 =	vmul.f32 v13, v5;
	v12 =	vadd.f32 v21, v19;
	v13 =	vld [tilespmem:s12+$0x0]  }
0x115: {  	v14 =	vmul.f32 v14, v5;
	v7 =	vadd.f32 v7, v18;
	v5 =	vmul.f32 v15, v5;
	v15 =	vld [tilespmem:s5+$0x0]  }
0x116: {  	v10 =	vadd.f32 v11, v10;
	v11 =	vmul.f32 v16, v4  }
0x117: {  	v12 =	vadd.f32 v14, v12;
	v6 =	vmul.f32 v6, v4;
	v5 =	vadd.f32 v5, v7  }
0x118: {  	v4 =	vmul.f32 v8, v4;
	v8 =	vmul.f32 v9, v3;
	v7 =	vadd.f32 v11, v10  }
0x119: {  	v9 =	vmul.f32 v13, v3;
	v6 =	vadd.f32 v6, v12  }
0x11a: {  	v4 =	vadd.f32 v4, v5;
	v5 =	vadd.f32 v8, v7;
	v3 =	vmul.f32 v15, v3  }
0x11b: {  	v6 =	vadd.f32 v9, v6  }
0x11c: {  	[tilespmem:s4+$0x80] =	vst v5;
	v3 =	vadd.f32 v3, v4  }
0x11d: {  	[tilespmem:s28+$0x80] =	vst v6  }
0x11e: {  	[tilespmem:s29+$0x80] =	vst v3  }
0x11f: {  	v6 =	vld [tilespmem:s20+$0x13900]  }
0x120: {  	v8 =	vld [tilespmem:s20+$0x13910]  }
0x121: {  	v9 =	vld [tilespmem:s20+$0x13920]  }
0x122: {  	v10 =	vld [tilespmem:s20+$0x13930]  }
0x123: {  	v7 =	vld [tilespmem:s20+$0x13940]  }
0x124: {  	s22 =	simm.s32 $0x0;
	s0 =	simm.s32 $0x0;
	v5 =	vld [tilespmem:s20+$0x13950]  }
0x125: {  	s0 =	sand.u32 $0x3FFFFC00, s0;
	s4 =	sand.u32 $0x40, s22;
	v4 =	vld [tilespmem:s20+$0x13960]  }
0x126: {  	s1 =	sadd.s32 $0x4800, s0;
	s16 =	sor.u32 $0x30, s4;
	v3 =	vld [tilespmem:s20+$0x13970]  }
0x127: {  	s2 =	sor.u32 s16, s1;
	v11 =	vld [tilespmem:s21+$0x20]  }
0x128: {  	s18 =	sadd.s32 $0x4880, s0;
	s17 =	sor.u32 s4, s1;
	v12 =	vld [tilespmem:s2+$0x0]  }
0x129: {  	s23 =	sor.u32 $0x10, s4;
	s24 =	sor.u32 s16, s18;
	v13 =	vld [tilespmem:s17+$0x0]  }
0x12a: {  	s10 =	sadd.s32 $0x4900, s0;
	s25 =	sor.u32 s23, s1;
	v14 =	vld [tilespmem:s24+$0x0]  }
0x12b: {  	s5 =	sadd.s32 $0x4980, s0;
	s26 =	sor.u32 s16, s10;
	v15 =	vld [tilespmem:s25+$0x0]  }
0x12c: {  	s30 =	sor.u32 s16, s5;
	v16 =	vld [tilespmem:s26+$0x0]  }
0x12d: {  	s31 =	sor.u32 s4, s18;
	v18 =	vld [tilespmem:s30+$0x0]  }
0x12e: {  	s12 =	sadd.s32 $0x4A80, s0;
	s13 =	sor.u32 s23, s18;
	v19 =	vld [tilespmem:s31+$0x0]  }
0x12f: {  	s11 =	sadd.s32 $0x4A00, s0;
	s14 =	sor.u32 s16, s12;
	v21 =	vld [tilespmem:s13+$0x0];
	v12 =	vmul.f32 v12, v6  }
0x130: {  	s24 =	sor.u32 $0x20, s4;
	s2 =	sor.u32 s16, s11;
	v22 =	vld [tilespmem:s14+$0x0]  }
0x131: {  	s1 =	sor.u32 s24, s1;
	v20 =	vld [tilespmem:s2+$0x0];
	v14 =	vmul.f32 v14, v8;
	v12 =	vadd.f32 v12, v11  }
0x132: {  	s26 =	sor.u32 s24, s10;
	v17 =	vld [tilespmem:s1+$0x0];
	s1 =	sadd.s32 $0x4B00, s0  }
0x133: {  	s0 =	sadd.s32 $0x4B80, s0;
	v25 =	vld [tilespmem:s26+$0x0];
	s15 =	sor.u32 s16, s1;
	v12 =	vadd.f32 v14, v12;
	v14 =	vmul.f32 v16, v9  }
0x134: {  	s6 =	sor.u32 s24, s18;
	s18 =	sor.u32 s16, s0;
	v23 =	vld [tilespmem:s15+$0x0];
	v13 =	vmul.f32 v13, v6  }
0x135: {  	v24 =	vld [tilespmem:s18+$0x0];
	v12 =	vadd.f32 v14, v12;
	v14 =	vmul.f32 v18, v10  }
0x136: {  	s17 =	sor.u32 s4, s10;
	v19 =	vmul.f32 v19, v8;
	v13 =	vadd.f32 v13, v11;
	v16 =	vld [tilespmem:s6+$0x0]  }
0x137: {  	s25 =	sor.u32 s23, s10;
	v18 =	vld [tilespmem:s17+$0x0];
	v12 =	vadd.f32 v14, v12;
	v14 =	vmul.f32 v20, v7  }
0x138: {  	s31 =	sor.u32 s23, s5;
	v15 =	vmul.f32 v15, v6;
	v17 =	vmul.f32 v17, v6;
	v13 =	vadd.f32 v19, v13;
	v20 =	vld [tilespmem:s25+$0x0]  }
0x139: {  	s30 =	sor.u32 s4, s5;
	v19 =	vmul.f32 v21, v8;
	v21 =	vld [tilespmem:s31+$0x0];
	v12 =	vadd.f32 v14, v12;
	v14 =	vmul.f32 v22, v5  }
0x13a: {  	s5 =	sor.u32 s24, s5;
	v15 =	vadd.f32 v15, v11;
	v17 =	vadd.f32 v17, v11;
	v22 =	vld [tilespmem:s30+$0x0]  }
0x13b: {  	s6 =	sor.u32 s4, s11;
	v16 =	vmul.f32 v16, v8;
	v12 =	vadd.f32 v14, v12;
	v14 =	vmul.f32 v23, v4;
	v23 =	vld [tilespmem:s5+$0x0]  }
0x13c: {  	s10 =	sor.u32 s23, s11;
	v15 =	vadd.f32 v19, v15;
	v19 =	vld [tilespmem:s6+$0x0];
	v18 =	vmul.f32 v18, v9  }
0x13d: {  	s14 =	sor.u32 s4, s12;
	s13 =	sor.u32 s24, s11;
	v26 =	vld [tilespmem:s10+$0x0];
	v24 =	vmul.f32 v24, v3;
	v16 =	vadd.f32 v16, v17;
	v20 =	vmul.f32 v20, v9  }
0x13e: {  	s26 =	sor.u32 s4, s1;
	s15 =	sor.u32 s23, s12;
	s25 =	simm.s32 $0x0;
	v17 =	vadd.f32 v18, v13;
	v18 =	vmul.f32 v25, v9;
	v14 =	vadd.f32 v14, v12;
	v12 =	vld [tilespmem:s13+$0x0]  }
0x13f: {  	s18 =	sor.u32 s24, s12;
	s6 =	sor.u32 s23, s1;
	s12 =	sand.u32 $0x3FFFFE00, s25;
	v21 =	vmul.f32 v21, v10;
	v13 =	vld [tilespmem:s14+$0x0];
	v22 =	vmul.f32 v22, v10;
	v63 =	vadd.f32 v20, v15  }
0x140: {  	s17 =	sor.u32 s4, s0;
	s30 =	sadd.s32 $0x11800, s12;
	s12 =	sor.u32 s23, s0;
	v18 =	vadd.f32 v18, v16;
	v24 =	vadd.f32 v24, v14;
	v14 =	vld [tilespmem:s15+$0x0];
	v23 =	vmul.f32 v23, v10  }
0x141: {  	s31 =	sor.u32 s16, s30;
	s4 =	sor.u32 s4, s30;
	s28 =	sor.u32 s23, s30;
	v20 =	vmul.f32 v19, v7;
	v15 =	vld [tilespmem:s18+$0x0];
	v17 =	vadd.f32 v22, v17  }
0x142: {  	s29 =	sor.u32 s24, s30;
	s5 =	sor.u32 s24, s0;
	s14 =	sor.u32 s24, s1;
	v16 =	vld [tilespmem:s26+$0x0];
	v19 =	vadd.f32 v21, v63;
	v21 =	vmul.f32 v26, v7;
	[tilespmem:s31+$0x100] =	vst v24;
	v18 =	vadd.f32 v23, v18  }
.LBB2_7:
0x143: {  	s22 =	sadd.s32 $0x40, s22;
	v17 =	vadd.f32 v20, v17;
	v20 =	vld [tilespmem:s6+$0x0];
	v12 =	vmul.f32 v12, v7  }
0x144: {  	s0 =	sshll.u32 s22, $0x3;
	p0 =	slt.u32 s22, $0x3C0;
	v13 =	vmul.f32 v13, v5;
	v19 =	vadd.f32 v21, v19;
	v21 =	vld [tilespmem:s14+$0x0]  }
0x145: {  	s23 =	sand.u32 $0x40, s22;
	s14 =	sand.u32 $0x3FFFFC00, s0;
	v22 =	vld [tilespmem:s17+$0x0];
	v14 =	vmul.f32 v14, v5;
	v12 =	vadd.f32 v12, v18  }
0x146: {  	s25 =	sor.u32 $0x10, s23;
	s24 =	sor.u32 $0x30, s23;
	s0 =	sadd.s32 $0x4800, s14;
	v13 =	vadd.f32 v13, v17;
	v17 =	vld [tilespmem:s12+$0x0];
	v15 =	vmul.f32 v15, v5  }
0x147: {  	s26 =	sor.u32 $0x20, s23;
	s1 =	sor.u32 s23, s0;
	s2 =	sor.u32 s24, s0;
	v16 =	vmul.f32 v16, v4;
	v14 =	vadd.f32 v14, v19;
	v18 =	vld [tilespmem:s5+$0x0]  }
0x148: {  	s5 =	sadd.s32 $0x4880, s14;
	s6 =	sor.u32 s25, s0;
	s10 =	sor.u32 s26, s0;
	v19 =	vld [tilespmem:s2+$0x0];
	v20 =	vmul.f32 v20, v4;
	v12 =	vadd.f32 v15, v12  }
0x149: {  	s2 =	sor.u32 s23, s5;
	s11 =	sor.u32 s25, s5;
	s0 =	sor.u32 s24, s5;
	v15 =	vld [tilespmem:s1+$0x0];
	v13 =	vadd.f32 v16, v13;
	v16 =	vmul.f32 v21, v4  }
0x14a: {  	s12 =	sadd.s32 $0x4900, s14;
	s13 =	sor.u32 s26, s5;
	v21 =	vld [tilespmem:s0+$0x0];
	v22 =	vmul.f32 v22, v3;
	v14 =	vadd.f32 v20, v14  }
0x14b: {  	s5 =	sor.u32 s23, s12;
	s1 =	sor.u32 s25, s12;
	s0 =	sor.u32 s24, s12;
	v20 =	vld [tilespmem:s6+$0x0];
	v17 =	vmul.f32 v17, v3;
	v12 =	vadd.f32 v16, v12  }
0x14c: {  	s15 =	sor.u32 s26, s12;
	s6 =	sadd.s32 $0x4980, s14;
	v16 =	vld [tilespmem:s0+$0x0];
	v13 =	vadd.f32 v22, v13;
	v18 =	vmul.f32 v18, v3  }
0x14d: {  	s0 =	sor.u32 s23, s6;
	s18 =	sor.u32 s25, s6;
	v22 =	vld [tilespmem:s10+$0x0];
	v19 =	vmul.f32 v19, v6;
	s10 =	sor.u32 s24, s6;
	v14 =	vadd.f32 v17, v14  }
0x14e: {  	s12 =	sadd.s32 $0x4A00, s14;
	s30 =	sor.u32 s26, s6;
	v15 =	vmul.f32 v15, v6;
	v17 =	vld [tilespmem:s10+$0x0];
	[tilespmem:s4+$0x100] =	vst v13;
	v12 =	vadd.f32 v18, v12  }
0x14f: {  	s6 =	sor.u32 s24, s12;
	s4 =	sor.u32 s23, s12;
	v13 =	vld [tilespmem:s2+$0x0];
	s2 =	sor.u32 s25, s12;
	v18 =	vadd.f32 v19, v11;
	v19 =	vmul.f32 v21, v8;
	[tilespmem:s28+$0x100] =	vst v14  }
0x150: {  	s31 =	sor.u32 s26, s12;
	s10 =	sadd.s32 $0x4A80, s14;
	v14 =	vadd.f32 v15, v11;
	v15 =	vmul.f32 v20, v6;
	v20 =	vld [tilespmem:s6+$0x0];
	[tilespmem:s29+$0x100] =	vst v12  }
0x151: {  	s16 =	sor.u32 s25, s10;
	s29 =	sor.u32 s23, s10;
	s6 =	sor.u32 s24, s10;
	v12 =	vld [tilespmem:s11+$0x0];
	v18 =	vadd.f32 v19, v18;
	v16 =	vmul.f32 v16, v9  }
0x152: {  	s12 =	sadd.s32 $0x4B00, s14;
	s10 =	sor.u32 s26, s10;
	v15 =	vadd.f32 v15, v11;
	v19 =	vmul.f32 v22, v6;
	v21 =	vld [tilespmem:s6+$0x0]  }
0x153: {  	s11 =	sor.u32 s23, s12;
	s6 =	sor.u32 s25, s12;
	v22 =	vld [tilespmem:s13+$0x0];
	v16 =	vadd.f32 v16, v18;
	v17 =	vmul.f32 v17, v10;
	s13 =	sor.u32 s24, s12  }
0x154: {  	s28 =	sadd.s32 $0x4B80, s14;
	s14 =	sor.u32 s26, s12;
	v13 =	vmul.f32 v13, v8;
	v18 =	vadd.f32 v19, v11;
	v19 =	vld [tilespmem:s13+$0x0]  }
0x155: {  	s17 =	sor.u32 s23, s28;
	s12 =	sor.u32 s25, s28;
	s13 =	sor.u32 s24, s28;
	v23 =	vld [tilespmem:s5+$0x0];
	v16 =	vadd.f32 v17, v16;
	v17 =	vmul.f32 v20, v7  }
0x156: {  	s5 =	sor.u32 s26, s28;
	v13 =	vadd.f32 v13, v14;
	v12 =	vmul.f32 v12, v8;
	v14 =	vld [tilespmem:s13+$0x0]  }
0x157: {  	v20 =	vld [tilespmem:s1+$0x0];
	v16 =	vadd.f32 v17, v16;
	v17 =	vmul.f32 v21, v5  }
0x158: {  	v12 =	vadd.f32 v12, v15;
	v15 =	vmul.f32 v22, v8;
	v21 =	vld [tilespmem:s15+$0x0]  }
0x159: {  	v22 =	vld [tilespmem:s0+$0x0];
	v16 =	vadd.f32 v17, v16;
	v17 =	vmul.f32 v19, v4  }
0x15a: {  	s0 =	sshll.u32 s22, $0x2;
	v19 =	vmul.f32 v23, v9;
	v23 =	vld [tilespmem:s18+$0x0];
	v15 =	vadd.f32 v15, v18  }
0x15b: {  	s0 =	sand.u32 $0x3FFFFE00, s0;
	v18 =	vld [tilespmem:s30+$0x0];
	v16 =	vadd.f32 v17, v16;
	v14 =	vmul.f32 v14, v3  }
0x15c: {  	s0 =	sadd.s32 $0x11800, s0;
	v17 =	vadd.f32 v19, v13;
	v19 =	vld [tilespmem:s4+$0x0];
	v13 =	vmul.f32 v20, v9  }
0x15d: {  	s4 =	sor.u32 s23, s0;
	v24 =	vld [tilespmem:s2+$0x0];
	v20 =	vmul.f32 v21, v9;
	v14 =	vadd.f32 v14, v16  }
.Ltmp2:
0x15e: {  	s28 =	sor.u32 s25, s0;
	s1 =	sor.u32 s24, s0;
	v16 =	vmul.f32 v22, v10;
	v21 =	vadd.f32 v13, v12;
	v12 =	vld [tilespmem:s31+$0x0];
	(pc) =	sbr.rel @p0 .LBB2_7-.Ltmp2, $4  }
0x15f: {  	v13 =	vld [tilespmem:s29+$0x0];
	v22 =	vmul.f32 v23, v10;
	v23 =	vadd.f32 v20, v15;
	s29 =	sor.u32 s26, s0;
	[tilespmem:s1+$0x100] =	vst v14  }
0x160: {  	v17 =	vadd.f32 v16, v17;
	v14 =	vld [tilespmem:s16+$0x0];
	v18 =	vmul.f32 v18, v10  }
0x161: {  	v20 =	vmul.f32 v19, v7;
	v19 =	vadd.f32 v22, v21;
	v15 =	vld [tilespmem:s10+$0x0]  }
0x162: {  	v16 =	vld [tilespmem:s11+$0x0];
	v21 =	vmul.f32 v24, v7;
	v18 =	vadd.f32 v18, v23  }
0x163: {  	v6 =	vld [tilespmem:s6+$0x0]  }
0x164: {  	v8 =	vld [tilespmem:s14+$0x0]  }
0x165: {  	v7 =	vmul.f32 v12, v7;
	v9 =	vld [tilespmem:s17+$0x0]  }
0x166: {  	v10 =	vadd.f32 v20, v17;
	v11 =	vmul.f32 v13, v5;
	v12 =	vadd.f32 v21, v19;
	v13 =	vld [tilespmem:s12+$0x0]  }
0x167: {  	v14 =	vmul.f32 v14, v5;
	v7 =	vadd.f32 v7, v18;
	v5 =	vmul.f32 v15, v5;
	v15 =	vld [tilespmem:s5+$0x0]  }
0x168: {  	v10 =	vadd.f32 v11, v10;
	v11 =	vmul.f32 v16, v4  }
0x169: {  	v12 =	vadd.f32 v14, v12;
	v6 =	vmul.f32 v6, v4;
	v5 =	vadd.f32 v5, v7  }
0x16a: {  	v4 =	vmul.f32 v8, v4;
	v8 =	vmul.f32 v9, v3;
	v7 =	vadd.f32 v11, v10  }
0x16b: {  	v9 =	vmul.f32 v13, v3;
	v6 =	vadd.f32 v6, v12  }
0x16c: {  	v4 =	vadd.f32 v4, v5;
	v5 =	vadd.f32 v8, v7;
	v3 =	vmul.f32 v15, v3  }
0x16d: {  	v6 =	vadd.f32 v9, v6  }
0x16e: {  	[tilespmem:s4+$0x100] =	vst v5;
	v3 =	vadd.f32 v3, v4  }
0x16f: {  	[tilespmem:s28+$0x100] =	vst v6  }
0x170: {  	[tilespmem:s29+$0x100] =	vst v3  }
0x171: {  	v6 =	vld [tilespmem:s20+$0x13980]  }
0x172: {  	v8 =	vld [tilespmem:s20+$0x13990]  }
0x173: {  	v9 =	vld [tilespmem:s20+$0x139A0]  }
0x174: {  	v10 =	vld [tilespmem:s20+$0x139B0]  }
0x175: {  	v7 =	vld [tilespmem:s20+$0x139C0]  }
0x176: {  	s22 =	simm.s32 $0x0;
	s0 =	simm.s32 $0x0;
	v5 =	vld [tilespmem:s20+$0x139D0]  }
0x177: {  	s0 =	sand.u32 $0x3FFFFC00, s0;
	s4 =	sand.u32 $0x40, s22;
	v4 =	vld [tilespmem:s20+$0x139E0]  }
0x178: {  	s1 =	sadd.s32 $0x6800, s0;
	s16 =	sor.u32 $0x30, s4;
	v3 =	vld [tilespmem:s20+$0x139F0]  }
0x179: {  	s2 =	sor.u32 s16, s1;
	v11 =	vld [tilespmem:s21+$0x30]  }
0x17a: {  	s18 =	sadd.s32 $0x6880, s0;
	s17 =	sor.u32 s4, s1;
	v12 =	vld [tilespmem:s2+$0x0]  }
0x17b: {  	s23 =	sor.u32 $0x10, s4;
	s24 =	sor.u32 s16, s18;
	v13 =	vld [tilespmem:s17+$0x0]  }
0x17c: {  	s10 =	sadd.s32 $0x6900, s0;
	s25 =	sor.u32 s23, s1;
	v14 =	vld [tilespmem:s24+$0x0]  }
0x17d: {  	s5 =	sadd.s32 $0x6980, s0;
	s26 =	sor.u32 s16, s10;
	v15 =	vld [tilespmem:s25+$0x0]  }
0x17e: {  	s30 =	sor.u32 s16, s5;
	v16 =	vld [tilespmem:s26+$0x0]  }
0x17f: {  	s31 =	sor.u32 s4, s18;
	v18 =	vld [tilespmem:s30+$0x0]  }
0x180: {  	s12 =	sadd.s32 $0x6A80, s0;
	s13 =	sor.u32 s23, s18;
	v19 =	vld [tilespmem:s31+$0x0]  }
0x181: {  	s11 =	sadd.s32 $0x6A00, s0;
	s14 =	sor.u32 s16, s12;
	v21 =	vld [tilespmem:s13+$0x0];
	v12 =	vmul.f32 v12, v6  }
0x182: {  	s24 =	sor.u32 $0x20, s4;
	s2 =	sor.u32 s16, s11;
	v22 =	vld [tilespmem:s14+$0x0]  }
0x183: {  	s1 =	sor.u32 s24, s1;
	v20 =	vld [tilespmem:s2+$0x0];
	v14 =	vmul.f32 v14, v8;
	v12 =	vadd.f32 v12, v11  }
0x184: {  	s26 =	sor.u32 s24, s10;
	v17 =	vld [tilespmem:s1+$0x0];
	s1 =	sadd.s32 $0x6B00, s0  }
0x185: {  	s0 =	sadd.s32 $0x6B80, s0;
	v25 =	vld [tilespmem:s26+$0x0];
	s15 =	sor.u32 s16, s1;
	v12 =	vadd.f32 v14, v12;
	v14 =	vmul.f32 v16, v9  }
0x186: {  	s6 =	sor.u32 s24, s18;
	s18 =	sor.u32 s16, s0;
	v23 =	vld [tilespmem:s15+$0x0];
	v13 =	vmul.f32 v13, v6  }
0x187: {  	v24 =	vld [tilespmem:s18+$0x0];
	v12 =	vadd.f32 v14, v12;
	v14 =	vmul.f32 v18, v10  }
0x188: {  	s17 =	sor.u32 s4, s10;
	v19 =	vmul.f32 v19, v8;
	v13 =	vadd.f32 v13, v11;
	v16 =	vld [tilespmem:s6+$0x0]  }
0x189: {  	s25 =	sor.u32 s23, s10;
	v18 =	vld [tilespmem:s17+$0x0];
	v12 =	vadd.f32 v14, v12;
	v14 =	vmul.f32 v20, v7  }
0x18a: {  	s31 =	sor.u32 s23, s5;
	v15 =	vmul.f32 v15, v6;
	v17 =	vmul.f32 v17, v6;
	v13 =	vadd.f32 v19, v13;
	v20 =	vld [tilespmem:s25+$0x0]  }
0x18b: {  	s30 =	sor.u32 s4, s5;
	v19 =	vmul.f32 v21, v8;
	v21 =	vld [tilespmem:s31+$0x0];
	v12 =	vadd.f32 v14, v12;
	v14 =	vmul.f32 v22, v5  }
0x18c: {  	s5 =	sor.u32 s24, s5;
	v15 =	vadd.f32 v15, v11;
	v17 =	vadd.f32 v17, v11;
	v22 =	vld [tilespmem:s30+$0x0]  }
0x18d: {  	s6 =	sor.u32 s4, s11;
	v16 =	vmul.f32 v16, v8;
	v12 =	vadd.f32 v14, v12;
	v14 =	vmul.f32 v23, v4;
	v23 =	vld [tilespmem:s5+$0x0]  }
0x18e: {  	s10 =	sor.u32 s23, s11;
	v15 =	vadd.f32 v19, v15;
	v19 =	vld [tilespmem:s6+$0x0];
	v18 =	vmul.f32 v18, v9  }
0x18f: {  	s14 =	sor.u32 s4, s12;
	s13 =	sor.u32 s24, s11;
	v26 =	vld [tilespmem:s10+$0x0];
	v24 =	vmul.f32 v24, v3;
	v16 =	vadd.f32 v16, v17;
	v20 =	vmul.f32 v20, v9  }
0x190: {  	s26 =	sor.u32 s4, s1;
	s15 =	sor.u32 s23, s12;
	s25 =	simm.s32 $0x0;
	v17 =	vadd.f32 v18, v13;
	v18 =	vmul.f32 v25, v9;
	v14 =	vadd.f32 v14, v12;
	v12 =	vld [tilespmem:s13+$0x0]  }
0x191: {  	s18 =	sor.u32 s24, s12;
	s6 =	sor.u32 s23, s1;
	s12 =	sand.u32 $0x3FFFFE00, s25;
	v21 =	vmul.f32 v21, v10;
	v13 =	vld [tilespmem:s14+$0x0];
	v22 =	vmul.f32 v22, v10;
	v63 =	vadd.f32 v20, v15  }
0x192: {  	s17 =	sor.u32 s4, s0;
	s30 =	sadd.s32 $0x11800, s12;
	s12 =	sor.u32 s23, s0;
	v18 =	vadd.f32 v18, v16;
	v24 =	vadd.f32 v24, v14;
	v14 =	vld [tilespmem:s15+$0x0];
	v23 =	vmul.f32 v23, v10  }
0x193: {  	s31 =	sor.u32 s16, s30;
	s4 =	sor.u32 s4, s30;
	s29 =	sor.u32 s23, s30;
	v20 =	vmul.f32 v19, v7;
	v15 =	vld [tilespmem:s18+$0x0];
	v17 =	vadd.f32 v22, v17  }
0x194: {  	s28 =	sor.u32 s24, s30;
	s5 =	sor.u32 s24, s0;
	s14 =	sor.u32 s24, s1;
	v16 =	vld [tilespmem:s26+$0x0];
	v19 =	vadd.f32 v21, v63;
	v21 =	vmul.f32 v26, v7;
	[tilespmem:s31+$0x180] =	vst v24;
	v18 =	vadd.f32 v23, v18  }
.LBB2_9:
0x195: {  	s22 =	sadd.s32 $0x40, s22;
	v17 =	vadd.f32 v20, v17;
	v20 =	vld [tilespmem:s6+$0x0];
	v12 =	vmul.f32 v12, v7  }
0x196: {  	s0 =	sshll.u32 s22, $0x3;
	p0 =	slt.u32 s22, $0x3C0;
	v13 =	vmul.f32 v13, v5;
	v19 =	vadd.f32 v21, v19;
	v21 =	vld [tilespmem:s14+$0x0]  }
0x197: {  	s23 =	sand.u32 $0x40, s22;
	s14 =	sand.u32 $0x3FFFFC00, s0;
	v22 =	vld [tilespmem:s17+$0x0];
	v14 =	vmul.f32 v14, v5;
	v12 =	vadd.f32 v12, v18  }
0x198: {  	s25 =	sor.u32 $0x10, s23;
	s24 =	sor.u32 $0x30, s23;
	s0 =	sadd.s32 $0x6800, s14;
	v13 =	vadd.f32 v13, v17;
	v17 =	vld [tilespmem:s12+$0x0];
	v15 =	vmul.f32 v15, v5  }
0x199: {  	s26 =	sor.u32 $0x20, s23;
	s1 =	sor.u32 s23, s0;
	s2 =	sor.u32 s24, s0;
	v16 =	vmul.f32 v16, v4;
	v14 =	vadd.f32 v14, v19;
	v18 =	vld [tilespmem:s5+$0x0]  }
0x19a: {  	s5 =	sadd.s32 $0x6880, s14;
	s6 =	sor.u32 s25, s0;
	s11 =	sor.u32 s26, s0;
	v19 =	vld [tilespmem:s2+$0x0];
	v20 =	vmul.f32 v20, v4;
	v12 =	vadd.f32 v15, v12  }
0x19b: {  	s2 =	sor.u32 s23, s5;
	s12 =	sor.u32 s25, s5;
	s0 =	sor.u32 s24, s5;
	v15 =	vld [tilespmem:s1+$0x0];
	v13 =	vadd.f32 v16, v13;
	v16 =	vmul.f32 v21, v4  }
0x19c: {  	s10 =	sadd.s32 $0x6900, s14;
	s13 =	sor.u32 s26, s5;
	v21 =	vld [tilespmem:s0+$0x0];
	v22 =	vmul.f32 v22, v3;
	v14 =	vadd.f32 v20, v14  }
0x19d: {  	s5 =	sor.u32 s23, s10;
	s1 =	sor.u32 s25, s10;
	s0 =	sor.u32 s24, s10;
	v20 =	vld [tilespmem:s6+$0x0];
	v17 =	vmul.f32 v17, v3;
	v12 =	vadd.f32 v16, v12  }
0x19e: {  	s10 =	sor.u32 s26, s10;
	s6 =	sadd.s32 $0x6980, s14;
	v16 =	vld [tilespmem:s0+$0x0];
	v13 =	vadd.f32 v22, v13;
	v18 =	vmul.f32 v18, v3  }
0x19f: {  	s0 =	sor.u32 s23, s6;
	s18 =	sor.u32 s25, s6;
	v22 =	vld [tilespmem:s11+$0x0];
	v19 =	vmul.f32 v19, v6;
	s11 =	sor.u32 s24, s6;
	v14 =	vadd.f32 v17, v14  }
0x1a0: {  	s15 =	sadd.s32 $0x6A00, s14;
	s30 =	sor.u32 s26, s6;
	v15 =	vmul.f32 v15, v6;
	v17 =	vld [tilespmem:s11+$0x0];
	[tilespmem:s4+$0x180] =	vst v13;
	v12 =	vadd.f32 v18, v12  }
0x1a1: {  	s6 =	sor.u32 s24, s15;
	s4 =	sor.u32 s23, s15;
	v13 =	vld [tilespmem:s2+$0x0];
	s2 =	sor.u32 s25, s15;
	v18 =	vadd.f32 v19, v11;
	v19 =	vmul.f32 v21, v8;
	[tilespmem:s29+$0x180] =	vst v14  }
0x1a2: {  	s31 =	sor.u32 s26, s15;
	s11 =	sadd.s32 $0x6A80, s14;
	v14 =	vadd.f32 v15, v11;
	v15 =	vmul.f32 v20, v6;
	v20 =	vld [tilespmem:s6+$0x0];
	[tilespmem:s28+$0x180] =	vst v12  }
0x1a3: {  	s16 =	sor.u32 s25, s11;
	s28 =	sor.u32 s23, s11;
	s6 =	sor.u32 s24, s11;
	v12 =	vld [tilespmem:s12+$0x0];
	v18 =	vadd.f32 v19, v18;
	v16 =	vmul.f32 v16, v9  }
0x1a4: {  	s15 =	sor.u32 s26, s11;
	s12 =	sadd.s32 $0x6B00, s14;
	v15 =	vadd.f32 v15, v11;
	v19 =	vmul.f32 v22, v6;
	v21 =	vld [tilespmem:s6+$0x0]  }
0x1a5: {  	s11 =	sor.u32 s23, s12;
	s6 =	sor.u32 s25, s12;
	v22 =	vld [tilespmem:s13+$0x0];
	v16 =	vadd.f32 v16, v18;
	v17 =	vmul.f32 v17, v10;
	s13 =	sor.u32 s24, s12  }
0x1a6: {  	s29 =	sadd.s32 $0x6B80, s14;
	s14 =	sor.u32 s26, s12;
	v13 =	vmul.f32 v13, v8;
	v18 =	vadd.f32 v19, v11;
	v19 =	vld [tilespmem:s13+$0x0]  }
0x1a7: {  	s17 =	sor.u32 s23, s29;
	s12 =	sor.u32 s25, s29;
	s13 =	sor.u32 s24, s29;
	v23 =	vld [tilespmem:s5+$0x0];
	v16 =	vadd.f32 v17, v16;
	v17 =	vmul.f32 v20, v7  }
0x1a8: {  	s5 =	sor.u32 s26, s29;
	v13 =	vadd.f32 v13, v14;
	v12 =	vmul.f32 v12, v8;
	v14 =	vld [tilespmem:s13+$0x0]  }
0x1a9: {  	v20 =	vld [tilespmem:s1+$0x0];
	v16 =	vadd.f32 v17, v16;
	v17 =	vmul.f32 v21, v5  }
0x1aa: {  	v12 =	vadd.f32 v12, v15;
	v15 =	vmul.f32 v22, v8;
	v21 =	vld [tilespmem:s10+$0x0]  }
0x1ab: {  	v22 =	vld [tilespmem:s0+$0x0];
	v16 =	vadd.f32 v17, v16;
	v17 =	vmul.f32 v19, v4  }
0x1ac: {  	s0 =	sshll.u32 s22, $0x2;
	v19 =	vmul.f32 v23, v9;
	v23 =	vld [tilespmem:s18+$0x0];
	v15 =	vadd.f32 v15, v18  }
0x1ad: {  	s0 =	sand.u32 $0x3FFFFE00, s0;
	v18 =	vld [tilespmem:s30+$0x0];
	v16 =	vadd.f32 v17, v16;
	v14 =	vmul.f32 v14, v3  }
0x1ae: {  	s0 =	sadd.s32 $0x11800, s0;
	v17 =	vadd.f32 v19, v13;
	v19 =	vld [tilespmem:s4+$0x0];
	v13 =	vmul.f32 v20, v9  }
0x1af: {  	s4 =	sor.u32 s23, s0;
	v24 =	vld [tilespmem:s2+$0x0];
	v20 =	vmul.f32 v21, v9;
	v14 =	vadd.f32 v14, v16  }
.Ltmp3:
0x1b0: {  	s29 =	sor.u32 s25, s0;
	s1 =	sor.u32 s24, s0;
	v16 =	vmul.f32 v22, v10;
	v21 =	vadd.f32 v13, v12;
	v12 =	vld [tilespmem:s31+$0x0];
	(pc) =	sbr.rel @p0 .LBB2_9-.Ltmp3, $4  }
0x1b1: {  	v13 =	vld [tilespmem:s28+$0x0];
	v22 =	vmul.f32 v23, v10;
	v23 =	vadd.f32 v20, v15;
	s28 =	sor.u32 s26, s0;
	[tilespmem:s1+$0x180] =	vst v14  }
0x1b2: {  	v17 =	vadd.f32 v16, v17;
	v14 =	vld [tilespmem:s16+$0x0];
	v18 =	vmul.f32 v18, v10  }
0x1b3: {  	v20 =	vmul.f32 v19, v7;
	v19 =	vadd.f32 v22, v21;
	v15 =	vld [tilespmem:s15+$0x0]  }
0x1b4: {  	v16 =	vld [tilespmem:s11+$0x0];
	v21 =	vmul.f32 v24, v7;
	v18 =	vadd.f32 v18, v23  }
0x1b5: {  	v6 =	vld [tilespmem:s6+$0x0]  }
0x1b6: {  	v8 =	vld [tilespmem:s14+$0x0]  }
0x1b7: {  	v7 =	vmul.f32 v12, v7;
	v9 =	vld [tilespmem:s17+$0x0]  }
0x1b8: {  	v10 =	vadd.f32 v20, v17;
	v11 =	vmul.f32 v13, v5;
	v12 =	vadd.f32 v21, v19;
	v13 =	vld [tilespmem:s12+$0x0]  }
0x1b9: {  	v14 =	vmul.f32 v14, v5;
	v7 =	vadd.f32 v7, v18;
	v5 =	vmul.f32 v15, v5;
	v15 =	vld [tilespmem:s5+$0x0]  }
0x1ba: {  	v10 =	vadd.f32 v11, v10;
	v11 =	vmul.f32 v16, v4  }
0x1bb: {  	v12 =	vadd.f32 v14, v12;
	v6 =	vmul.f32 v6, v4;
	v5 =	vadd.f32 v5, v7  }
0x1bc: {  	v4 =	vmul.f32 v8, v4;
	v8 =	vmul.f32 v9, v3;
	v7 =	vadd.f32 v11, v10  }
0x1bd: {  	v9 =	vmul.f32 v13, v3;
	v6 =	vadd.f32 v6, v12  }
0x1be: {  	v4 =	vadd.f32 v4, v5;
	v5 =	vadd.f32 v8, v7;
	v3 =	vmul.f32 v15, v3  }
0x1bf: {  	v6 =	vadd.f32 v9, v6  }
0x1c0: {  	p0 =	seq.s32 s19, $0xF;
	[tilespmem:s4+$0x180] =	vst v5;
	v3 =	vadd.f32 v3, v4  }
0x1c1: {  	s22 =	sshll.u32 @!p0 s19, $0xA;
	[tilespmem:s29+$0x180] =	vst v6  }
0x1c2: {  	s0 =	sshrl.u32 @!p0 s22, $0x2;
	[tilespmem:s28+$0x180] =	vst v3  }
0x1c3: {  	v3 =	vld @!p0 [tilespmem:s0+$0x10900];
	_ =	sdelay $0x4  }
0x1c4: {  	v4 =	vshll.u32 @!p0 v3, $0x3  }
0x1c5: {  	v5 =	vlaneseq.u32 @!p0;
	v3 =	vand.u32 @!p0 $0x7, v3;
	v4 =	vand.u32 @!p0 $0xFFFFFFC0, v4  }
0x1c6: {  	v6 =	vshrl.u32 @!p0 v5, $0x3;
	v3 =	vor.u32 @!p0 v3, v4;
	v4 =	vand.u32 @!p0 $0x7, v5  }
0x1c7: {  	v6 =	vmul.u32 @!p0 $0x8, v6;
	v7 =	vperm.xlane @!p0 v3, v4;
	_ =	sdelay $0x1  }
0x1c8: {  	v7 =	vadd.s32 @!p0 v6, v7;
	_ =	sdelay $0x3  }
0x1c9: {  	vm1 =	vmmov @!p0 $0xffff;
	s1 =	simm.s32 @!p0 $0x0;
	s2 =	simm.s32 @!p0 $0x800  }
0x1ca: {  	v5 =	vor.u32 @!p0 $0x8, v5;
	[tilespmem:s2], [sflag:$0x1] =	stream.indirect_vreg.gather @!p0 [hbm4b:s3+s1], $0x80, v7, vm1, $0xb8;
	[tilespmem:$0x17800] =	vst v63  }
0x1cb: {  	v3 =	vperm.xlane @!p0 v3, v5;
	s2 =	simm.s32 @!p0 $0x1000  }
0x1cc: {  	[tilespmem:s2], [sflag:$0x1] =	stream.indirect_vreg.gather @!p0 [hbm4b:s7+s1], $0x80, v7, vm1, $0xb8;
	[tilespmem:$0x17800] =	vst v63  }
0x1cd: {  	v3 =	vadd.s32 @!p0 v6, v3;
	s2 =	simm.s32 @!p0 $0x1800  }
0x1ce: {  	[tilespmem:s2], [sflag:$0x1] =	stream.indirect_vreg.gather @!p0 [hbm4b:s8+s1], $0x80, v7, vm1, $0xb8;
	[tilespmem:$0x17800] =	vst v63  }
0x1cf: {  	s2 =	simm.s32 @!p0 $0x2000  }
0x1d0: {  	[tilespmem:s2], [sflag:$0x1] =	stream.indirect_vreg.gather @!p0 [hbm4b:s9+s1], $0x80, v7, vm1, $0xb8;
	[tilespmem:$0x17800] =	vst v63  }
0x1d1: {  	s2 =	simm.s32 @!p0 $0x2800  }
0x1d2: {  	[tilespmem:s2], [sflag:$0x1] =	stream.indirect_vreg.gather @!p0 [hbm4b:s3+s1], $0x80, v3, vm1, $0xb8;
	[tilespmem:$0x17800] =	vst v63  }
0x1d3: {  	s2 =	simm.s32 @!p0 $0x3000  }
0x1d4: {  	[tilespmem:s2], [sflag:$0x1] =	stream.indirect_vreg.gather @!p0 [hbm4b:s7+s1], $0x80, v3, vm1, $0xb8;
	[tilespmem:$0x17800] =	vst v63  }
0x1d5: {  	s2 =	simm.s32 @!p0 $0x3800  }
0x1d6: {  	[tilespmem:s2], [sflag:$0x1] =	stream.indirect_vreg.gather @!p0 [hbm4b:s8+s1], $0x80, v3, vm1, $0xb8;
	[tilespmem:$0x17800] =	vst v63  }
0x1d7: {  	s2 =	simm.s32 @!p0 $0x4000  }
0x1d8: {  	[tilespmem:s2], [sflag:$0x1] =	stream.indirect_vreg.gather @!p0 [hbm4b:s9+s1], $0x80, v3, vm1, $0xb8;
	[tilespmem:$0x17800] =	vst v63  }
0x1d9: {  	v3 =	vld @!p0 [tilespmem:s0+$0x10910];
	_ =	sdelay $0x4  }
0x1da: {  	v7 =	vshll.u32 @!p0 v3, $0x3  }
0x1db: {  	v3 =	vand.u32 @!p0 $0x7, v3;
	v7 =	vand.u32 @!p0 $0xFFFFFFC0, v7  }
0x1dc: {  	v3 =	vor.u32 @!p0 v3, v7  }
0x1dd: {  	v4 =	vperm.xlane @!p0 v3, v4;
	_ =	sdelay $0x1  }
0x1de: {  	v4 =	vadd.s32 @!p0 v6, v4;
	_ =	sdelay $0x3  }
0x1df: {  	s0 =	simm.s32 @!p0 $0x4800  }
0x1e0: {  	[tilespmem:s0], [sflag:$0x1] =	stream.indirect_vreg.gather @!p0 [hbm4b:s3+s1], $0x80, v4, vm1, $0xb8;
	[tilespmem:$0x17800] =	vst v63  }
0x1e1: {  	v3 =	vperm.xlane @!p0 v3, v5;
	s0 =	simm.s32 @!p0 $0x5000  }
0x1e2: {  	[tilespmem:s0], [sflag:$0x1] =	stream.indirect_vreg.gather @!p0 [hbm4b:s7+s1], $0x80, v4, vm1, $0xb8;
	[tilespmem:$0x17800] =	vst v63  }
0x1e3: {  	v3 =	vadd.s32 @!p0 v6, v3;
	s0 =	simm.s32 @!p0 $0x5800  }
0x1e4: {  	[tilespmem:s0], [sflag:$0x1] =	stream.indirect_vreg.gather @!p0 [hbm4b:s8+s1], $0x80, v4, vm1, $0xb8;
	[tilespmem:$0x17800] =	vst v63  }
0x1e5: {  	s0 =	simm.s32 @!p0 $0x6000  }
0x1e6: {  	[tilespmem:s0], [sflag:$0x1] =	stream.indirect_vreg.gather @!p0 [hbm4b:s9+s1], $0x80, v4, vm1, $0xb8;
	[tilespmem:$0x17800] =	vst v63  }
0x1e7: {  	s0 =	simm.s32 @!p0 $0x6800  }
0x1e8: {  	[tilespmem:s0], [sflag:$0x1] =	stream.indirect_vreg.gather @!p0 [hbm4b:s3+s1], $0x80, v3, vm1, $0xb8;
	[tilespmem:$0x17800] =	vst v63  }
0x1e9: {  	s0 =	simm.s32 @!p0 $0x7000  }
0x1ea: {  	[tilespmem:s0], [sflag:$0x1] =	stream.indirect_vreg.gather @!p0 [hbm4b:s7+s1], $0x80, v3, vm1, $0xb8;
	[tilespmem:$0x17800] =	vst v63  }
0x1eb: {  	s10 =	simm.s32 $0x200;
	s11 =	simm.s32 $0x400;
	s0 =	simm.s32 @!p0 $0x7800  }
0x1ec: {  	[tilespmem:s0], [sflag:$0x1] =	stream.indirect_vreg.gather @!p0 [hbm4b:s8+s1], $0x80, v3, vm1, $0xb8;
	[tilespmem:$0x17800] =	vst v63  }
0x1ed: {  	s22 =	simm.s32 @p0 $0x3C00;
	s6 =	rddreg [dreg:$0x7];
	s0 =	simm.s32 @!p0 $0x8000  }
0x1ee: {  	[tilespmem:s0], [sflag:$0x1] =	stream.indirect_vreg.gather @!p0 [hbm4b:s9+s1], $0x80, v3, vm1, $0xb8;
	[tilespmem:$0x17800] =	vst v63  }
0x1ef: {  	s13 =	simm.s32 $0x2;
	s12 =	simm.s32 $0x11800;
	s0 =	sadd.s32 s22, s6  }
0x1f0: {  	[hbm4b:s0+s10] =	stream.strided.scatter [tilespmem:s12], [sflag:$0x3], $0x1000, s11, s10, $0x38;
	[tilespmem:$0x17800] =	vst v63  }
0x1f1: {  	_ =	swait.ge [sflag:s13], $0x8000  }
0x1f2: {  	[sflag:s13] =	ssyncset.done $0x0  }
0x1f3: {  	s0 =	simm.s32 @!p1 $0x4;
	[sflag:s13] =	ssyncadd.s32 $0xFFFF8000  }
0x1f4: {  	_ =	swait.ge @!p1 [sflag:s0], $0x1000  }
0x1f5: {  	[sflag:s0] =	ssyncset.done @!p1 $0x0  }
0x1f6: {  	[sflag:s0] =	ssyncadd.s32 @!p1 $0xFFFFF000  }
0x1f7: {  	v6 =	vld [tilespmem:s20+$0x13A00]  }
0x1f8: {  	v8 =	vld [tilespmem:s20+$0x13A10]  }
0x1f9: {  	v9 =	vld [tilespmem:s20+$0x13A20]  }
0x1fa: {  	v10 =	vld [tilespmem:s20+$0x13A30]  }
0x1fb: {  	v7 =	vld [tilespmem:s20+$0x13A40]  }
0x1fc: {  	s23 =	simm.s32 $0x0;
	s14 =	simm.s32 $0x0;
	v5 =	vld [tilespmem:s20+$0x13A50]  }
0x1fd: {  	s15 =	sand.u32 $0x40, s23;
	s0 =	sand.u32 $0x3FFFFC00, s14;
	v4 =	vld [tilespmem:s20+$0x13A60]  }
0x1fe: {  	s17 =	sor.u32 $0x30, s15;
	v3 =	vld [tilespmem:s20+$0x13A70];
	s16 =	sadd.s32 $0x8800, s0  }
0x1ff: {  	v11 =	vld [tilespmem:s21+$0x40];
	s18 =	sor.u32 s17, s16  }
0x200: {  	s26 =	sor.u32 s15, s16;
	v12 =	vld [tilespmem:s18+$0x0]  }
0x201: {  	s29 =	sor.u32 $0x10, s15;
	v13 =	vld [tilespmem:s26+$0x0]  }
0x202: {  	s25 =	sor.u32 s29, s16;
	v14 =	vld [tilespmem:s18+$0x80]  }
0x203: {  	s30 =	sor.u32 $0x20, s15;
	v15 =	vld [tilespmem:s25+$0x0]  }
0x204: {  	s24 =	sor.u32 s30, s16;
	v16 =	vld [tilespmem:s18+$0x100]  }
0x205: {  	v17 =	vld [tilespmem:s24+$0x0]  }
0x206: {  	v18 =	vld [tilespmem:s18+$0x180]  }
0x207: {  	v19 =	vld [tilespmem:s26+$0x80];
	v12 =	vmul.f32 v12, v6  }
0x208: {  	v20 =	vld [tilespmem:s18+$0x200]  }
0x209: {  	v21 =	vld [tilespmem:s25+$0x80];
	v14 =	vmul.f32 v14, v8;
	v12 =	vadd.f32 v12, v11  }
0x20a: {  	v22 =	vld [tilespmem:s18+$0x280]  }
0x20b: {  	v23 =	vld [tilespmem:s18+$0x300];
	v12 =	vadd.f32 v14, v12;
	v14 =	vmul.f32 v16, v9  }
0x20c: {  	v24 =	vld [tilespmem:s18+$0x380];
	v13 =	vmul.f32 v13, v6  }
0x20d: {  	v25 =	vld [tilespmem:s24+$0x100];
	v12 =	vadd.f32 v14, v12;
	v14 =	vmul.f32 v18, v10  }
0x20e: {  	v19 =	vmul.f32 v19, v8;
	v13 =	vadd.f32 v13, v11;
	v16 =	vld [tilespmem:s24+$0x80]  }
0x20f: {  	v18 =	vld [tilespmem:s26+$0x100];
	v12 =	vadd.f32 v14, v12;
	v14 =	vmul.f32 v20, v7  }
0x210: {  	v15 =	vmul.f32 v15, v6;
	v17 =	vmul.f32 v17, v6;
	v13 =	vadd.f32 v19, v13;
	v20 =	vld [tilespmem:s25+$0x100]  }
0x211: {  	v19 =	vmul.f32 v21, v8;
	v21 =	vld [tilespmem:s25+$0x180];
	v12 =	vadd.f32 v14, v12;
	v14 =	vmul.f32 v22, v5  }
0x212: {  	v15 =	vadd.f32 v15, v11;
	v17 =	vadd.f32 v17, v11;
	v22 =	vld [tilespmem:s26+$0x180]  }
0x213: {  	v16 =	vmul.f32 v16, v8;
	v12 =	vadd.f32 v14, v12;
	v14 =	vmul.f32 v23, v4;
	v23 =	vld [tilespmem:s24+$0x180]  }
0x214: {  	v15 =	vadd.f32 v19, v15;
	v19 =	vld [tilespmem:s26+$0x200];
	v18 =	vmul.f32 v18, v9  }
0x215: {  	v26 =	vld [tilespmem:s25+$0x200];
	v24 =	vmul.f32 v24, v3;
	v16 =	vadd.f32 v16, v17;
	v20 =	vmul.f32 v20, v9  }
0x216: {  	s31 =	simm.s32 $0x0;
	v17 =	vadd.f32 v18, v13;
	v18 =	vmul.f32 v25, v9;
	v14 =	vadd.f32 v14, v12;
	v12 =	vld [tilespmem:s24+$0x200]  }
0x217: {  	s5 =	sand.u32 $0x3FFFFE00, s31;
	v21 =	vmul.f32 v21, v10;
	v13 =	vld [tilespmem:s26+$0x280];
	v22 =	vmul.f32 v22, v10;
	v63 =	vadd.f32 v20, v15  }
0x218: {  	s5 =	sadd.s32 $0x12800, s5;
	v18 =	vadd.f32 v18, v16;
	v24 =	vadd.f32 v24, v14;
	v14 =	vld [tilespmem:s25+$0x280];
	v23 =	vmul.f32 v23, v10  }
0x219: {  	s1 =	sor.u32 s17, s5;
	v20 =	vmul.f32 v19, v7;
	v15 =	vld [tilespmem:s24+$0x280];
	v17 =	vadd.f32 v22, v17  }
0x21a: {  	s28 =	sor.u32 s15, s5;
	s4 =	sor.u32 s29, s5;
	s5 =	sor.u32 s30, s5;
	v16 =	vld [tilespmem:s26+$0x300];
	v19 =	vadd.f32 v21, v63;
	v21 =	vmul.f32 v26, v7;
	[tilespmem:s1+$0x0] =	vst v24;
	v18 =	vadd.f32 v23, v18  }
.LBB2_11:
0x21b: {  	s23 =	sadd.s32 $0x40, s23;
	v17 =	vadd.f32 v20, v17;
	v20 =	vld [tilespmem:s25+$0x300];
	v12 =	vmul.f32 v12, v7  }
0x21c: {  	s0 =	sshll.u32 s23, $0x3;
	p1 =	slt.u32 s23, $0x3C0;
	v13 =	vmul.f32 v13, v5;
	v19 =	vadd.f32 v21, v19;
	v21 =	vld [tilespmem:s24+$0x300]  }
0x21d: {  	s29 =	sand.u32 $0x40, s23;
	s0 =	sand.u32 $0x3FFFFC00, s0;
	v22 =	vld [tilespmem:s26+$0x380];
	v14 =	vmul.f32 v14, v5;
	v12 =	vadd.f32 v12, v18  }
0x21e: {  	s12 =	sor.u32 $0x10, s29;
	s6 =	sor.u32 $0x30, s29;
	s1 =	sadd.s32 $0x8800, s0;
	v13 =	vadd.f32 v13, v17;
	v17 =	vld [tilespmem:s25+$0x380];
	v15 =	vmul.f32 v15, v5  }
0x21f: {  	s16 =	sor.u32 $0x20, s29;
	s26 =	sor.u32 s29, s1;
	s0 =	sor.u32 s6, s1;
	v16 =	vmul.f32 v16, v4;
	v14 =	vadd.f32 v14, v19;
	v18 =	vld [tilespmem:s24+$0x380]  }
0x220: {  	s25 =	sor.u32 s12, s1;
	s24 =	sor.u32 s16, s1;
	v19 =	vld [tilespmem:s0+$0x0];
	v20 =	vmul.f32 v20, v4;
	v12 =	vadd.f32 v15, v12  }
0x221: {  	v15 =	vld [tilespmem:s26+$0x0];
	v13 =	vadd.f32 v16, v13;
	v16 =	vmul.f32 v21, v4  }
0x222: {  	v21 =	vld [tilespmem:s0+$0x80];
	v22 =	vmul.f32 v22, v3;
	v14 =	vadd.f32 v20, v14  }
0x223: {  	v20 =	vld [tilespmem:s25+$0x0];
	v17 =	vmul.f32 v17, v3;
	v12 =	vadd.f32 v16, v12  }
0x224: {  	v16 =	vld [tilespmem:s0+$0x100];
	v13 =	vadd.f32 v22, v13;
	v18 =	vmul.f32 v18, v3  }
0x225: {  	v22 =	vld [tilespmem:s24+$0x0];
	v19 =	vmul.f32 v19, v6;
	v14 =	vadd.f32 v17, v14  }
0x226: {  	v15 =	vmul.f32 v15, v6;
	v17 =	vld [tilespmem:s0+$0x180];
	[tilespmem:s28+$0x0] =	vst v13;
	v12 =	vadd.f32 v18, v12  }
0x227: {  	v13 =	vld [tilespmem:s26+$0x80];
	v18 =	vadd.f32 v19, v11;
	v19 =	vmul.f32 v21, v8;
	[tilespmem:s4+$0x0] =	vst v14  }
0x228: {  	v14 =	vadd.f32 v15, v11;
	v15 =	vmul.f32 v20, v6;
	v20 =	vld [tilespmem:s0+$0x200];
	[tilespmem:s5+$0x0] =	vst v12  }
0x229: {  	v12 =	vld [tilespmem:s25+$0x80];
	v18 =	vadd.f32 v19, v18;
	v16 =	vmul.f32 v16, v9  }
0x22a: {  	v15 =	vadd.f32 v15, v11;
	v19 =	vmul.f32 v22, v6;
	v21 =	vld [tilespmem:s0+$0x280]  }
0x22b: {  	v22 =	vld [tilespmem:s24+$0x80];
	v16 =	vadd.f32 v16, v18;
	v17 =	vmul.f32 v17, v10  }
0x22c: {  	v13 =	vmul.f32 v13, v8;
	v18 =	vadd.f32 v19, v11;
	v19 =	vld [tilespmem:s0+$0x300]  }
0x22d: {  	v23 =	vld [tilespmem:s26+$0x100];
	v16 =	vadd.f32 v17, v16;
	v17 =	vmul.f32 v20, v7  }
0x22e: {  	v13 =	vadd.f32 v13, v14;
	v12 =	vmul.f32 v12, v8;
	v14 =	vld [tilespmem:s0+$0x380]  }
0x22f: {  	v20 =	vld [tilespmem:s25+$0x100];
	v16 =	vadd.f32 v17, v16;
	v17 =	vmul.f32 v21, v5  }
0x230: {  	v12 =	vadd.f32 v12, v15;
	v15 =	vmul.f32 v22, v8;
	v21 =	vld [tilespmem:s24+$0x100]  }
0x231: {  	v22 =	vld [tilespmem:s26+$0x180];
	v16 =	vadd.f32 v17, v16;
	v17 =	vmul.f32 v19, v4  }
0x232: {  	s0 =	sshll.u32 s23, $0x2;
	v19 =	vmul.f32 v23, v9;
	v23 =	vld [tilespmem:s25+$0x180];
	v15 =	vadd.f32 v15, v18  }
0x233: {  	s0 =	sand.u32 $0x3FFFFE00, s0;
	v18 =	vld [tilespmem:s24+$0x180];
	v16 =	vadd.f32 v17, v16;
	v14 =	vmul.f32 v14, v3  }
0x234: {  	s0 =	sadd.s32 $0x12800, s0;
	v17 =	vadd.f32 v19, v13;
	v19 =	vld [tilespmem:s26+$0x200];
	v13 =	vmul.f32 v20, v9  }
0x235: {  	s28 =	sor.u32 s29, s0;
	v24 =	vld [tilespmem:s25+$0x200];
	v20 =	vmul.f32 v21, v9;
	v14 =	vadd.f32 v14, v16  }
.Ltmp4:
0x236: {  	s4 =	sor.u32 s12, s0;
	s1 =	sor.u32 s6, s0;
	v16 =	vmul.f32 v22, v10;
	v21 =	vadd.f32 v13, v12;
	v12 =	vld [tilespmem:s24+$0x200];
	(pc) =	sbr.rel @p1 .LBB2_11-.Ltmp4, $4  }
0x237: {  	s5 =	sor.u32 s16, s0;
	v13 =	vld [tilespmem:s26+$0x280];
	v22 =	vmul.f32 v23, v10;
	v23 =	vadd.f32 v20, v15;
	[tilespmem:s1+$0x0] =	vst v14  }
0x238: {  	v17 =	vadd.f32 v16, v17;
	v14 =	vld [tilespmem:s25+$0x280];
	v18 =	vmul.f32 v18, v10  }
0x239: {  	v20 =	vmul.f32 v19, v7;
	v19 =	vadd.f32 v22, v21;
	v15 =	vld [tilespmem:s24+$0x280]  }
0x23a: {  	v16 =	vld [tilespmem:s26+$0x300];
	v21 =	vmul.f32 v24, v7;
	v18 =	vadd.f32 v18, v23  }
0x23b: {  	v6 =	vld [tilespmem:s25+$0x300]  }
0x23c: {  	v8 =	vld [tilespmem:s24+$0x300]  }
0x23d: {  	v7 =	vmul.f32 v12, v7;
	v9 =	vld [tilespmem:s26+$0x380]  }
0x23e: {  	v10 =	vadd.f32 v20, v17;
	v11 =	vmul.f32 v13, v5;
	v12 =	vadd.f32 v21, v19;
	v13 =	vld [tilespmem:s25+$0x380]  }
0x23f: {  	v14 =	vmul.f32 v14, v5;
	v7 =	vadd.f32 v7, v18;
	v5 =	vmul.f32 v15, v5;
	v15 =	vld [tilespmem:s24+$0x380]  }
0x240: {  	v10 =	vadd.f32 v11, v10;
	v11 =	vmul.f32 v16, v4  }
0x241: {  	v12 =	vadd.f32 v14, v12;
	v6 =	vmul.f32 v6, v4;
	v5 =	vadd.f32 v5, v7  }
0x242: {  	v4 =	vmul.f32 v8, v4;
	v8 =	vmul.f32 v9, v3;
	v7 =	vadd.f32 v11, v10  }
0x243: {  	v9 =	vmul.f32 v13, v3;
	v6 =	vadd.f32 v6, v12  }
0x244: {  	v4 =	vadd.f32 v4, v5;
	v5 =	vadd.f32 v8, v7;
	v3 =	vmul.f32 v15, v3  }
0x245: {  	v6 =	vadd.f32 v9, v6  }
0x246: {  	[tilespmem:s28+$0x0] =	vst v5;
	v3 =	vadd.f32 v3, v4  }
0x247: {  	[tilespmem:s4+$0x0] =	vst v6  }
0x248: {  	[tilespmem:s5+$0x0] =	vst v3  }
0x249: {  	v6 =	vld [tilespmem:s20+$0x13A80]  }
0x24a: {  	v8 =	vld [tilespmem:s20+$0x13A90]  }
0x24b: {  	v9 =	vld [tilespmem:s20+$0x13AA0]  }
0x24c: {  	v10 =	vld [tilespmem:s20+$0x13AB0]  }
0x24d: {  	v7 =	vld [tilespmem:s20+$0x13AC0]  }
0x24e: {  	s0 =	simm.s32 $0x0;
	v5 =	vld [tilespmem:s20+$0x13AD0]  }
0x24f: {  	s23 =	simm.s32 $0x0;
	s0 =	sand.u32 $0x3FFFFC00, s0;
	v4 =	vld [tilespmem:s20+$0x13AE0]  }
0x250: {  	s1 =	sadd.s32 $0xA800, s0;
	s4 =	sand.u32 $0x40, s23;
	v3 =	vld [tilespmem:s20+$0x13AF0]  }
0x251: {  	s10 =	sadd.s32 $0xA880, s0;
	s6 =	sor.u32 s4, s1;
	v11 =	vld [tilespmem:s21+$0x50]  }
0x252: {  	s5 =	sor.u32 $0x30, s4;
	s13 =	sor.u32 s4, s10;
	v13 =	vld [tilespmem:s6+$0x0]  }
0x253: {  	s2 =	sor.u32 s5, s1;
	v19 =	vld [tilespmem:s13+$0x0]  }
0x254: {  	s24 =	sor.u32 $0x10, s4;
	s28 =	sor.u32 s5, s10;
	v12 =	vld [tilespmem:s2+$0x0]  }
0x255: {  	s11 =	sadd.s32 $0xA900, s0;
	s30 =	sor.u32 s24, s1;
	v14 =	vld [tilespmem:s28+$0x0]  }
0x256: {  	s25 =	sor.u32 $0x20, s4;
	s31 =	sor.u32 s5, s11;
	v15 =	vld [tilespmem:s30+$0x0]  }
0x257: {  	s12 =	sadd.s32 $0xAA00, s0;
	s1 =	sor.u32 s25, s1;
	v16 =	vld [tilespmem:s31+$0x0]  }
0x258: {  	s6 =	sadd.s32 $0xA980, s0;
	s14 =	sor.u32 s5, s12;
	v17 =	vld [tilespmem:s1+$0x0]  }
0x259: {  	s3 =	sor.u32 s5, s6;
	v20 =	vld [tilespmem:s14+$0x0];
	v12 =	vmul.f32 v12, v6  }
0x25a: {  	s15 =	sor.u32 s24, s10;
	s13 =	sadd.s32 $0xAA80, s0;
	v18 =	vld [tilespmem:s3+$0x0]  }
0x25b: {  	v21 =	vld [tilespmem:s15+$0x0];
	s16 =	sor.u32 s5, s13;
	v14 =	vmul.f32 v14, v8;
	v12 =	vadd.f32 v12, v11  }
0x25c: {  	s1 =	sadd.s32 $0xAB00, s0;
	s30 =	sor.u32 s25, s11;
	v22 =	vld [tilespmem:s16+$0x0]  }
0x25d: {  	s0 =	sadd.s32 $0xAB80, s0;
	s17 =	sor.u32 s5, s1;
	v25 =	vld [tilespmem:s30+$0x0];
	v12 =	vadd.f32 v14, v12;
	v14 =	vmul.f32 v16, v9  }
0x25e: {  	s26 =	sor.u32 s5, s0;
	v23 =	vld [tilespmem:s17+$0x0];
	v13 =	vmul.f32 v13, v6  }
0x25f: {  	s10 =	sor.u32 s25, s10;
	v24 =	vld [tilespmem:s26+$0x0];
	v12 =	vadd.f32 v14, v12;
	v14 =	vmul.f32 v18, v10  }
0x260: {  	s18 =	sor.u32 s4, s11;
	v19 =	vmul.f32 v19, v8;
	v13 =	vadd.f32 v13, v11;
	v16 =	vld [tilespmem:s10+$0x0]  }
0x261: {  	s28 =	sor.u32 s24, s11;
	v18 =	vld [tilespmem:s18+$0x0];
	v12 =	vadd.f32 v14, v12;
	v14 =	vmul.f32 v20, v7  }
0x262: {  	s3 =	sor.u32 s24, s6;
	v15 =	vmul.f32 v15, v6;
	v17 =	vmul.f32 v17, v6;
	v13 =	vadd.f32 v19, v13;
	v20 =	vld [tilespmem:s28+$0x0]  }
0x263: {  	s31 =	sor.u32 s4, s6;
	v19 =	vmul.f32 v21, v8;
	v21 =	vld [tilespmem:s3+$0x0];
	v12 =	vadd.f32 v14, v12;
	v14 =	vmul.f32 v22, v5  }
0x264: {  	s6 =	sor.u32 s25, s6;
	v15 =	vadd.f32 v15, v11;
	v17 =	vadd.f32 v17, v11;
	v22 =	vld [tilespmem:s31+$0x0]  }
0x265: {  	s10 =	sor.u32 s4, s12;
	v16 =	vmul.f32 v16, v8;
	v12 =	vadd.f32 v14, v12;
	v14 =	vmul.f32 v23, v4;
	v23 =	vld [tilespmem:s6+$0x0]  }
0x266: {  	s11 =	sor.u32 s24, s12;
	v15 =	vadd.f32 v19, v15;
	v19 =	vld [tilespmem:s10+$0x0];
	v18 =	vmul.f32 v18, v9  }
0x267: {  	s14 =	sor.u32 s25, s12;
	s15 =	sor.u32 s4, s13;
	v26 =	vld [tilespmem:s11+$0x0];
	s26 =	simm.s32 $0x0;
	v24 =	vmul.f32 v24, v3;
	v16 =	vadd.f32 v16, v17;
	v20 =	vmul.f32 v20, v9  }
0x268: {  	s16 =	sor.u32 s24, s13;
	s18 =	sor.u32 s25, s13;
	s13 =	sand.u32 $0x3FFFFE00, s26;
	v17 =	vadd.f32 v18, v13;
	v18 =	vmul.f32 v25, v9;
	v14 =	vadd.f32 v14, v12;
	v12 =	vld [tilespmem:s14+$0x0]  }
0x269: {  	s17 =	sor.u32 s4, s0;
	s30 =	sadd.s32 $0x12800, s13;
	v21 =	vmul.f32 v21, v10;
	v13 =	vld [tilespmem:s15+$0x0];
	v22 =	vmul.f32 v22, v10;
	v63 =	vadd.f32 v20, v15  }
0x26a: {  	s12 =	sor.u32 s24, s1;
	s28 =	sor.u32 s4, s1;
	s29 =	sor.u32 s24, s30;
	v18 =	vadd.f32 v18, v16;
	v24 =	vadd.f32 v24, v14;
	v14 =	vld [tilespmem:s16+$0x0];
	v23 =	vmul.f32 v23, v10  }
0x26b: {  	s31 =	sor.u32 s5, s30;
	s5 =	sor.u32 s4, s30;
	s4 =	sor.u32 s25, s30;
	v20 =	vmul.f32 v19, v7;
	v15 =	vld [tilespmem:s18+$0x0];
	v17 =	vadd.f32 v22, v17  }
0x26c: {  	s6 =	sor.u32 s25, s0;
	s14 =	sor.u32 s25, s1;
	v16 =	vld [tilespmem:s28+$0x0];
	s16 =	sor.u32 s24, s0;
	v19 =	vadd.f32 v21, v63;
	v21 =	vmul.f32 v26, v7;
	[tilespmem:s31+$0x80] =	vst v24;
	v18 =	vadd.f32 v23, v18  }
.LBB2_13:
0x26d: {  	s23 =	sadd.s32 $0x40, s23;
	v17 =	vadd.f32 v20, v17;
	v20 =	vld [tilespmem:s12+$0x0];
	v12 =	vmul.f32 v12, v7  }
0x26e: {  	s0 =	sshll.u32 s23, $0x3;
	p1 =	slt.u32 s23, $0x3C0;
	v13 =	vmul.f32 v13, v5;
	v19 =	vadd.f32 v21, v19;
	v21 =	vld [tilespmem:s14+$0x0]  }
0x26f: {  	s24 =	sand.u32 $0x40, s23;
	s14 =	sand.u32 $0x3FFFFC00, s0;
	v22 =	vld [tilespmem:s17+$0x0];
	v14 =	vmul.f32 v14, v5;
	v12 =	vadd.f32 v12, v18  }
0x270: {  	s26 =	sor.u32 $0x10, s24;
	s25 =	sor.u32 $0x30, s24;
	s0 =	sadd.s32 $0xA800, s14;
	v13 =	vadd.f32 v13, v17;
	v17 =	vld [tilespmem:s16+$0x0];
	v15 =	vmul.f32 v15, v5  }
0x271: {  	s28 =	sor.u32 $0x20, s24;
	s1 =	sor.u32 s24, s0;
	s2 =	sor.u32 s25, s0;
	v16 =	vmul.f32 v16, v4;
	v14 =	vadd.f32 v14, v19;
	v18 =	vld [tilespmem:s6+$0x0]  }
0x272: {  	s6 =	sadd.s32 $0xA880, s14;
	s10 =	sor.u32 s26, s0;
	s11 =	sor.u32 s28, s0;
	v19 =	vld [tilespmem:s2+$0x0];
	v20 =	vmul.f32 v20, v4;
	v12 =	vadd.f32 v15, v12  }
0x273: {  	s12 =	sor.u32 s24, s6;
	s15 =	sor.u32 s26, s6;
	s0 =	sor.u32 s25, s6;
	v15 =	vld [tilespmem:s1+$0x0];
	v13 =	vadd.f32 v16, v13;
	v16 =	vmul.f32 v21, v4  }
0x274: {  	s16 =	sor.u32 s28, s6;
	s1 =	sadd.s32 $0xA900, s14;
	v21 =	vld [tilespmem:s0+$0x0];
	v22 =	vmul.f32 v22, v3;
	v14 =	vadd.f32 v20, v14  }
0x275: {  	s6 =	sor.u32 s24, s1;
	s2 =	sor.u32 s26, s1;
	s0 =	sor.u32 s25, s1;
	v20 =	vld [tilespmem:s10+$0x0];
	v17 =	vmul.f32 v17, v3;
	v12 =	vadd.f32 v16, v12  }
0x276: {  	s13 =	sadd.s32 $0xA980, s14;
	s10 =	sor.u32 s28, s1;
	v16 =	vld [tilespmem:s0+$0x0];
	v13 =	vadd.f32 v22, v13;
	v18 =	vmul.f32 v18, v3  }
0x277: {  	s1 =	sor.u32 s26, s13;
	s0 =	sor.u32 s24, s13;
	v22 =	vld [tilespmem:s11+$0x0];
	v19 =	vmul.f32 v19, v6;
	s11 =	sor.u32 s25, s13;
	v14 =	vadd.f32 v17, v14  }
0x278: {  	s17 =	sadd.s32 $0xAA00, s14;
	s30 =	sor.u32 s28, s13;
	v15 =	vmul.f32 v15, v6;
	v17 =	vld [tilespmem:s11+$0x0];
	[tilespmem:s5+$0x80] =	vst v13;
	v12 =	vadd.f32 v18, v12  }
0x279: {  	s13 =	sor.u32 s24, s17;
	s5 =	sor.u32 s26, s17;
	s11 =	sor.u32 s25, s17;
	v13 =	vld [tilespmem:s12+$0x0];
	v18 =	vadd.f32 v19, v11;
	v19 =	vmul.f32 v21, v8;
	[tilespmem:s29+$0x80] =	vst v14  }
0x27a: {  	s31 =	sor.u32 s28, s17;
	s12 =	sadd.s32 $0xAA80, s14;
	v14 =	vadd.f32 v15, v11;
	v15 =	vmul.f32 v20, v6;
	v20 =	vld [tilespmem:s11+$0x0];
	[tilespmem:s4+$0x80] =	vst v12  }
0x27b: {  	s4 =	sor.u32 s24, s12;
	s18 =	sor.u32 s26, s12;
	s11 =	sor.u32 s25, s12;
	v12 =	vld [tilespmem:s15+$0x0];
	v18 =	vadd.f32 v19, v18;
	v16 =	vmul.f32 v16, v9  }
0x27c: {  	s17 =	sadd.s32 $0xAB00, s14;
	s15 =	sor.u32 s28, s12;
	v15 =	vadd.f32 v15, v11;
	v19 =	vmul.f32 v22, v6;
	v21 =	vld [tilespmem:s11+$0x0]  }
0x27d: {  	s12 =	sor.u32 s26, s17;
	s11 =	sor.u32 s24, s17;
	v22 =	vld [tilespmem:s16+$0x0];
	v16 =	vadd.f32 v16, v18;
	v17 =	vmul.f32 v17, v10;
	s16 =	sor.u32 s25, s17  }
0x27e: {  	s29 =	sadd.s32 $0xAB80, s14;
	s14 =	sor.u32 s28, s17;
	v13 =	vmul.f32 v13, v8;
	v18 =	vadd.f32 v19, v11;
	v19 =	vld [tilespmem:s16+$0x0]  }
0x27f: {  	s3 =	sor.u32 s25, s29;
	s17 =	sor.u32 s24, s29;
	s16 =	sor.u32 s26, s29;
	v23 =	vld [tilespmem:s6+$0x0];
	v16 =	vadd.f32 v17, v16;
	v17 =	vmul.f32 v20, v7  }
0x280: {  	s6 =	sor.u32 s28, s29;
	v13 =	vadd.f32 v13, v14;
	v12 =	vmul.f32 v12, v8;
	v14 =	vld [tilespmem:s3+$0x0]  }
0x281: {  	v20 =	vld [tilespmem:s2+$0x0];
	v16 =	vadd.f32 v17, v16;
	v17 =	vmul.f32 v21, v5  }
0x282: {  	v12 =	vadd.f32 v12, v15;
	v15 =	vmul.f32 v22, v8;
	v21 =	vld [tilespmem:s10+$0x0]  }
0x283: {  	v22 =	vld [tilespmem:s0+$0x0];
	v16 =	vadd.f32 v17, v16;
	v17 =	vmul.f32 v19, v4  }
0x284: {  	s0 =	sshll.u32 s23, $0x2;
	v19 =	vmul.f32 v23, v9;
	v23 =	vld [tilespmem:s1+$0x0];
	v15 =	vadd.f32 v15, v18  }
0x285: {  	s0 =	sand.u32 $0x3FFFFE00, s0;
	v18 =	vld [tilespmem:s30+$0x0];
	v16 =	vadd.f32 v17, v16;
	v14 =	vmul.f32 v14, v3  }
0x286: {  	s0 =	sadd.s32 $0x12800, s0;
	v17 =	vadd.f32 v19, v13;
	v19 =	vld [tilespmem:s13+$0x0];
	v13 =	vmul.f32 v20, v9  }
0x287: {  	s29 =	sor.u32 s26, s0;
	v24 =	vld [tilespmem:s5+$0x0];
	v20 =	vmul.f32 v21, v9;
	v14 =	vadd.f32 v14, v16  }
.Ltmp5:
0x288: {  	s1 =	sor.u32 s25, s0;
	s5 =	sor.u32 s24, s0;
	v16 =	vmul.f32 v22, v10;
	v21 =	vadd.f32 v13, v12;
	v12 =	vld [tilespmem:s31+$0x0];
	(pc) =	sbr.rel @p1 .LBB2_13-.Ltmp5, $4  }
0x289: {  	v13 =	vld [tilespmem:s4+$0x0];
	v22 =	vmul.f32 v23, v10;
	v23 =	vadd.f32 v20, v15;
	s4 =	sor.u32 s28, s0;
	[tilespmem:s1+$0x80] =	vst v14  }
0x28a: {  	v17 =	vadd.f32 v16, v17;
	v14 =	vld [tilespmem:s18+$0x0];
	v18 =	vmul.f32 v18, v10  }
0x28b: {  	v20 =	vmul.f32 v19, v7;
	v19 =	vadd.f32 v22, v21;
	v15 =	vld [tilespmem:s15+$0x0]  }
0x28c: {  	v16 =	vld [tilespmem:s11+$0x0];
	v21 =	vmul.f32 v24, v7;
	v18 =	vadd.f32 v18, v23  }
0x28d: {  	v6 =	vld [tilespmem:s12+$0x0]  }
0x28e: {  	v8 =	vld [tilespmem:s14+$0x0]  }
0x28f: {  	v7 =	vmul.f32 v12, v7;
	v9 =	vld [tilespmem:s17+$0x0]  }
0x290: {  	v10 =	vadd.f32 v20, v17;
	v11 =	vmul.f32 v13, v5;
	v12 =	vadd.f32 v21, v19;
	v13 =	vld [tilespmem:s16+$0x0]  }
0x291: {  	v14 =	vmul.f32 v14, v5;
	v7 =	vadd.f32 v7, v18;
	v5 =	vmul.f32 v15, v5;
	v15 =	vld [tilespmem:s6+$0x0]  }
0x292: {  	v10 =	vadd.f32 v11, v10;
	v11 =	vmul.f32 v16, v4  }
0x293: {  	v12 =	vadd.f32 v14, v12;
	v6 =	vmul.f32 v6, v4;
	v5 =	vadd.f32 v5, v7  }
0x294: {  	v4 =	vmul.f32 v8, v4;
	v8 =	vmul.f32 v9, v3;
	v7 =	vadd.f32 v11, v10  }
0x295: {  	v9 =	vmul.f32 v13, v3;
	v6 =	vadd.f32 v6, v12  }
0x296: {  	v4 =	vadd.f32 v4, v5;
	v5 =	vadd.f32 v8, v7;
	v3 =	vmul.f32 v15, v3  }
0x297: {  	v6 =	vadd.f32 v9, v6  }
0x298: {  	[tilespmem:s5+$0x80] =	vst v5;
	v3 =	vadd.f32 v3, v4  }
0x299: {  	[tilespmem:s29+$0x80] =	vst v6  }
0x29a: {  	[tilespmem:s4+$0x80] =	vst v3  }
0x29b: {  	v6 =	vld [tilespmem:s20+$0x13B00]  }
0x29c: {  	v8 =	vld [tilespmem:s20+$0x13B10]  }
0x29d: {  	v9 =	vld [tilespmem:s20+$0x13B20]  }
0x29e: {  	v10 =	vld [tilespmem:s20+$0x13B30]  }
0x29f: {  	v7 =	vld [tilespmem:s20+$0x13B40]  }
0x2a0: {  	s0 =	simm.s32 $0x0;
	v5 =	vld [tilespmem:s20+$0x13B50]  }
0x2a1: {  	s23 =	simm.s32 $0x0;
	s0 =	sand.u32 $0x3FFFFC00, s0;
	v4 =	vld [tilespmem:s20+$0x13B60]  }
0x2a2: {  	s1 =	sadd.s32 $0xC800, s0;
	s4 =	sand.u32 $0x40, s23;
	v3 =	vld [tilespmem:s20+$0x13B70]  }
0x2a3: {  	s26 =	sadd.s32 $0xC880, s0;
	v11 =	vld [tilespmem:s21+$0x60];
	s3 =	sor.u32 s4, s1  }
0x2a4: {  	s5 =	sor.u32 $0x30, s4;
	s12 =	sor.u32 s4, s26;
	v13 =	vld [tilespmem:s3+$0x0]  }
0x2a5: {  	s2 =	sor.u32 s5, s1;
	v19 =	vld [tilespmem:s12+$0x0]  }
0x2a6: {  	s24 =	sor.u32 $0x10, s4;
	s28 =	sor.u32 s5, s26;
	v12 =	vld [tilespmem:s2+$0x0]  }
0x2a7: {  	s10 =	sadd.s32 $0xC900, s0;
	s30 =	sor.u32 s24, s1;
	v14 =	vld [tilespmem:s28+$0x0]  }
0x2a8: {  	s25 =	sor.u32 $0x20, s4;
	s31 =	sor.u32 s5, s10;
	v15 =	vld [tilespmem:s30+$0x0]  }
0x2a9: {  	s11 =	sadd.s32 $0xCA00, s0;
	s1 =	sor.u32 s25, s1;
	v16 =	vld [tilespmem:s31+$0x0]  }
0x2aa: {  	s3 =	sadd.s32 $0xC980, s0;
	s13 =	sor.u32 s5, s11;
	v17 =	vld [tilespmem:s1+$0x0]  }
0x2ab: {  	s2 =	sor.u32 s5, s3;
	v20 =	vld [tilespmem:s13+$0x0];
	v12 =	vmul.f32 v12, v6  }
0x2ac: {  	s14 =	sor.u32 s24, s26;
	s12 =	sadd.s32 $0xCA80, s0;
	v18 =	vld [tilespmem:s2+$0x0]  }
0x2ad: {  	v21 =	vld [tilespmem:s14+$0x0];
	s15 =	sor.u32 s5, s12;
	v14 =	vmul.f32 v14, v8;
	v12 =	vadd.f32 v12, v11  }
0x2ae: {  	s1 =	sadd.s32 $0xCB00, s0;
	s28 =	sor.u32 s25, s10;
	v22 =	vld [tilespmem:s15+$0x0]  }
0x2af: {  	s0 =	sadd.s32 $0xCB80, s0;
	s16 =	sor.u32 s5, s1;
	v25 =	vld [tilespmem:s28+$0x0];
	v12 =	vadd.f32 v14, v12;
	v14 =	vmul.f32 v16, v9  }
0x2b0: {  	s18 =	sor.u32 s5, s0;
	v23 =	vld [tilespmem:s16+$0x0];
	v13 =	vmul.f32 v13, v6  }
0x2b1: {  	s6 =	sor.u32 s25, s26;
	v24 =	vld [tilespmem:s18+$0x0];
	v12 =	vadd.f32 v14, v12;
	v14 =	vmul.f32 v18, v10  }
0x2b2: {  	s17 =	sor.u32 s4, s10;
	v19 =	vmul.f32 v19, v8;
	v13 =	vadd.f32 v13, v11;
	v16 =	vld [tilespmem:s6+$0x0]  }
0x2b3: {  	s26 =	sor.u32 s24, s10;
	v18 =	vld [tilespmem:s17+$0x0];
	v12 =	vadd.f32 v14, v12;
	v14 =	vmul.f32 v20, v7  }
0x2b4: {  	s31 =	sor.u32 s24, s3;
	v15 =	vmul.f32 v15, v6;
	v17 =	vmul.f32 v17, v6;
	v13 =	vadd.f32 v19, v13;
	v20 =	vld [tilespmem:s26+$0x0]  }
0x2b5: {  	s30 =	sor.u32 s4, s3;
	v19 =	vmul.f32 v21, v8;
	v21 =	vld [tilespmem:s31+$0x0];
	v12 =	vadd.f32 v14, v12;
	v14 =	vmul.f32 v22, v5  }
0x2b6: {  	s3 =	sor.u32 s25, s3;
	v15 =	vadd.f32 v15, v11;
	v17 =	vadd.f32 v17, v11;
	v22 =	vld [tilespmem:s30+$0x0]  }
0x2b7: {  	s10 =	sor.u32 s4, s11;
	v16 =	vmul.f32 v16, v8;
	v12 =	vadd.f32 v14, v12;
	v14 =	vmul.f32 v23, v4;
	v23 =	vld [tilespmem:s3+$0x0]  }
0x2b8: {  	s13 =	sor.u32 s24, s11;
	v15 =	vadd.f32 v19, v15;
	v19 =	vld [tilespmem:s10+$0x0];
	v18 =	vmul.f32 v18, v9  }
0x2b9: {  	s14 =	sor.u32 s25, s11;
	s15 =	sor.u32 s4, s12;
	v26 =	vld [tilespmem:s13+$0x0];
	v24 =	vmul.f32 v24, v3;
	v16 =	vadd.f32 v16, v17;
	v20 =	vmul.f32 v20, v9  }
0x2ba: {  	s28 =	sor.u32 s4, s1;
	s16 =	sor.u32 s24, s12;
	s26 =	simm.s32 $0x0;
	v17 =	vadd.f32 v18, v13;
	v18 =	vmul.f32 v25, v9;
	v14 =	vadd.f32 v14, v12;
	v12 =	vld [tilespmem:s14+$0x0]  }
0x2bb: {  	s18 =	sor.u32 s25, s12;
	s12 =	sor.u32 s24, s1;
	v21 =	vmul.f32 v21, v10;
	s11 =	sand.u32 $0x3FFFFE00, s26;
	v13 =	vld [tilespmem:s15+$0x0];
	v22 =	vmul.f32 v22, v10;
	v63 =	vadd.f32 v20, v15  }
0x2bc: {  	s6 =	sor.u32 s25, s0;
	s17 =	sor.u32 s4, s0;
	s30 =	sadd.s32 $0x12800, s11;
	v18 =	vadd.f32 v18, v16;
	v24 =	vadd.f32 v24, v14;
	v14 =	vld [tilespmem:s16+$0x0];
	v23 =	vmul.f32 v23, v10  }
0x2bd: {  	s31 =	sor.u32 s5, s30;
	s5 =	sor.u32 s4, s30;
	s4 =	sor.u32 s24, s30;
	v20 =	vmul.f32 v19, v7;
	v15 =	vld [tilespmem:s18+$0x0];
	v17 =	vadd.f32 v22, v17  }
0x2be: {  	s29 =	sor.u32 s25, s30;
	s14 =	sor.u32 s25, s1;
	v16 =	vld [tilespmem:s28+$0x0];
	s16 =	sor.u32 s24, s0;
	v19 =	vadd.f32 v21, v63;
	v21 =	vmul.f32 v26, v7;
	[tilespmem:s31+$0x100] =	vst v24;
	v18 =	vadd.f32 v23, v18  }
.LBB2_15:
0x2bf: {  	s23 =	sadd.s32 $0x40, s23;
	v17 =	vadd.f32 v20, v17;
	v20 =	vld [tilespmem:s12+$0x0];
	v12 =	vmul.f32 v12, v7  }
0x2c0: {  	s0 =	sshll.u32 s23, $0x3;
	p1 =	slt.u32 s23, $0x3C0;
	v13 =	vmul.f32 v13, v5;
	v19 =	vadd.f32 v21, v19;
	v21 =	vld [tilespmem:s14+$0x0]  }
0x2c1: {  	s24 =	sand.u32 $0x40, s23;
	s14 =	sand.u32 $0x3FFFFC00, s0;
	v22 =	vld [tilespmem:s17+$0x0];
	v14 =	vmul.f32 v14, v5;
	v12 =	vadd.f32 v12, v18  }
0x2c2: {  	s26 =	sor.u32 $0x10, s24;
	s25 =	sor.u32 $0x30, s24;
	s0 =	sadd.s32 $0xC800, s14;
	v13 =	vadd.f32 v13, v17;
	v17 =	vld [tilespmem:s16+$0x0];
	v15 =	vmul.f32 v15, v5  }
0x2c3: {  	s28 =	sor.u32 $0x20, s24;
	s1 =	sor.u32 s24, s0;
	s2 =	sor.u32 s25, s0;
	v16 =	vmul.f32 v16, v4;
	v14 =	vadd.f32 v14, v19;
	v18 =	vld [tilespmem:s6+$0x0]  }
0x2c4: {  	s3 =	sadd.s32 $0xC880, s14;
	s10 =	sor.u32 s26, s0;
	s11 =	sor.u32 s28, s0;
	v19 =	vld [tilespmem:s2+$0x0];
	v20 =	vmul.f32 v20, v4;
	v12 =	vadd.f32 v15, v12  }
0x2c5: {  	s12 =	sor.u32 s24, s3;
	s15 =	sor.u32 s26, s3;
	s0 =	sor.u32 s25, s3;
	v15 =	vld [tilespmem:s1+$0x0];
	v13 =	vadd.f32 v16, v13;
	v16 =	vmul.f32 v21, v4  }
0x2c6: {  	s3 =	sor.u32 s28, s3;
	s1 =	sadd.s32 $0xC900, s14;
	v21 =	vld [tilespmem:s0+$0x0];
	v22 =	vmul.f32 v22, v3;
	v14 =	vadd.f32 v20, v14  }
0x2c7: {  	s6 =	sor.u32 s24, s1;
	s2 =	sor.u32 s26, s1;
	s0 =	sor.u32 s25, s1;
	v20 =	vld [tilespmem:s10+$0x0];
	v17 =	vmul.f32 v17, v3;
	v12 =	vadd.f32 v16, v12  }
0x2c8: {  	s13 =	sadd.s32 $0xC980, s14;
	s10 =	sor.u32 s28, s1;
	v16 =	vld [tilespmem:s0+$0x0];
	v13 =	vadd.f32 v22, v13;
	v18 =	vmul.f32 v18, v3  }
0x2c9: {  	s1 =	sor.u32 s26, s13;
	s0 =	sor.u32 s24, s13;
	v22 =	vld [tilespmem:s11+$0x0];
	v19 =	vmul.f32 v19, v6;
	s11 =	sor.u32 s25, s13;
	v14 =	vadd.f32 v17, v14  }
0x2ca: {  	s16 =	sadd.s32 $0xCA00, s14;
	s30 =	sor.u32 s28, s13;
	v15 =	vmul.f32 v15, v6;
	v17 =	vld [tilespmem:s11+$0x0];
	[tilespmem:s5+$0x100] =	vst v13;
	v12 =	vadd.f32 v18, v12  }
0x2cb: {  	s13 =	sor.u32 s24, s16;
	s5 =	sor.u32 s26, s16;
	s11 =	sor.u32 s25, s16;
	v13 =	vld [tilespmem:s12+$0x0];
	v18 =	vadd.f32 v19, v11;
	v19 =	vmul.f32 v21, v8;
	[tilespmem:s4+$0x100] =	vst v14  }
0x2cc: {  	s31 =	sor.u32 s28, s16;
	s4 =	sadd.s32 $0xCA80, s14;
	v14 =	vadd.f32 v15, v11;
	v15 =	vmul.f32 v20, v6;
	v20 =	vld [tilespmem:s11+$0x0];
	[tilespmem:s29+$0x100] =	vst v12  }
0x2cd: {  	s29 =	sor.u32 s24, s4;
	s18 =	sor.u32 s26, s4;
	s11 =	sor.u32 s25, s4;
	v12 =	vld [tilespmem:s15+$0x0];
	v18 =	vadd.f32 v19, v18;
	v16 =	vmul.f32 v16, v9  }
0x2ce: {  	s16 =	sadd.s32 $0xCB00, s14;
	s15 =	sor.u32 s28, s4;
	v15 =	vadd.f32 v15, v11;
	v19 =	vmul.f32 v22, v6;
	v21 =	vld [tilespmem:s11+$0x0]  }
0x2cf: {  	s12 =	sor.u32 s26, s16;
	s11 =	sor.u32 s24, s16;
	v22 =	vld [tilespmem:s3+$0x0];
	v16 =	vadd.f32 v16, v18;
	v17 =	vmul.f32 v17, v10;
	s3 =	sor.u32 s25, s16  }
0x2d0: {  	s4 =	sadd.s32 $0xCB80, s14;
	s14 =	sor.u32 s28, s16;
	v13 =	vmul.f32 v13, v8;
	v18 =	vadd.f32 v19, v11;
	v19 =	vld [tilespmem:s3+$0x0]  }
0x2d1: {  	s17 =	sor.u32 s24, s4;
	s16 =	sor.u32 s26, s4;
	s3 =	sor.u32 s25, s4;
	v23 =	vld [tilespmem:s6+$0x0];
	v16 =	vadd.f32 v17, v16;
	v17 =	vmul.f32 v20, v7  }
0x2d2: {  	s6 =	sor.u32 s28, s4;
	v13 =	vadd.f32 v13, v14;
	v12 =	vmul.f32 v12, v8;
	v14 =	vld [tilespmem:s3+$0x0]  }
0x2d3: {  	v20 =	vld [tilespmem:s2+$0x0];
	v16 =	vadd.f32 v17, v16;
	v17 =	vmul.f32 v21, v5  }
0x2d4: {  	v12 =	vadd.f32 v12, v15;
	v15 =	vmul.f32 v22, v8;
	v21 =	vld [tilespmem:s10+$0x0]  }
0x2d5: {  	v22 =	vld [tilespmem:s0+$0x0];
	v16 =	vadd.f32 v17, v16;
	v17 =	vmul.f32 v19, v4  }
0x2d6: {  	s0 =	sshll.u32 s23, $0x2;
	v19 =	vmul.f32 v23, v9;
	v23 =	vld [tilespmem:s1+$0x0];
	v15 =	vadd.f32 v15, v18  }
0x2d7: {  	s0 =	sand.u32 $0x3FFFFE00, s0;
	v18 =	vld [tilespmem:s30+$0x0];
	v16 =	vadd.f32 v17, v16;
	v14 =	vmul.f32 v14, v3  }
0x2d8: {  	s0 =	sadd.s32 $0x12800, s0;
	v17 =	vadd.f32 v19, v13;
	v19 =	vld [tilespmem:s13+$0x0];
	v13 =	vmul.f32 v20, v9  }
0x2d9: {  	s4 =	sor.u32 s26, s0;
	v24 =	vld [tilespmem:s5+$0x0];
	v20 =	vmul.f32 v21, v9;
	v14 =	vadd.f32 v14, v16  }
.Ltmp6:
0x2da: {  	s1 =	sor.u32 s25, s0;
	s5 =	sor.u32 s24, s0;
	v16 =	vmul.f32 v22, v10;
	v21 =	vadd.f32 v13, v12;
	v12 =	vld [tilespmem:s31+$0x0];
	(pc) =	sbr.rel @p1 .LBB2_15-.Ltmp6, $4  }
0x2db: {  	v13 =	vld [tilespmem:s29+$0x0];
	v22 =	vmul.f32 v23, v10;
	v23 =	vadd.f32 v20, v15;
	s29 =	sor.u32 s28, s0;
	[tilespmem:s1+$0x100] =	vst v14  }
0x2dc: {  	v17 =	vadd.f32 v16, v17;
	v14 =	vld [tilespmem:s18+$0x0];
	v18 =	vmul.f32 v18, v10  }
0x2dd: {  	v20 =	vmul.f32 v19, v7;
	v19 =	vadd.f32 v22, v21;
	v15 =	vld [tilespmem:s15+$0x0]  }
0x2de: {  	v16 =	vld [tilespmem:s11+$0x0];
	v21 =	vmul.f32 v24, v7;
	v18 =	vadd.f32 v18, v23  }
0x2df: {  	v6 =	vld [tilespmem:s12+$0x0]  }
0x2e0: {  	v8 =	vld [tilespmem:s14+$0x0]  }
0x2e1: {  	v7 =	vmul.f32 v12, v7;
	v9 =	vld [tilespmem:s17+$0x0]  }
0x2e2: {  	v10 =	vadd.f32 v20, v17;
	v11 =	vmul.f32 v13, v5;
	v12 =	vadd.f32 v21, v19;
	v13 =	vld [tilespmem:s16+$0x0]  }
0x2e3: {  	v14 =	vmul.f32 v14, v5;
	v7 =	vadd.f32 v7, v18;
	v5 =	vmul.f32 v15, v5;
	v15 =	vld [tilespmem:s6+$0x0]  }
0x2e4: {  	v10 =	vadd.f32 v11, v10;
	v11 =	vmul.f32 v16, v4  }
0x2e5: {  	v12 =	vadd.f32 v14, v12;
	v6 =	vmul.f32 v6, v4;
	v5 =	vadd.f32 v5, v7  }
0x2e6: {  	v4 =	vmul.f32 v8, v4;
	v8 =	vmul.f32 v9, v3;
	v7 =	vadd.f32 v11, v10  }
0x2e7: {  	v9 =	vmul.f32 v13, v3;
	v6 =	vadd.f32 v6, v12  }
0x2e8: {  	v4 =	vadd.f32 v4, v5;
	v5 =	vadd.f32 v8, v7;
	v3 =	vmul.f32 v15, v3  }
0x2e9: {  	v6 =	vadd.f32 v9, v6  }
0x2ea: {  	[tilespmem:s5+$0x100] =	vst v5;
	v3 =	vadd.f32 v3, v4  }
0x2eb: {  	[tilespmem:s4+$0x100] =	vst v6  }
0x2ec: {  	[tilespmem:s29+$0x100] =	vst v3  }
0x2ed: {  	v6 =	vld [tilespmem:s20+$0x13B80]  }
0x2ee: {  	v8 =	vld [tilespmem:s20+$0x13B90]  }
0x2ef: {  	v9 =	vld [tilespmem:s20+$0x13BA0]  }
0x2f0: {  	v10 =	vld [tilespmem:s20+$0x13BB0]  }
0x2f1: {  	v7 =	vld [tilespmem:s20+$0x13BC0]  }
0x2f2: {  	s0 =	simm.s32 $0x0;
	v5 =	vld [tilespmem:s20+$0x13BD0]  }
0x2f3: {  	s23 =	simm.s32 $0x0;
	s0 =	sand.u32 $0x3FFFFC00, s0;
	v4 =	vld [tilespmem:s20+$0x13BE0]  }
0x2f4: {  	s1 =	sadd.s32 $0xE800, s0;
	s4 =	sand.u32 $0x40, s23;
	v3 =	vld [tilespmem:s20+$0x13BF0]  }
0x2f5: {  	s31 =	sadd.s32 $0xE880, s0;
	s3 =	sor.u32 s4, s1;
	v11 =	vld [tilespmem:s21+$0x70]  }
0x2f6: {  	s5 =	sor.u32 $0x30, s4;
	s18 =	sor.u32 s4, s31;
	v13 =	vld [tilespmem:s3+$0x0]  }
0x2f7: {  	s2 =	sor.u32 s5, s1;
	v19 =	vld [tilespmem:s18+$0x0]  }
0x2f8: {  	s10 =	sadd.s32 $0xE900, s0;
	s13 =	sor.u32 s5, s31;
	v12 =	vld [tilespmem:s2+$0x0]  }
0x2f9: {  	s16 =	sadd.s32 $0xE980, s0;
	s15 =	sor.u32 s5, s10;
	v14 =	vld [tilespmem:s13+$0x0]  }
0x2fa: {  	s11 =	sadd.s32 $0xEA00, s0;
	s17 =	sor.u32 s5, s16;
	v16 =	vld [tilespmem:s15+$0x0]  }
0x2fb: {  	s12 =	sadd.s32 $0xEA80, s0;
	s24 =	sor.u32 s5, s11;
	v18 =	vld [tilespmem:s17+$0x0]  }
0x2fc: {  	s20 =	sor.u32 $0x10, s4;
	s26 =	sor.u32 s5, s12;
	v20 =	vld [tilespmem:s24+$0x0]  }
0x2fd: {  	s21 =	sor.u32 $0x20, s4;
	s14 =	sor.u32 s20, s1;
	v22 =	vld [tilespmem:s26+$0x0];
	v12 =	vmul.f32 v12, v6  }
0x2fe: {  	s1 =	sor.u32 s21, s1;
	v15 =	vld [tilespmem:s14+$0x0]  }
0x2ff: {  	s25 =	sor.u32 s20, s31;
	v17 =	vld [tilespmem:s1+$0x0];
	v14 =	vmul.f32 v14, v8;
	v12 =	vadd.f32 v12, v11  }
0x300: {  	s13 =	sor.u32 s21, s10;
	v21 =	vld [tilespmem:s25+$0x0];
	s1 =	sadd.s32 $0xEB00, s0  }
0x301: {  	s0 =	sadd.s32 $0xEB80, s0;
	v25 =	vld [tilespmem:s13+$0x0];
	s28 =	sor.u32 s5, s1;
	v12 =	vadd.f32 v14, v12;
	v14 =	vmul.f32 v16, v9  }
0x302: {  	s30 =	sor.u32 s5, s0;
	v23 =	vld [tilespmem:s28+$0x0];
	v13 =	vmul.f32 v13, v6  }
0x303: {  	s6 =	sor.u32 s21, s31;
	v24 =	vld [tilespmem:s30+$0x0];
	v12 =	vadd.f32 v14, v12;
	v14 =	vmul.f32 v18, v10  }
0x304: {  	s29 =	sor.u32 s4, s10;
	v19 =	vmul.f32 v19, v8;
	v13 =	vadd.f32 v13, v11;
	v16 =	vld [tilespmem:s6+$0x0]  }
0x305: {  	s31 =	sor.u32 s20, s10;
	v18 =	vld [tilespmem:s29+$0x0];
	v12 =	vadd.f32 v14, v12;
	v14 =	vmul.f32 v20, v7  }
0x306: {  	s15 =	sor.u32 s20, s16;
	v15 =	vmul.f32 v15, v6;
	v17 =	vmul.f32 v17, v6;
	v13 =	vadd.f32 v19, v13;
	v20 =	vld [tilespmem:s31+$0x0]  }
0x307: {  	s14 =	sor.u32 s4, s16;
	v19 =	vmul.f32 v21, v8;
	v21 =	vld [tilespmem:s15+$0x0];
	v12 =	vadd.f32 v14, v12;
	v14 =	vmul.f32 v22, v5  }
0x308: {  	s3 =	sor.u32 s21, s16;
	v15 =	vadd.f32 v15, v11;
	v17 =	vadd.f32 v17, v11;
	v22 =	vld [tilespmem:s14+$0x0]  }
0x309: {  	s16 =	sor.u32 s4, s11;
	v16 =	vmul.f32 v16, v8;
	v12 =	vadd.f32 v14, v12;
	v14 =	vmul.f32 v23, v4;
	v23 =	vld [tilespmem:s3+$0x0]  }
0x30a: {  	s17 =	sor.u32 s20, s11;
	v15 =	vadd.f32 v19, v15;
	v19 =	vld [tilespmem:s16+$0x0];
	v18 =	vmul.f32 v18, v9  }
0x30b: {  	s18 =	sor.u32 s21, s11;
	s24 =	sor.u32 s4, s12;
	v26 =	vld [tilespmem:s17+$0x0];
	v24 =	vmul.f32 v24, v3;
	v16 =	vadd.f32 v16, v17;
	v20 =	vmul.f32 v20, v9  }
0x30c: {  	s26 =	sor.u32 s21, s12;
	s25 =	sor.u32 s20, s12;
	s28 =	simm.s32 $0x0;
	v17 =	vadd.f32 v18, v13;
	v18 =	vmul.f32 v25, v9;
	v14 =	vadd.f32 v14, v12;
	v12 =	vld [tilespmem:s18+$0x0]  }
0x30d: {  	s12 =	sor.u32 s20, s1;
	s17 =	sor.u32 s4, s0;
	s11 =	sand.u32 $0x3FFFFE00, s28;
	v21 =	vmul.f32 v21, v10;
	v13 =	vld [tilespmem:s24+$0x0];
	v22 =	vmul.f32 v22, v10;
	v63 =	vadd.f32 v20, v15  }
0x30e: {  	s30 =	sadd.s32 $0x12800, s11;
	s6 =	sor.u32 s21, s0;
	s16 =	sor.u32 s20, s0;
	v18 =	vadd.f32 v18, v16;
	v24 =	vadd.f32 v24, v14;
	v14 =	vld [tilespmem:s25+$0x0];
	v23 =	vmul.f32 v23, v10  }
0x30f: {  	s29 =	sor.u32 s4, s1;
	s31 =	sor.u32 s5, s30;
	s5 =	sor.u32 s4, s30;
	v20 =	vmul.f32 v19, v7;
	v15 =	vld [tilespmem:s26+$0x0];
	v17 =	vadd.f32 v22, v17  }
0x310: {  	s4 =	sor.u32 s20, s30;
	s14 =	sor.u32 s21, s1;
	s26 =	sor.u32 s21, s30;
	v16 =	vld [tilespmem:s29+$0x0];
	v19 =	vadd.f32 v21, v63;
	v21 =	vmul.f32 v26, v7;
	[tilespmem:s31+$0x180] =	vst v24;
	v18 =	vadd.f32 v23, v18  }
.LBB2_17:
0x311: {  	s23 =	sadd.s32 $0x40, s23;
	v17 =	vadd.f32 v20, v17;
	v20 =	vld [tilespmem:s12+$0x0];
	v12 =	vmul.f32 v12, v7  }
0x312: {  	s0 =	sshll.u32 s23, $0x3;
	p1 =	slt.u32 s23, $0x3C0;
	v13 =	vmul.f32 v13, v5;
	v19 =	vadd.f32 v21, v19;
	v21 =	vld [tilespmem:s14+$0x0]  }
0x313: {  	s20 =	sand.u32 $0x40, s23;
	s14 =	sand.u32 $0x3FFFFC00, s0;
	v22 =	vld [tilespmem:s17+$0x0];
	v14 =	vmul.f32 v14, v5;
	v12 =	vadd.f32 v12, v18  }
0x314: {  	s24 =	sor.u32 $0x10, s20;
	s21 =	sor.u32 $0x30, s20;
	s0 =	sadd.s32 $0xE800, s14;
	v13 =	vadd.f32 v13, v17;
	v17 =	vld [tilespmem:s16+$0x0];
	v15 =	vmul.f32 v15, v5  }
0x315: {  	s25 =	sor.u32 $0x20, s20;
	s1 =	sor.u32 s20, s0;
	s2 =	sor.u32 s21, s0;
	v16 =	vmul.f32 v16, v4;
	v14 =	vadd.f32 v14, v19;
	v18 =	vld [tilespmem:s6+$0x0]  }
0x316: {  	s3 =	sadd.s32 $0xE880, s14;
	s10 =	sor.u32 s24, s0;
	s11 =	sor.u32 s25, s0;
	v19 =	vld [tilespmem:s2+$0x0];
	v20 =	vmul.f32 v20, v4;
	v12 =	vadd.f32 v15, v12  }
0x317: {  	s12 =	sor.u32 s20, s3;
	s15 =	sor.u32 s24, s3;
	s0 =	sor.u32 s21, s3;
	v15 =	vld [tilespmem:s1+$0x0];
	v13 =	vadd.f32 v16, v13;
	v16 =	vmul.f32 v21, v4  }
0x318: {  	s3 =	sor.u32 s25, s3;
	s1 =	sadd.s32 $0xE900, s14;
	v21 =	vld [tilespmem:s0+$0x0];
	v22 =	vmul.f32 v22, v3;
	v14 =	vadd.f32 v20, v14  }
0x319: {  	s6 =	sor.u32 s20, s1;
	s2 =	sor.u32 s24, s1;
	s0 =	sor.u32 s21, s1;
	v20 =	vld [tilespmem:s10+$0x0];
	v17 =	vmul.f32 v17, v3;
	v12 =	vadd.f32 v16, v12  }
0x31a: {  	s13 =	sadd.s32 $0xE980, s14;
	s10 =	sor.u32 s25, s1;
	v16 =	vld [tilespmem:s0+$0x0];
	v13 =	vadd.f32 v22, v13;
	v18 =	vmul.f32 v18, v3  }
0x31b: {  	s1 =	sor.u32 s24, s13;
	s0 =	sor.u32 s20, s13;
	v22 =	vld [tilespmem:s11+$0x0];
	v19 =	vmul.f32 v19, v6;
	s11 =	sor.u32 s21, s13;
	v14 =	vadd.f32 v17, v14  }
0x31c: {  	s16 =	sadd.s32 $0xEA00, s14;
	s29 =	sor.u32 s25, s13;
	v15 =	vmul.f32 v15, v6;
	v17 =	vld [tilespmem:s11+$0x0];
	[tilespmem:s5+$0x180] =	vst v13;
	v12 =	vadd.f32 v18, v12  }
0x31d: {  	s13 =	sor.u32 s20, s16;
	s5 =	sor.u32 s24, s16;
	s11 =	sor.u32 s21, s16;
	v13 =	vld [tilespmem:s12+$0x0];
	v18 =	vadd.f32 v19, v11;
	v19 =	vmul.f32 v21, v8;
	[tilespmem:s4+$0x180] =	vst v14  }
0x31e: {  	s28 =	sor.u32 s25, s16;
	s4 =	sadd.s32 $0xEA80, s14;
	v14 =	vadd.f32 v15, v11;
	v15 =	vmul.f32 v20, v6;
	v20 =	vld [tilespmem:s11+$0x0];
	[tilespmem:s26+$0x180] =	vst v12  }
0x31f: {  	s26 =	sor.u32 s20, s4;
	s18 =	sor.u32 s24, s4;
	s11 =	sor.u32 s21, s4;
	v12 =	vld [tilespmem:s15+$0x0];
	v18 =	vadd.f32 v19, v18;
	v16 =	vmul.f32 v16, v9  }
0x320: {  	s16 =	sadd.s32 $0xEB00, s14;
	s15 =	sor.u32 s25, s4;
	v15 =	vadd.f32 v15, v11;
	v19 =	vmul.f32 v22, v6;
	v21 =	vld [tilespmem:s11+$0x0]  }
0x321: {  	s12 =	sor.u32 s24, s16;
	s11 =	sor.u32 s20, s16;
	v22 =	vld [tilespmem:s3+$0x0];
	v16 =	vadd.f32 v16, v18;
	v17 =	vmul.f32 v17, v10;
	s3 =	sor.u32 s21, s16  }
0x322: {  	s4 =	sadd.s32 $0xEB80, s14;
	s14 =	sor.u32 s25, s16;
	v13 =	vmul.f32 v13, v8;
	v18 =	vadd.f32 v19, v11;
	v19 =	vld [tilespmem:s3+$0x0]  }
0x323: {  	s17 =	sor.u32 s20, s4;
	s16 =	sor.u32 s24, s4;
	s3 =	sor.u32 s21, s4;
	v23 =	vld [tilespmem:s6+$0x0];
	v16 =	vadd.f32 v17, v16;
	v17 =	vmul.f32 v20, v7  }
0x324: {  	s6 =	sor.u32 s25, s4;
	v13 =	vadd.f32 v13, v14;
	v12 =	vmul.f32 v12, v8;
	v14 =	vld [tilespmem:s3+$0x0]  }
0x325: {  	v20 =	vld [tilespmem:s2+$0x0];
	v16 =	vadd.f32 v17, v16;
	v17 =	vmul.f32 v21, v5  }
0x326: {  	v12 =	vadd.f32 v12, v15;
	v15 =	vmul.f32 v22, v8;
	v21 =	vld [tilespmem:s10+$0x0]  }
0x327: {  	v22 =	vld [tilespmem:s0+$0x0];
	v16 =	vadd.f32 v17, v16;
	v17 =	vmul.f32 v19, v4  }
0x328: {  	s0 =	sshll.u32 s23, $0x2;
	v19 =	vmul.f32 v23, v9;
	v23 =	vld [tilespmem:s1+$0x0];
	v15 =	vadd.f32 v15, v18  }
0x329: {  	s0 =	sand.u32 $0x3FFFFE00, s0;
	v18 =	vld [tilespmem:s29+$0x0];
	v16 =	vadd.f32 v17, v16;
	v14 =	vmul.f32 v14, v3  }
0x32a: {  	s0 =	sadd.s32 $0x12800, s0;
	v17 =	vadd.f32 v19, v13;
	v19 =	vld [tilespmem:s13+$0x0];
	v13 =	vmul.f32 v20, v9  }
0x32b: {  	s4 =	sor.u32 s24, s0;
	v24 =	vld [tilespmem:s5+$0x0];
	v20 =	vmul.f32 v21, v9;
	v14 =	vadd.f32 v14, v16  }
.Ltmp7:
0x32c: {  	s1 =	sor.u32 s21, s0;
	s5 =	sor.u32 s20, s0;
	v16 =	vmul.f32 v22, v10;
	v21 =	vadd.f32 v13, v12;
	v12 =	vld [tilespmem:s28+$0x0];
	(pc) =	sbr.rel @p1 .LBB2_17-.Ltmp7, $4  }
0x32d: {  	v13 =	vld [tilespmem:s26+$0x0];
	v22 =	vmul.f32 v23, v10;
	v23 =	vadd.f32 v20, v15;
	s26 =	sor.u32 s25, s0;
	[tilespmem:s1+$0x180] =	vst v14  }
0x32e: {  	v17 =	vadd.f32 v16, v17;
	v14 =	vld [tilespmem:s18+$0x0];
	v18 =	vmul.f32 v18, v10  }
0x32f: {  	v20 =	vmul.f32 v19, v7;
	v19 =	vadd.f32 v22, v21;
	v15 =	vld [tilespmem:s15+$0x0]  }
0x330: {  	v16 =	vld [tilespmem:s11+$0x0];
	v21 =	vmul.f32 v24, v7;
	v18 =	vadd.f32 v18, v23  }
0x331: {  	v6 =	vld [tilespmem:s12+$0x0]  }
0x332: {  	v8 =	vld [tilespmem:s14+$0x0]  }
0x333: {  	v7 =	vmul.f32 v12, v7;
	v9 =	vld [tilespmem:s17+$0x0]  }
0x334: {  	v10 =	vadd.f32 v20, v17;
	v55 =	vld [tilespmem:s16+$0x0];
	v11 =	vmul.f32 v13, v5;
	v54 =	vadd.f32 v21, v19  }
0x335: {  	v57 =	vld [tilespmem:s6+$0x0];
	v7 =	vadd.f32 v7, v18;
	v14 =	vmul.f32 v14, v5;
	v56 =	vmul.f32 v15, v5  }
0x336: {  	v10 =	vadd.f32 v11, v10;
	v58 =	vmul.f32 v16, v4  }
0x337: {  	v12 =	vadd.f32 v14, v54;
	v6 =	vmul.f32 v6, v4;
	v5 =	vadd.f32 v56, v7  }
0x338: {  	v60 =	vmul.f32 v8, v4;
	v61 =	vmul.f32 v9, v3;
	v59 =	vadd.f32 v58, v10  }
0x339: {  	v62 =	vmul.f32 v55, v3;
	v6 =	vadd.f32 v6, v12  }
0x33a: {  	v3 =	vmul.f32 v57, v3;
	v4 =	vadd.f32 v60, v5;
	v63 =	vadd.f32 v61, v59  }
0x33b: {  	v6 =	vadd.f32 v62, v6  }
0x33c: {  	v3 =	vadd.f32 v3, v4;
	[tilespmem:s5+$0x180] =	vst v63  }
0x33d: {  	[tilespmem:s4+$0x180] =	vst v6  }
0x33e: {  	s0 =	sshrl.u32 @!p0 s22, $0x2;
	[tilespmem:s26+$0x180] =	vst v3  }
0x33f: {  	v3 =	vld @!p0 [tilespmem:s0+$0x10980];
	_ =	sdelay $0x4  }
0x340: {  	v4 =	vshll.u32 @!p0 v3, $0x3  }
0x341: {  	v5 =	vlaneseq.u32 @!p0;
	v3 =	vand.u32 @!p0 $0x7, v3;
	v4 =	vand.u32 @!p0 $0xFFFFFFC0, v4  }
0x342: {  	v6 =	vshrl.u32 @!p0 v5, $0x3;
	v3 =	vor.u32 @!p0 v3, v4;
	v4 =	vand.u32 @!p0 $0x7, v5  }
0x343: {  	v6 =	vmul.u32 @!p0 $0x8, v6;
	v7 =	vperm.xlane @!p0 v3, v4;
	_ =	sdelay $0x1  }
0x344: {  	v7 =	vadd.s32 @!p0 v6, v7;
	_ =	sdelay $0x3  }
0x345: {  	s1 =	simm.s32 @!p0 $0x0;
	s2 =	simm.s32 @!p0 $0x8800;
	s3 =	rddreg [dreg:$0x3]  }
0x346: {  	v5 =	vor.u32 @!p0 $0x8, v5;
	[tilespmem:s2], [sflag:$0x2] =	stream.indirect_vreg.gather @!p0 [hbm4b:s3+s1], $0x80, v7, vm1, $0xb8;
	[tilespmem:$0x17800] =	vst v63  }
0x347: {  	v3 =	vperm.xlane @!p0 v3, v5;
	s2 =	simm.s32 @!p0 $0x9000  }
0x348: {  	[tilespmem:s2], [sflag:$0x2] =	stream.indirect_vreg.gather @!p0 [hbm4b:s7+s1], $0x80, v7, vm1, $0xb8;
	[tilespmem:$0x17800] =	vst v63  }
0x349: {  	v3 =	vadd.s32 @!p0 v6, v3;
	s2 =	simm.s32 @!p0 $0x9800  }
0x34a: {  	[tilespmem:s2], [sflag:$0x2] =	stream.indirect_vreg.gather @!p0 [hbm4b:s8+s1], $0x80, v7, vm1, $0xb8;
	[tilespmem:$0x17800] =	vst v63  }
0x34b: {  	s2 =	simm.s32 @!p0 $0xA000  }
0x34c: {  	[tilespmem:s2], [sflag:$0x2] =	stream.indirect_vreg.gather @!p0 [hbm4b:s9+s1], $0x80, v7, vm1, $0xb8;
	[tilespmem:$0x17800] =	vst v63  }
0x34d: {  	s2 =	simm.s32 @!p0 $0xA800  }
0x34e: {  	[tilespmem:s2], [sflag:$0x2] =	stream.indirect_vreg.gather @!p0 [hbm4b:s3+s1], $0x80, v3, vm1, $0xb8;
	[tilespmem:$0x17800] =	vst v63  }
0x34f: {  	s2 =	simm.s32 @!p0 $0xB000  }
0x350: {  	[tilespmem:s2], [sflag:$0x2] =	stream.indirect_vreg.gather @!p0 [hbm4b:s7+s1], $0x80, v3, vm1, $0xb8;
	[tilespmem:$0x17800] =	vst v63  }
0x351: {  	s2 =	simm.s32 @!p0 $0xB800  }
0x352: {  	[tilespmem:s2], [sflag:$0x2] =	stream.indirect_vreg.gather @!p0 [hbm4b:s8+s1], $0x80, v3, vm1, $0xb8;
	[tilespmem:$0x17800] =	vst v63  }
0x353: {  	s2 =	simm.s32 @!p0 $0xC000  }
0x354: {  	[tilespmem:s2], [sflag:$0x2] =	stream.indirect_vreg.gather @!p0 [hbm4b:s9+s1], $0x80, v3, vm1, $0xb8;
	[tilespmem:$0x17800] =	vst v63  }
0x355: {  	v3 =	vld @!p0 [tilespmem:s0+$0x10990];
	_ =	sdelay $0x4  }
0x356: {  	v7 =	vshll.u32 @!p0 v3, $0x3  }
0x357: {  	v3 =	vand.u32 @!p0 $0x7, v3;
	v7 =	vand.u32 @!p0 $0xFFFFFFC0, v7  }
0x358: {  	v3 =	vor.u32 @!p0 v3, v7  }
0x359: {  	v4 =	vperm.xlane @!p0 v3, v4;
	_ =	sdelay $0x1  }
0x35a: {  	v4 =	vadd.s32 @!p0 v6, v4;
	_ =	sdelay $0x3  }
0x35b: {  	s0 =	simm.s32 @!p0 $0xC800  }
0x35c: {  	[tilespmem:s0], [sflag:$0x2] =	stream.indirect_vreg.gather @!p0 [hbm4b:s3+s1], $0x80, v4, vm1, $0xb8;
	[tilespmem:$0x17800] =	vst v63  }
0x35d: {  	v3 =	vperm.xlane @!p0 v3, v5;
	s0 =	simm.s32 @!p0 $0xD000  }
0x35e: {  	[tilespmem:s0], [sflag:$0x2] =	stream.indirect_vreg.gather @!p0 [hbm4b:s7+s1], $0x80, v4, vm1, $0xb8;
	[tilespmem:$0x17800] =	vst v63  }
0x35f: {  	v3 =	vadd.s32 @!p0 v6, v3;
	s0 =	simm.s32 @!p0 $0xD800  }
0x360: {  	[tilespmem:s0], [sflag:$0x2] =	stream.indirect_vreg.gather @!p0 [hbm4b:s8+s1], $0x80, v4, vm1, $0xb8;
	[tilespmem:$0x17800] =	vst v63  }
0x361: {  	s0 =	simm.s32 @!p0 $0xE000  }
0x362: {  	[tilespmem:s0], [sflag:$0x2] =	stream.indirect_vreg.gather @!p0 [hbm4b:s9+s1], $0x80, v4, vm1, $0xb8;
	[tilespmem:$0x17800] =	vst v63  }
0x363: {  	s0 =	simm.s32 @!p0 $0xE800  }
0x364: {  	[tilespmem:s0], [sflag:$0x2] =	stream.indirect_vreg.gather @!p0 [hbm4b:s3+s1], $0x80, v3, vm1, $0xb8;
	[tilespmem:$0x17800] =	vst v63  }
0x365: {  	s0 =	simm.s32 @!p0 $0xF000  }
0x366: {  	[tilespmem:s0], [sflag:$0x2] =	stream.indirect_vreg.gather @!p0 [hbm4b:s7+s1], $0x80, v3, vm1, $0xb8;
	[tilespmem:$0x17800] =	vst v63  }
0x367: {  	s0 =	simm.s32 @!p0 $0xF800  }
0x368: {  	[tilespmem:s0], [sflag:$0x2] =	stream.indirect_vreg.gather @!p0 [hbm4b:s8+s1], $0x80, v3, vm1, $0xb8;
	[tilespmem:$0x17800] =	vst v63  }
0x369: {  	s19 =	sadd.s32 $0x1, s19;
	s0 =	simm.s32 @!p0 $0x10000  }
0x36a: {  	[tilespmem:s0], [sflag:$0x2] =	stream.indirect_vreg.gather @!p0 [hbm4b:s9+s1], $0x80, v3, vm1, $0xb8;
	[tilespmem:$0x17800] =	vst v63  }
0x36b: {  	p0 =	sne.s32 s19, $0x10  }
.Ltmp8:
0x36c: {  	_ = 	snop;
	(pc) =	sbr.rel @p0 .LBB2_2-.Ltmp8, $4  }
0x36d: {  	_ = 	snop  }
0x36e: {  	s29 =	simm.s32 $0x200;
	s28 =	rddreg [dreg:$0x8]  }
0x36f: {  	s30 =	simm.s32 $0x400;
	s31 =	simm.s32 $0x12800;
	s0 =	sadd.s32 s22, s28  }
0x370: {  	[hbm4b:s0+s29] =	stream.strided.scatter [tilespmem:s31], [sflag:$0x4], $0x1000, s30, s29, $0x38;
	[tilespmem:$0x17800] =	vst v63  }
0x371: {  	s0 =	simm.s32 $0x3  }
0x372: {  	_ =	swait.ge [sflag:s0], $0x1000  }
0x373: {  	[sflag:s0] =	ssyncset.done $0x0  }
0x374: {  	s1 =	simm.s32 $0x4;
	[sflag:s0] =	ssyncadd.s32 $0xFFFFF000  }
0x375: {  	_ =	swait.ge [sflag:s1], $0x1000  }
0x376: {  	s2 =	rddreg [dreg:$0xa]  }
0x377: {  	s31 =	rddreg [dreg:$0x9];
	s2 =	sadd.s32 $0x1, s2  }
0x378: {  	p0 =	sne.s32 s2, s31  }
.Ltmp9:
0x379: {  	_ = 	snop;
	(pc) =	sbr.rel @p0 .LBB2_1-.Ltmp9, $3  }
0x37a: {  	_ =	sdelay $0x1  }
0x37b: {  	[sflag:s1] =	ssyncset.done $0x0  }
0x37c: {  	[sflag:s1] =	ssyncadd.s32 $0xFFFFF000  }
0x37d: {  	_ =	sfence.sel $0x180000  }
0x37e: {  	[bflag:$0x0] =	sbarrier.arrive $0xFFFF  }
0x37f: {  	_ =	strace $0x90000047  }
0x380: {  	s0 =	stileid.u32;
	[bflag:$0x2] =	sbarrier.arrive $0xFFFF  }
0x381: {  	p0 =	sne.s32 s0, $0x0;
	s0 =	rddreg [dreg:$0x2]  }
0x382: {  	s0 =	sadd.s32 @!p0 $0x100000, s0  }
0x383: {  	[sflag:s0] =	ssyncadd.tile.s32 @!p0 $0x1;
	_ =	shalt  }
.Lfunc_end2:
_tile_overlayer_lowered:
.L_overlay_start_2:
0x384: {  	(tag) =	ssettag $0x2  }
0x385: {  	s0 =	rddreg [dreg:$0x0];
	s2 =	stileid.u32  }
0x386: {  	s1 =	rddreg [dreg:$0x1];
	p0 =	sne.s32 s2, $0x0  }
0x387: {  	s3 =	rddreg [dreg:$0x2];
	[bflag:$0x3] =	sbarrier.arrive $0xFFFF;
	s2 =	simm.s32 @!p0 $0x1C05  }
0x388: {  	[timem:s3], [sflag:s2] =	dma.local @!p0 [hbm:s0], s1  }
0x389: {  	s0 =	simm.s32 @!p0 $0x5  }
0x38a: {  	_ =	swait.ge @!p0 [sflag:s0], s1  }
0x38b: {  	s1 =	ssub.s32 @!p0 $0x0, s1;
	[sflag:s0] =	ssyncset.done @!p0 $0x0  }
0x38c: {  	[sflag:s0] =	ssyncadd.s32 @!p0 s1  }
0x38d: {  	[bflag:$0x3] =	sbarrier.arrive $0xFFFF  }
0x38e: {  	_ =	shalt  }

</sc_bundles>
